<compile_context>
chip_gen: v7x
topology: tpu7x:2x2x1
jax: 0.10.2.dev20260603
libtpu: 0.0.44.dev20260713+nightly
codegen_flags: <defaults>
</compile_context>

<pallas_src>
import dataclasses
import functools

import jax
import jax.numpy as jnp
from jax import lax
from jax.experimental import pallas as pl
from jax.experimental.pallas import tpu as pltpu
from jax.experimental.pallas import tpu_sc as plsc

_UNROLLED_ITERS = 7
_MAX_EXTRA_ITERS = 24


def _sparsemax_block(x_ref, o_ref):
    x = x_ref[...]

    def feval(t):
        return jnp.sum(jnp.maximum(x - t, 0.0), axis=-1, keepdims=True) - 1.0

    def secant(t0, f0, t1, f1):
        denom = f1 - f0
        return jnp.where(denom < 0.0, t1 - f1 * (t1 - t0) / denom, t1)

    m = jnp.max(x, axis=-1, keepdims=True)
    t0 = m - 2.0
    f0 = feval(t0)
    t1 = m - 1.0
    f1 = feval(t1)
    for _ in range(_UNROLLED_ITERS):
        t2 = secant(t0, f0, t1, f1)
        t0, f0, t1, f1 = t1, f1, t2, feval(t2)

    def cond(carry):
        k = carry[0]
        changed = carry[5]
        return jnp.logical_and(k < _MAX_EXTRA_ITERS, changed)

    def body(carry):
        k, t0, f0, t1, f1, _ = carry
        t2 = secant(t0, f0, t1, f1)
        return k + 1, t1, f1, t2, feval(t2), jnp.any(t2 != t1)

    _, _, _, t1, _, _ = jax.lax.while_loop(
        cond, body, (0, t0, f0, t1, f1, jnp.bool_(True))
    )
    o_ref[...] = jnp.maximum(x - t1, 0.0)


_ROW_BLOCK = 8


_SC_LANES = 16
_SC_CORES = 2
_SC_SUBCORES = 16
_SC_WORKERS = _SC_CORES * _SC_SUBCORES


def _sc_sdiv(a, b):
    q = jnp.full((_SC_LANES,), a) / jnp.full((_SC_LANES,), b)
    return jnp.max(q)


_SC_UNROLL = 4


def _sc_row_sparsemax(row_v, out_v, smax_v, idx_ref, sup_ref, n_chunks):
    L = _SC_LANES
    n_sup = n_chunks // L
    zeros = jnp.zeros((L,), jnp.float32)
    ninf = jnp.full((L,), -jnp.inf, jnp.float32)

    def sup_body(j, gmax):
        base = j * (L * L)
        accs = [row_v[pl.ds(base + u * L, L)] for u in range(4)]
        for u in range(4, L, 4):
            for a in range(4):
                accs[a] = jnp.maximum(
                    accs[a], row_v[pl.ds(base + (u + a) * L, L)]
                )
        sm = jnp.maximum(
            jnp.maximum(accs[0], accs[1]), jnp.maximum(accs[2], accs[3])
        )
        smax_v[pl.ds(j * L, L)] = sm
        return jnp.maximum(gmax, sm)

    gmax = lax.fori_loop(0, n_sup, sup_body, ninf)
    tau0 = jnp.max(gmax) - 1.0

    nsup = 0
    for j in range(n_sup):
        anyc = jnp.any(smax_v[pl.ds(j * L, L)] > tau0)
        sup_ref[nsup] = j
        nsup = nsup + jnp.where(anyc, 1, 0)

    def chunk_screen(jj, nch):
        j = sup_ref[jj]

        def inner(u, nch):
            ci = j * L + u
            anyc = jnp.any(row_v[pl.ds(ci * L, L)] > tau0)
            idx_ref[nch] = ci
            return nch + jnp.where(anyc, 1, 0)

        return lax.fori_loop(0, L, inner, nch)

    nch = lax.fori_loop(0, nsup, chunk_screen, 0)

    def newton(tau):
        def nb(j, carry):
            s, c = carry
            v = row_v[pl.ds(idx_ref[j] * L, L)]
            mask = v > tau
            s = s + jnp.where(mask, v - tau, 0.0)
            c = c + jnp.where(mask, 1.0, 0.0)
            return s, c

        s16, c16 = lax.fori_loop(0, nch, nb, (zeros, zeros))
        return tau + _sc_sdiv(jnp.sum(s16) - 1.0, jnp.sum(c16))

    tau = tau0
    for _ in range(5):
        tau = newton(tau)

    def w_cond(carry):
        k, _, changed = carry
        return jnp.logical_and(k < 40, changed)

    def w_body(carry):
        k, tau, _ = carry
        t2 = newton(tau)
        return k + 1, t2, t2 != tau

    _, tau, _ = lax.while_loop(w_cond, w_body, (0, tau, jnp.bool_(True)))

    def out_body(j, carry):
        sl = pl.ds(idx_ref[j] * L, L)
        out_v[sl] = jnp.maximum(row_v[sl] - tau, 0.0)
        return carry

    lax.fori_loop(0, nch, out_body, 0)
    return nch


def _sc_sparsemax(x, row_start=0, n_rows=None):
    rows, cols = x.shape
    if n_rows is None:
        n_rows = rows
    n_chunks = cols // _SC_LANES
    rpw = -(-n_rows // _SC_WORKERS)
    mesh = plsc.VectorSubcoreMesh(core_axis_name="c", subcore_axis_name="s")
    cp = pltpu.CompilerParams()
    if "needs_layout_passes" in pltpu.CompilerParams.__dataclass_fields__:
        cp = dataclasses.replace(cp, needs_layout_passes=False)

    @functools.partial(
        pl.kernel,
        out_type=jax.ShapeDtypeStruct((rows, cols), x.dtype),
        mesh=mesh,
        compiler_params=cp,
        scratch_types=[
            pltpu.VMEM((cols,), jnp.float32),
            pltpu.VMEM((cols,), jnp.float32),
            pltpu.VMEM((n_chunks,), jnp.float32),
            pltpu.SMEM((n_chunks,), jnp.int32),
            pltpu.SMEM((max(n_chunks // _SC_LANES, 8),), jnp.int32),
            pltpu.SemaphoreType.DMA,
        ],
    )
    def k(x_hbm, o_hbm, row_v, out_v, smax_v, idx_ref, sup_ref, sem):
        wid = lax.axis_index("s") * _SC_CORES + lax.axis_index("c")
        L = _SC_LANES
        zeros = jnp.zeros((L,), jnp.float32)

        def do_row(row, first, last):
            cp = pltpu.async_copy(x_hbm.at[row_start + row], row_v, sem)
            if first:

                def zero_body(i, carry):
                    base = i * (16 * L)
                    for u in range(16):
                        out_v[pl.ds(base + u * L, L)] = zeros
                    return carry

                lax.fori_loop(0, n_chunks // 16, zero_body, 0)
            cp.wait()
            nch = _sc_row_sparsemax(
                row_v, out_v, smax_v, idx_ref, sup_ref, n_chunks
            )
            pltpu.sync_copy(out_v, o_hbm.at[row_start + row])
            if not last:

                def rezero_body(j, carry):
                    out_v[pl.ds(idx_ref[j] * L, L)] = zeros
                    return carry

                lax.fori_loop(0, nch, rezero_body, 0)

        for r in range(rpw):
            row = r * _SC_WORKERS + wid
            first, last = r == 0, r == rpw - 1
            if n_rows % _SC_WORKERS == 0:
                do_row(row, first, last)
            else:
                pl.when(row < n_rows)(
                    lambda row=row, f=first, l=last: do_row(row, f, l)
                )

    return k(x)


_SC_ROWS = 32


def _hybrid_kernel(x):
    rows, cols = x.shape
    n_tc = rows - _SC_ROWS
    tc_out = pl.pallas_call(
        _sparsemax_block,
        grid=(1,),
        in_specs=[pl.BlockSpec((n_tc, cols), lambda i: (0, 0))],
        out_specs=pl.BlockSpec((n_tc, cols), lambda i: (0, 0)),
        out_shape=jax.ShapeDtypeStruct((n_tc, cols), x.dtype),
    )(x)
    sc_out = _sc_sparsemax(x, row_start=n_tc, n_rows=_SC_ROWS)

    def merge_body(t_ref, _, o_ref):
        o_ref[...] = t_ref[...]

    return pl.pallas_call(
        merge_body,
        grid=(1,),
        in_specs=[
            pl.BlockSpec((n_tc, cols), lambda i: (0, 0)),
            pl.BlockSpec(memory_space=pl.ANY),
        ],
        out_specs=pl.BlockSpec((n_tc, cols), lambda i: (0, 0)),
        out_shape=jax.ShapeDtypeStruct((rows, cols), x.dtype),
        input_output_aliases={1: 0},
    )(tc_out, sc_out)


@functools.partial(jax.jit, static_argnames=())
def kernel(x):
    return _hybrid_kernel(x)


def _tc_kernel(x):
    return pl.pallas_call(
        _sparsemax_block,
        out_shape=jax.ShapeDtypeStruct(x.shape, x.dtype),
    )(x)

# --- scband reference (transcript-rebuilt; emitter-appended) ---
"""Pipeline reference for scband-sparsemax-90555090469645 (READ-ONLY COPY).

The authoritative reference and input builder live on the scoring server;
editing this copy changes nothing except your own understanding.
"""

import jax, jax.numpy as jnp
import numpy as np


def setup_inputs(seed: int = 0) -> dict:
    key = jax.random.key(seed)
    x = jax.random.normal(key, (64, 8192), dtype=jnp.float32)
    return {"x": x}


def _sparsemax(x):
    # Project each row of x onto the probability simplex (z=1), faithful to
    # project_simplex applied row-wise in the torch module.
    z_sorted = jnp.sort(x, axis=-1)[..., ::-1]  # descending sort
    cssv = jnp.cumsum(z_sorted, axis=-1) - 1.0
    n = x.shape[-1]
    ind = jnp.arange(1, n + 1, dtype=x.dtype)
    cond = (z_sorted - cssv / ind) > 0
    # rho = largest index where cond holds (cond is a prefix-true mask)
    rho = jnp.sum(cond.astype(jnp.int32), axis=-1, keepdims=True)
    tau = jnp.take_along_axis(cssv, rho - 1, axis=-1) / rho.astype(x.dtype)
    w = jnp.clip(x - tau, 0.0, None)
    return w


def reference(x):
    # Sparsemax.forward(x, lengths=None): row-wise simplex projection.
    return _sparsemax(x)

if __name__ == "__main__":
    import jax
    _d = setup_inputs()
    print(jax.jit(kernel)(*tuple(_d.values())))

</pallas_src>

<mosaic_0001>
#map = affine_map<(d0, d1) -> (0, 0)>
module attributes {stable_mosaic.version = 14 : i64} {
  func.func @k(%arg0: i32, %arg1: i32, %arg2: memref<64x8192xf32, #tpu.memory_space<hbm>>, %arg3: memref<64x8192xf32, #tpu.memory_space<hbm>>, %arg4: memref<8192xf32, #tpu.memory_space<vmem>>, %arg5: memref<8192xf32, #tpu.memory_space<vmem>>, %arg6: memref<512xf32, #tpu.memory_space<vmem>>, %arg7: memref<512xi32, #tpu.memory_space<smem>>, %arg8: memref<32xi32, #tpu.memory_space<smem>>, %arg9: memref<!tpu.dma_semaphore, #tpu.memory_space<semaphore_mem>>) attributes {dimension_semantics = [#tpu.dimension_semantics<core_parallel>, #tpu.dimension_semantics<subcore_parallel>], iteration_bounds = array<i64: 2, 16>, scalar_prefetch = 0 : i64, scratch_operands = 6 : i64, tpu.core_type = #tpu.core_type<sc_vector_subcore>, window_params = [{transform_indices = #map}, {transform_indices = #map}]} {
    %mul3A = arith.constant 2 : i32
    %mul3A_0 = arith.muli %arg1, %mul3A : i32
    %add3A = arith.addi %mul3A_0, %arg0 : i32
    %broadcast_in_dim3A = arith.constant 0.000000e+00 : f32
    %broadcast_in_dim3A_1 = vector.broadcast %broadcast_in_dim3A : f32 to vector<16xf32>
    %add3A_2 = arith.constant 0 : i32
    %add3A_3 = arith.addi %add3A_2, %add3A : i32
    %add3A_4 = arith.constant 32 : i32
    %add3A_5 = arith.addi %add3A_4, %add3A_3 : i32
    %dma_start3A = arith.constant 0 : i32
    %dma_start3A_6 = tpu.memref_slice %arg2[%add3A_5, %dma_start3A] : memref<64x8192xf32, #tpu.memory_space<hbm>> -> memref<1x8192xf32, #tpu.memory_space<hbm>>
    %dma_start3A_7 = tpu.memref_squeeze %dma_start3A_6 : memref<1x8192xf32, #tpu.memory_space<hbm>> -> memref<8192xf32, #tpu.memory_space<hbm>>
    %dma_start3A_8 = arith.constant 0 : i32
    %dma_start3A_9 = tpu.memref_slice %arg2[%add3A_5, %dma_start3A_8] : memref<64x8192xf32, #tpu.memory_space<hbm>> -> memref<1x8192xf32, #tpu.memory_space<hbm>>
    %dma_start3A_10 = tpu.memref_squeeze %dma_start3A_9 : memref<1x8192xf32, #tpu.memory_space<hbm>> -> memref<8192xf32, #tpu.memory_space<hbm>>
    tpu.enqueue_dma source(%dma_start3A_10 : memref<8192xf32, #tpu.memory_space<hbm>>) target(%arg4 : memref<8192xf32, #tpu.memory_space<vmem>>) target_semaphore(%arg9 : memref<!tpu.dma_semaphore, #tpu.memory_space<semaphore_mem>>)
    %scan3A = arith.constant 0 : i32
    %scan3A_11 = arith.constant 0 : i32
    %scan3A_12 = arith.constant 32 : i32
    %scan3A_13 = arith.addi %scan3A_11, %scan3A_12 : i32
    %scan3A_14 = arith.constant 1 : i32
    scf.for %scan3A_904 = %scan3A_11 to %scan3A_13 step %scan3A_14  : i32 {
      %mul3A_905 = arith.constant 256 : i32
      %mul3A_906 = arith.muli %scan3A_904, %mul3A_905 : i32
      %add3A_907 = arith.constant 0 : i32
      %add3A_908 = arith.addi %mul3A_906, %add3A_907 : i32
      %swap3A_909 = arith.index_cast %add3A_908 : i32 to index
      %swap3A_910 = tpu.vector_load %arg5[%swap3A_909] {strides = array<i32>} : memref<8192xf32, #tpu.memory_space<vmem>>, vector<16xf32>,
      tpu.vector_store %arg5[%swap3A_909], %broadcast_in_dim3A_1 {strides = array<i32>} : memref<8192xf32, #tpu.memory_space<vmem>>, vector<16xf32>,
      %add3A_911 = arith.constant 16 : i32
      %add3A_912 = arith.addi %mul3A_906, %add3A_911 : i32
      %swap3A_913 = arith.index_cast %add3A_912 : i32 to index
      %swap3A_914 = tpu.vector_load %arg5[%swap3A_913] {strides = array<i32>} : memref<8192xf32, #tpu.memory_space<vmem>>, vector<16xf32>,
      tpu.vector_store %arg5[%swap3A_913], %broadcast_in_dim3A_1 {strides = array<i32>} : memref<8192xf32, #tpu.memory_space<vmem>>, vector<16xf32>,
      %add3A_915 = arith.constant 32 : i32
      %add3A_916 = arith.addi %mul3A_906, %add3A_915 : i32
      %swap3A_917 = arith.index_cast %add3A_916 : i32 to index
      %swap3A_918 = tpu.vector_load %arg5[%swap3A_917] {strides = array<i32>} : memref<8192xf32, #tpu.memory_space<vmem>>, vector<16xf32>,
      tpu.vector_store %arg5[%swap3A_917], %broadcast_in_dim3A_1 {strides = array<i32>} : memref<8192xf32, #tpu.memory_space<vmem>>, vector<16xf32>,
      %add3A_919 = arith.constant 48 : i32
      %add3A_920 = arith.addi %mul3A_906, %add3A_919 : i32
      %swap3A_921 = arith.index_cast %add3A_920 : i32 to index
      %swap3A_922 = tpu.vector_load %arg5[%swap3A_921] {strides = array<i32>} : memref<8192xf32, #tpu.memory_space<vmem>>, vector<16xf32>,
      tpu.vector_store %arg5[%swap3A_921], %broadcast_in_dim3A_1 {strides = array<i32>} : memref<8192xf32, #tpu.memory_space<vmem>>, vector<16xf32>,
      %add3A_923 = arith.constant 64 : i32
      %add3A_924 = arith.addi %mul3A_906, %add3A_923 : i32
      %swap3A_925 = arith.index_cast %add3A_924 : i32 to index
      %swap3A_926 = tpu.vector_load %arg5[%swap3A_925] {strides = array<i32>} : memref<8192xf32, #tpu.memory_space<vmem>>, vector<16xf32>,
      tpu.vector_store %arg5[%swap3A_925], %broadcast_in_dim3A_1 {strides = array<i32>} : memref<8192xf32, #tpu.memory_space<vmem>>, vector<16xf32>,
      %add3A_927 = arith.constant 80 : i32
      %add3A_928 = arith.addi %mul3A_906, %add3A_927 : i32
      %swap3A_929 = arith.index_cast %add3A_928 : i32 to index
      %swap3A_930 = tpu.vector_load %arg5[%swap3A_929] {strides = array<i32>} : memref<8192xf32, #tpu.memory_space<vmem>>, vector<16xf32>,
      tpu.vector_store %arg5[%swap3A_929], %broadcast_in_dim3A_1 {strides = array<i32>} : memref<8192xf32, #tpu.memory_space<vmem>>, vector<16xf32>,
      %add3A_931 = arith.constant 96 : i32
      %add3A_932 = arith.addi %mul3A_906, %add3A_931 : i32
      %swap3A_933 = arith.index_cast %add3A_932 : i32 to index
      %swap3A_934 = tpu.vector_load %arg5[%swap3A_933] {strides = array<i32>} : memref<8192xf32, #tpu.memory_space<vmem>>, vector<16xf32>,
      tpu.vector_store %arg5[%swap3A_933], %broadcast_in_dim3A_1 {strides = array<i32>} : memref<8192xf32, #tpu.memory_space<vmem>>, vector<16xf32>,
      %add3A_935 = arith.constant 112 : i32
      %add3A_936 = arith.addi %mul3A_906, %add3A_935 : i32
      %swap3A_937 = arith.index_cast %add3A_936 : i32 to index
      %swap3A_938 = tpu.vector_load %arg5[%swap3A_937] {strides = array<i32>} : memref<8192xf32, #tpu.memory_space<vmem>>, vector<16xf32>,
      tpu.vector_store %arg5[%swap3A_937], %broadcast_in_dim3A_1 {strides = array<i32>} : memref<8192xf32, #tpu.memory_space<vmem>>, vector<16xf32>,
      %add3A_939 = arith.constant 128 : i32
      %add3A_940 = arith.addi %mul3A_906, %add3A_939 : i32
      %swap3A_941 = arith.index_cast %add3A_940 : i32 to index
      %swap3A_942 = tpu.vector_load %arg5[%swap3A_941] {strides = array<i32>} : memref<8192xf32, #tpu.memory_space<vmem>>, vector<16xf32>,
      tpu.vector_store %arg5[%swap3A_941], %broadcast_in_dim3A_1 {strides = array<i32>} : memref<8192xf32, #tpu.memory_space<vmem>>, vector<16xf32>,
      %add3A_943 = arith.constant 144 : i32
      %add3A_944 = arith.addi %mul3A_906, %add3A_943 : i32
      %swap3A_945 = arith.index_cast %add3A_944 : i32 to index
      %swap3A_946 = tpu.vector_load %arg5[%swap3A_945] {strides = array<i32>} : memref<8192xf32, #tpu.memory_space<vmem>>, vector<16xf32>,
      tpu.vector_store %arg5[%swap3A_945], %broadcast_in_dim3A_1 {strides = array<i32>} : memref<8192xf32, #tpu.memory_space<vmem>>, vector<16xf32>,
      %add3A_947 = arith.constant 160 : i32
      %add3A_948 = arith.addi %mul3A_906, %add3A_947 : i32
      %swap3A_949 = arith.index_cast %add3A_948 : i32 to index
      %swap3A_950 = tpu.vector_load %arg5[%swap3A_949] {strides = array<i32>} : memref<8192xf32, #tpu.memory_space<vmem>>, vector<16xf32>,
      tpu.vector_store %arg5[%swap3A_949], %broadcast_in_dim3A_1 {strides = array<i32>} : memref<8192xf32, #tpu.memory_space<vmem>>, vector<16xf32>,
      %add3A_951 = arith.constant 176 : i32
      %add3A_952 = arith.addi %mul3A_906, %add3A_951 : i32
      %swap3A_953 = arith.index_cast %add3A_952 : i32 to index
      %swap3A_954 = tpu.vector_load %arg5[%swap3A_953] {strides = array<i32>} : memref<8192xf32, #tpu.memory_space<vmem>>, vector<16xf32>,
      tpu.vector_store %arg5[%swap3A_953], %broadcast_in_dim3A_1 {strides = array<i32>} : memref<8192xf32, #tpu.memory_space<vmem>>, vector<16xf32>,
      %add3A_955 = arith.constant 192 : i32
      %add3A_956 = arith.addi %mul3A_906, %add3A_955 : i32
      %swap3A_957 = arith.index_cast %add3A_956 : i32 to index
      %swap3A_958 = tpu.vector_load %arg5[%swap3A_957] {strides = array<i32>} : memref<8192xf32, #tpu.memory_space<vmem>>, vector<16xf32>,
      tpu.vector_store %arg5[%swap3A_957], %broadcast_in_dim3A_1 {strides = array<i32>} : memref<8192xf32, #tpu.memory_space<vmem>>, vector<16xf32>,
      %add3A_959 = arith.constant 208 : i32
      %add3A_960 = arith.addi %mul3A_906, %add3A_959 : i32
      %swap3A_961 = arith.index_cast %add3A_960 : i32 to index
      %swap3A_962 = tpu.vector_load %arg5[%swap3A_961] {strides = array<i32>} : memref<8192xf32, #tpu.memory_space<vmem>>, vector<16xf32>,
      tpu.vector_store %arg5[%swap3A_961], %broadcast_in_dim3A_1 {strides = array<i32>} : memref<8192xf32, #tpu.memory_space<vmem>>, vector<16xf32>,
      %add3A_963 = arith.constant 224 : i32
      %add3A_964 = arith.addi %mul3A_906, %add3A_963 : i32
      %swap3A_965 = arith.index_cast %add3A_964 : i32 to index
      %swap3A_966 = tpu.vector_load %arg5[%swap3A_965] {strides = array<i32>} : memref<8192xf32, #tpu.memory_space<vmem>>, vector<16xf32>,
      tpu.vector_store %arg5[%swap3A_965], %broadcast_in_dim3A_1 {strides = array<i32>} : memref<8192xf32, #tpu.memory_space<vmem>>, vector<16xf32>,
      %add3A_967 = arith.constant 240 : i32
      %add3A_968 = arith.addi %mul3A_906, %add3A_967 : i32
      %swap3A_969 = arith.index_cast %add3A_968 : i32 to index
      %swap3A_970 = tpu.vector_load %arg5[%swap3A_969] {strides = array<i32>} : memref<8192xf32, #tpu.memory_space<vmem>>, vector<16xf32>,
      tpu.vector_store %arg5[%swap3A_969], %broadcast_in_dim3A_1 {strides = array<i32>} : memref<8192xf32, #tpu.memory_space<vmem>>, vector<16xf32>,
    }
    %scan3A_15 = arith.constant 32 : i32
    %dma_wait3A = arith.constant 0 : i32
    %dma_wait3A_16 = tpu.memref_slice %arg2[%add3A_5, %dma_wait3A] : memref<64x8192xf32, #tpu.memory_space<hbm>> -> memref<1x8192xf32, #tpu.memory_space<hbm>>
    %dma_wait3A_17 = tpu.memref_squeeze %dma_wait3A_16 : memref<1x8192xf32, #tpu.memory_space<hbm>> -> memref<8192xf32, #tpu.memory_space<hbm>>
    %dma_wait3A_18 = arith.constant 0 : i32
    %dma_wait3A_19 = tpu.memref_slice %arg2[%add3A_5, %dma_wait3A_18] : memref<64x8192xf32, #tpu.memory_space<hbm>> -> memref<1x8192xf32, #tpu.memory_space<hbm>>
    %dma_wait3A_20 = tpu.memref_squeeze %dma_wait3A_19 : memref<1x8192xf32, #tpu.memory_space<hbm>> -> memref<8192xf32, #tpu.memory_space<hbm>>
    tpu.wait_dma2 semaphore(%arg9 : memref<!tpu.dma_semaphore, #tpu.memory_space<semaphore_mem>>) src(%dma_wait3A_20 : memref<8192xf32, #tpu.memory_space<hbm>>) dst(%arg4 : memref<8192xf32, #tpu.memory_space<vmem>>)
    %broadcast_in_dim3A_21 = arith.constant 0.000000e+00 : f32
    %broadcast_in_dim3A_22 = vector.broadcast %broadcast_in_dim3A_21 : f32 to vector<16xf32>
    %broadcast_in_dim3A_23 = arith.constant 0xFF800000 : f32
    %broadcast_in_dim3A_24 = vector.broadcast %broadcast_in_dim3A_23 : f32 to vector<16xf32>
    %scan3A_25 = arith.constant 0 : i32
    %scan3A_26 = arith.constant 32 : i32
    %scan3A_27 = arith.addi %scan3A_25, %scan3A_26 : i32
    %scan3A_28 = arith.constant 1 : i32
    %scan3A_29 = scf.for %scan3A_904 = %scan3A_25 to %scan3A_27 step %scan3A_28 iter_args(%scan3A_905 = %broadcast_in_dim3A_24) -> (vector<16xf32>)  : i32 {
      %mul3A_906 = arith.constant 256 : i32
      %mul3A_907 = arith.muli %scan3A_904, %mul3A_906 : i32
      %add3A_908 = arith.constant 0 : i32
      %add3A_909 = arith.addi %mul3A_907, %add3A_908 : i32
      %get3A_910 = arith.index_cast %add3A_909 : i32 to index
      %get3A_911 = tpu.vector_load %arg4[%get3A_910] {strides = array<i32>} : memref<8192xf32, #tpu.memory_space<vmem>>, vector<16xf32>,
      %add3A_912 = arith.constant 16 : i32
      %add3A_913 = arith.addi %mul3A_907, %add3A_912 : i32
      %get3A_914 = arith.index_cast %add3A_913 : i32 to index
      %get3A_915 = tpu.vector_load %arg4[%get3A_914] {strides = array<i32>} : memref<8192xf32, #tpu.memory_space<vmem>>, vector<16xf32>,
      %add3A_916 = arith.constant 32 : i32
      %add3A_917 = arith.addi %mul3A_907, %add3A_916 : i32
      %get3A_918 = arith.index_cast %add3A_917 : i32 to index
      %get3A_919 = tpu.vector_load %arg4[%get3A_918] {strides = array<i32>} : memref<8192xf32, #tpu.memory_space<vmem>>, vector<16xf32>,
      %add3A_920 = arith.constant 48 : i32
      %add3A_921 = arith.addi %mul3A_907, %add3A_920 : i32
      %get3A_922 = arith.index_cast %add3A_921 : i32 to index
      %get3A_923 = tpu.vector_load %arg4[%get3A_922] {strides = array<i32>} : memref<8192xf32, #tpu.memory_space<vmem>>, vector<16xf32>,
      %add3A_924 = arith.constant 64 : i32
      %add3A_925 = arith.addi %mul3A_907, %add3A_924 : i32
      %get3A_926 = arith.index_cast %add3A_925 : i32 to index
      %get3A_927 = tpu.vector_load %arg4[%get3A_926] {strides = array<i32>} : memref<8192xf32, #tpu.memory_space<vmem>>, vector<16xf32>,
      %max3A = arith.maximumf %get3A_911, %get3A_927 : vector<16xf32>
      %add3A_928 = arith.constant 80 : i32
      %add3A_929 = arith.addi %mul3A_907, %add3A_928 : i32
      %get3A_930 = arith.index_cast %add3A_929 : i32 to index
      %get3A_931 = tpu.vector_load %arg4[%get3A_930] {strides = array<i32>} : memref<8192xf32, #tpu.memory_space<vmem>>, vector<16xf32>,
      %max3A_932 = arith.maximumf %get3A_915, %get3A_931 : vector<16xf32>
      %add3A_933 = arith.constant 96 : i32
      %add3A_934 = arith.addi %mul3A_907, %add3A_933 : i32
      %get3A_935 = arith.index_cast %add3A_934 : i32 to index
      %get3A_936 = tpu.vector_load %arg4[%get3A_935] {strides = array<i32>} : memref<8192xf32, #tpu.memory_space<vmem>>, vector<16xf32>,
      %max3A_937 = arith.maximumf %get3A_919, %get3A_936 : vector<16xf32>
      %add3A_938 = arith.constant 112 : i32
      %add3A_939 = arith.addi %mul3A_907, %add3A_938 : i32
      %get3A_940 = arith.index_cast %add3A_939 : i32 to index
      %get3A_941 = tpu.vector_load %arg4[%get3A_940] {strides = array<i32>} : memref<8192xf32, #tpu.memory_space<vmem>>, vector<16xf32>,
      %max3A_942 = arith.maximumf %get3A_923, %get3A_941 : vector<16xf32>
      %add3A_943 = arith.constant 128 : i32
      %add3A_944 = arith.addi %mul3A_907, %add3A_943 : i32
      %get3A_945 = arith.index_cast %add3A_944 : i32 to index
      %get3A_946 = tpu.vector_load %arg4[%get3A_945] {strides = array<i32>} : memref<8192xf32, #tpu.memory_space<vmem>>, vector<16xf32>,
      %max3A_947 = arith.maximumf %max3A, %get3A_946 : vector<16xf32>
      %add3A_948 = arith.constant 144 : i32
      %add3A_949 = arith.addi %mul3A_907, %add3A_948 : i32
      %get3A_950 = arith.index_cast %add3A_949 : i32 to index
      %get3A_951 = tpu.vector_load %arg4[%get3A_950] {strides = array<i32>} : memref<8192xf32, #tpu.memory_space<vmem>>, vector<16xf32>,
      %max3A_952 = arith.maximumf %max3A_932, %get3A_951 : vector<16xf32>
      %add3A_953 = arith.constant 160 : i32
      %add3A_954 = arith.addi %mul3A_907, %add3A_953 : i32
      %get3A_955 = arith.index_cast %add3A_954 : i32 to index
      %get3A_956 = tpu.vector_load %arg4[%get3A_955] {strides = array<i32>} : memref<8192xf32, #tpu.memory_space<vmem>>, vector<16xf32>,
      %max3A_957 = arith.maximumf %max3A_937, %get3A_956 : vector<16xf32>
      %add3A_958 = arith.constant 176 : i32
      %add3A_959 = arith.addi %mul3A_907, %add3A_958 : i32
      %get3A_960 = arith.index_cast %add3A_959 : i32 to index
      %get3A_961 = tpu.vector_load %arg4[%get3A_960] {strides = array<i32>} : memref<8192xf32, #tpu.memory_space<vmem>>, vector<16xf32>,
      %max3A_962 = arith.maximumf %max3A_942, %get3A_961 : vector<16xf32>
      %add3A_963 = arith.constant 192 : i32
      %add3A_964 = arith.addi %mul3A_907, %add3A_963 : i32
      %get3A_965 = arith.index_cast %add3A_964 : i32 to index
      %get3A_966 = tpu.vector_load %arg4[%get3A_965] {strides = array<i32>} : memref<8192xf32, #tpu.memory_space<vmem>>, vector<16xf32>,
      %max3A_967 = arith.maximumf %max3A_947, %get3A_966 : vector<16xf32>
      %add3A_968 = arith.constant 208 : i32
      %add3A_969 = arith.addi %mul3A_907, %add3A_968 : i32
      %get3A_970 = arith.index_cast %add3A_969 : i32 to index
      %get3A_971 = tpu.vector_load %arg4[%get3A_970] {strides = array<i32>} : memref<8192xf32, #tpu.memory_space<vmem>>, vector<16xf32>,
      %max3A_972 = arith.maximumf %max3A_952, %get3A_971 : vector<16xf32>
      %add3A_973 = arith.constant 224 : i32
      %add3A_974 = arith.addi %mul3A_907, %add3A_973 : i32
      %get3A_975 = arith.index_cast %add3A_974 : i32 to index
      %get3A_976 = tpu.vector_load %arg4[%get3A_975] {strides = array<i32>} : memref<8192xf32, #tpu.memory_space<vmem>>, vector<16xf32>,
      %max3A_977 = arith.maximumf %max3A_957, %get3A_976 : vector<16xf32>
      %add3A_978 = arith.constant 240 : i32
      %add3A_979 = arith.addi %mul3A_907, %add3A_978 : i32
      %get3A_980 = arith.index_cast %add3A_979 : i32 to index
      %get3A_981 = tpu.vector_load %arg4[%get3A_980] {strides = array<i32>} : memref<8192xf32, #tpu.memory_space<vmem>>, vector<16xf32>,
      %max3A_982 = arith.maximumf %max3A_962, %get3A_981 : vector<16xf32>
      %max3A_983 = arith.maximumf %max3A_967, %max3A_972 : vector<16xf32>
      %max3A_984 = arith.maximumf %max3A_977, %max3A_982 : vector<16xf32>
      %max3A_985 = arith.maximumf %max3A_983, %max3A_984 : vector<16xf32>
      %mul3A_986 = arith.constant 16 : i32
      %mul3A_987 = arith.muli %scan3A_904, %mul3A_986 : i32
      %swap3A_988 = arith.index_cast %mul3A_987 : i32 to index
      %swap3A_989 = tpu.vector_load %arg6[%swap3A_988] {strides = array<i32>} : memref<512xf32, #tpu.memory_space<vmem>>, vector<16xf32>,
      tpu.vector_store %arg6[%swap3A_988], %max3A_985 {strides = array<i32>} : memref<512xf32, #tpu.memory_space<vmem>>, vector<16xf32>,
      %max3A_990 = arith.maximumf %scan3A_905, %max3A_985 : vector<16xf32>
      scf.yield %max3A_990 : vector<16xf32>
    }
    %scan3A_30 = arith.constant 32 : i32
    %reduce_max3A = arith.constant true
    %reduce_max3A_31 = vector.broadcast %reduce_max3A : i1 to vector<16xi1>
    %reduce_max3A_32 = tpu.scan <max>, %scan3A_29 masked %reduce_max3A_31 : vector<16xf32>, vector<16xi1> -> vector<16xf32>
    %reduce_max3A_33 = vector.extract %reduce_max3A_32[15] : f32 from vector<16xf32>
    %sub3A = arith.constant 1.000000e+00 : f32
    %sub3A_34 = arith.subf %reduce_max3A_33, %sub3A : f32
    %get3A = arith.constant 0 : index
    %get3A_35 = tpu.vector_load %arg6[%get3A] {strides = array<i32>} : memref<512xf32, #tpu.memory_space<vmem>>, vector<16xf32>,
    %gt3A = vector.broadcast %sub3A_34 : f32 to vector<16xf32>
    %gt3A_36 = arith.cmpf ogt, %get3A_35, %gt3A : vector<16xf32>
    %reduce_or3A = arith.constant 1.000000e+00 : f32
    %reduce_or3A_37 = arith.constant 0.000000e+00 : f32
    %reduce_or3A_38 = vector.broadcast %reduce_or3A : f32 to vector<16xf32>
    %reduce_or3A_39 = vector.broadcast %reduce_or3A_37 : f32 to vector<16xf32>
    %reduce_or3A_40 = arith.select %gt3A_36, %reduce_or3A_38, %reduce_or3A_39 : vector<16xi1>, vector<16xf32>
    %reduce_or3A_41 = arith.constant true
    %reduce_or3A_42 = vector.broadcast %reduce_or3A_41 : i1 to vector<16xi1>
    %reduce_or3A_43 = tpu.scan <max>, %reduce_or3A_40 masked %reduce_or3A_42 : vector<16xf32>, vector<16xi1> -> vector<16xf32>
    %reduce_or3A_44 = vector.extract %reduce_or3A_43[15] : f32 from vector<16xf32>
    %reduce_or3A_45 = arith.constant 0.000000e+00 : f32
    %reduce_or3A_46 = arith.cmpf ogt, %reduce_or3A_44, %reduce_or3A_45 : f32
    %swap3A = arith.constant 0 : i32
    %swap3A_47 = arith.constant 0 : i32
    %swap3A_48 = arith.index_cast %swap3A_47 : i32 to index
    %swap3A_49 = memref.load %arg8[%swap3A_48] : memref<32xi32, #tpu.memory_space<smem>>
    memref.store %swap3A, %arg8[%swap3A_48] : memref<32xi32, #tpu.memory_space<smem>>
    %jit3A = arith.constant 1 : i32
    %jit3A_50 = arith.constant 0 : i32
    %select_n3A = arith.select %reduce_or3A_46, %jit3A, %jit3A_50 : i32
    %add3A_51 = arith.constant 0 : i32
    %add3A_52 = arith.addi %add3A_51, %select_n3A : i32
    %get3A_53 = arith.constant 16 : index
    %get3A_54 = tpu.vector_load %arg6[%get3A_53] {strides = array<i32>} : memref<512xf32, #tpu.memory_space<vmem>>, vector<16xf32>,
    %gt3A_55 = vector.broadcast %sub3A_34 : f32 to vector<16xf32>
    %gt3A_56 = arith.cmpf ogt, %get3A_54, %gt3A_55 : vector<16xf32>
    %reduce_or3A_57 = arith.constant 1.000000e+00 : f32
    %reduce_or3A_58 = arith.constant 0.000000e+00 : f32
    %reduce_or3A_59 = vector.broadcast %reduce_or3A_57 : f32 to vector<16xf32>
    %reduce_or3A_60 = vector.broadcast %reduce_or3A_58 : f32 to vector<16xf32>
    %reduce_or3A_61 = arith.select %gt3A_56, %reduce_or3A_59, %reduce_or3A_60 : vector<16xi1>, vector<16xf32>
    %reduce_or3A_62 = arith.constant true
    %reduce_or3A_63 = vector.broadcast %reduce_or3A_62 : i1 to vector<16xi1>
    %reduce_or3A_64 = tpu.scan <max>, %reduce_or3A_61 masked %reduce_or3A_63 : vector<16xf32>, vector<16xi1> -> vector<16xf32>
    %reduce_or3A_65 = vector.extract %reduce_or3A_64[15] : f32 from vector<16xf32>
    %reduce_or3A_66 = arith.constant 0.000000e+00 : f32
    %reduce_or3A_67 = arith.cmpf ogt, %reduce_or3A_65, %reduce_or3A_66 : f32
    %swap3A_68 = arith.constant 1 : i32
    %swap3A_69 = arith.index_cast %add3A_52 : i32 to index
    %swap3A_70 = memref.load %arg8[%swap3A_69] : memref<32xi32, #tpu.memory_space<smem>>
    memref.store %swap3A_68, %arg8[%swap3A_69] : memref<32xi32, #tpu.memory_space<smem>>
    %jit3A_71 = arith.constant 1 : i32
    %jit3A_72 = arith.constant 0 : i32
    %select_n3A_73 = arith.select %reduce_or3A_67, %jit3A_71, %jit3A_72 : i32
    %add3A_74 = arith.addi %add3A_52, %select_n3A_73 : i32
    %get3A_75 = arith.constant 32 : index
    %get3A_76 = tpu.vector_load %arg6[%get3A_75] {strides = array<i32>} : memref<512xf32, #tpu.memory_space<vmem>>, vector<16xf32>,
    %gt3A_77 = vector.broadcast %sub3A_34 : f32 to vector<16xf32>
    %gt3A_78 = arith.cmpf ogt, %get3A_76, %gt3A_77 : vector<16xf32>
    %reduce_or3A_79 = arith.constant 1.000000e+00 : f32
    %reduce_or3A_80 = arith.constant 0.000000e+00 : f32
    %reduce_or3A_81 = vector.broadcast %reduce_or3A_79 : f32 to vector<16xf32>
    %reduce_or3A_82 = vector.broadcast %reduce_or3A_80 : f32 to vector<16xf32>
    %reduce_or3A_83 = arith.select %gt3A_78, %reduce_or3A_81, %reduce_or3A_82 : vector<16xi1>, vector<16xf32>
    %reduce_or3A_84 = arith.constant true
    %reduce_or3A_85 = vector.broadcast %reduce_or3A_84 : i1 to vector<16xi1>
    %reduce_or3A_86 = tpu.scan <max>, %reduce_or3A_83 masked %reduce_or3A_85 : vector<16xf32>, vector<16xi1> -> vector<16xf32>
    %reduce_or3A_87 = vector.extract %reduce_or3A_86[15] : f32 from vector<16xf32>
    %reduce_or3A_88 = arith.constant 0.000000e+00 : f32
    %reduce_or3A_89 = arith.cmpf ogt, %reduce_or3A_87, %reduce_or3A_88 : f32
    %swap3A_90 = arith.constant 2 : i32
    %swap3A_91 = arith.index_cast %add3A_74 : i32 to index
    %swap3A_92 = memref.load %arg8[%swap3A_91] : memref<32xi32, #tpu.memory_space<smem>>
    memref.store %swap3A_90, %arg8[%swap3A_91] : memref<32xi32, #tpu.memory_space<smem>>
    %jit3A_93 = arith.constant 1 : i32
    %jit3A_94 = arith.constant 0 : i32
    %select_n3A_95 = arith.select %reduce_or3A_89, %jit3A_93, %jit3A_94 : i32
    %add3A_96 = arith.addi %add3A_74, %select_n3A_95 : i32
    %get3A_97 = arith.constant 48 : index
    %get3A_98 = tpu.vector_load %arg6[%get3A_97] {strides = array<i32>} : memref<512xf32, #tpu.memory_space<vmem>>, vector<16xf32>,
    %gt3A_99 = vector.broadcast %sub3A_34 : f32 to vector<16xf32>
    %gt3A_100 = arith.cmpf ogt, %get3A_98, %gt3A_99 : vector<16xf32>
    %reduce_or3A_101 = arith.constant 1.000000e+00 : f32
    %reduce_or3A_102 = arith.constant 0.000000e+00 : f32
    %reduce_or3A_103 = vector.broadcast %reduce_or3A_101 : f32 to vector<16xf32>
    %reduce_or3A_104 = vector.broadcast %reduce_or3A_102 : f32 to vector<16xf32>
    %reduce_or3A_105 = arith.select %gt3A_100, %reduce_or3A_103, %reduce_or3A_104 : vector<16xi1>, vector<16xf32>
    %reduce_or3A_106 = arith.constant true
    %reduce_or3A_107 = vector.broadcast %reduce_or3A_106 : i1 to vector<16xi1>
    %reduce_or3A_108 = tpu.scan <max>, %reduce_or3A_105 masked %reduce_or3A_107 : vector<16xf32>, vector<16xi1> -> vector<16xf32>
    %reduce_or3A_109 = vector.extract %reduce_or3A_108[15] : f32 from vector<16xf32>
    %reduce_or3A_110 = arith.constant 0.000000e+00 : f32
    %reduce_or3A_111 = arith.cmpf ogt, %reduce_or3A_109, %reduce_or3A_110 : f32
    %swap3A_112 = arith.constant 3 : i32
    %swap3A_113 = arith.index_cast %add3A_96 : i32 to index
    %swap3A_114 = memref.load %arg8[%swap3A_113] : memref<32xi32, #tpu.memory_space<smem>>
    memref.store %swap3A_112, %arg8[%swap3A_113] : memref<32xi32, #tpu.memory_space<smem>>
    %jit3A_115 = arith.constant 1 : i32
    %jit3A_116 = arith.constant 0 : i32
    %select_n3A_117 = arith.select %reduce_or3A_111, %jit3A_115, %jit3A_116 : i32
    %add3A_118 = arith.addi %add3A_96, %select_n3A_117 : i32
    %get3A_119 = arith.constant 64 : index
    %get3A_120 = tpu.vector_load %arg6[%get3A_119] {strides = array<i32>} : memref<512xf32, #tpu.memory_space<vmem>>, vector<16xf32>,
    %gt3A_121 = vector.broadcast %sub3A_34 : f32 to vector<16xf32>
    %gt3A_122 = arith.cmpf ogt, %get3A_120, %gt3A_121 : vector<16xf32>
    %reduce_or3A_123 = arith.constant 1.000000e+00 : f32
    %reduce_or3A_124 = arith.constant 0.000000e+00 : f32
    %reduce_or3A_125 = vector.broadcast %reduce_or3A_123 : f32 to vector<16xf32>
    %reduce_or3A_126 = vector.broadcast %reduce_or3A_124 : f32 to vector<16xf32>
    %reduce_or3A_127 = arith.select %gt3A_122, %reduce_or3A_125, %reduce_or3A_126 : vector<16xi1>, vector<16xf32>
    %reduce_or3A_128 = arith.constant true
    %reduce_or3A_129 = vector.broadcast %reduce_or3A_128 : i1 to vector<16xi1>
    %reduce_or3A_130 = tpu.scan <max>, %reduce_or3A_127 masked %reduce_or3A_129 : vector<16xf32>, vector<16xi1> -> vector<16xf32>
    %reduce_or3A_131 = vector.extract %reduce_or3A_130[15] : f32 from vector<16xf32>
    %reduce_or3A_132 = arith.constant 0.000000e+00 : f32
    %reduce_or3A_133 = arith.cmpf ogt, %reduce_or3A_131, %reduce_or3A_132 : f32
    %swap3A_134 = arith.constant 4 : i32
    %swap3A_135 = arith.index_cast %add3A_118 : i32 to index
    %swap3A_136 = memref.load %arg8[%swap3A_135] : memref<32xi32, #tpu.memory_space<smem>>
    memref.store %swap3A_134, %arg8[%swap3A_135] : memref<32xi32, #tpu.memory_space<smem>>
    %jit3A_137 = arith.constant 1 : i32
    %jit3A_138 = arith.constant 0 : i32
    %select_n3A_139 = arith.select %reduce_or3A_133, %jit3A_137, %jit3A_138 : i32
    %add3A_140 = arith.addi %add3A_118, %select_n3A_139 : i32
    %get3A_141 = arith.constant 80 : index
    %get3A_142 = tpu.vector_load %arg6[%get3A_141] {strides = array<i32>} : memref<512xf32, #tpu.memory_space<vmem>>, vector<16xf32>,
    %gt3A_143 = vector.broadcast %sub3A_34 : f32 to vector<16xf32>
    %gt3A_144 = arith.cmpf ogt, %get3A_142, %gt3A_143 : vector<16xf32>
    %reduce_or3A_145 = arith.constant 1.000000e+00 : f32
    %reduce_or3A_146 = arith.constant 0.000000e+00 : f32
    %reduce_or3A_147 = vector.broadcast %reduce_or3A_145 : f32 to vector<16xf32>
    %reduce_or3A_148 = vector.broadcast %reduce_or3A_146 : f32 to vector<16xf32>
    %reduce_or3A_149 = arith.select %gt3A_144, %reduce_or3A_147, %reduce_or3A_148 : vector<16xi1>, vector<16xf32>
    %reduce_or3A_150 = arith.constant true
    %reduce_or3A_151 = vector.broadcast %reduce_or3A_150 : i1 to vector<16xi1>
    %reduce_or3A_152 = tpu.scan <max>, %reduce_or3A_149 masked %reduce_or3A_151 : vector<16xf32>, vector<16xi1> -> vector<16xf32>
    %reduce_or3A_153 = vector.extract %reduce_or3A_152[15] : f32 from vector<16xf32>
    %reduce_or3A_154 = arith.constant 0.000000e+00 : f32
    %reduce_or3A_155 = arith.cmpf ogt, %reduce_or3A_153, %reduce_or3A_154 : f32
    %swap3A_156 = arith.constant 5 : i32
    %swap3A_157 = arith.index_cast %add3A_140 : i32 to index
    %swap3A_158 = memref.load %arg8[%swap3A_157] : memref<32xi32, #tpu.memory_space<smem>>
    memref.store %swap3A_156, %arg8[%swap3A_157] : memref<32xi32, #tpu.memory_space<smem>>
    %jit3A_159 = arith.constant 1 : i32
    %jit3A_160 = arith.constant 0 : i32
    %select_n3A_161 = arith.select %reduce_or3A_155, %jit3A_159, %jit3A_160 : i32
    %add3A_162 = arith.addi %add3A_140, %select_n3A_161 : i32
    %get3A_163 = arith.constant 96 : index
    %get3A_164 = tpu.vector_load %arg6[%get3A_163] {strides = array<i32>} : memref<512xf32, #tpu.memory_space<vmem>>, vector<16xf32>,
    %gt3A_165 = vector.broadcast %sub3A_34 : f32 to vector<16xf32>
    %gt3A_166 = arith.cmpf ogt, %get3A_164, %gt3A_165 : vector<16xf32>
    %reduce_or3A_167 = arith.constant 1.000000e+00 : f32
    %reduce_or3A_168 = arith.constant 0.000000e+00 : f32
    %reduce_or3A_169 = vector.broadcast %reduce_or3A_167 : f32 to vector<16xf32>
    %reduce_or3A_170 = vector.broadcast %reduce_or3A_168 : f32 to vector<16xf32>
    %reduce_or3A_171 = arith.select %gt3A_166, %reduce_or3A_169, %reduce_or3A_170 : vector<16xi1>, vector<16xf32>
    %reduce_or3A_172 = arith.constant true
    %reduce_or3A_173 = vector.broadcast %reduce_or3A_172 : i1 to vector<16xi1>
    %reduce_or3A_174 = tpu.scan <max>, %reduce_or3A_171 masked %reduce_or3A_173 : vector<16xf32>, vector<16xi1> -> vector<16xf32>
    %reduce_or3A_175 = vector.extract %reduce_or3A_174[15] : f32 from vector<16xf32>
    %reduce_or3A_176 = arith.constant 0.000000e+00 : f32
    %reduce_or3A_177 = arith.cmpf ogt, %reduce_or3A_175, %reduce_or3A_176 : f32
    %swap3A_178 = arith.constant 6 : i32
    %swap3A_179 = arith.index_cast %add3A_162 : i32 to index
    %swap3A_180 = memref.load %arg8[%swap3A_179] : memref<32xi32, #tpu.memory_space<smem>>
    memref.store %swap3A_178, %arg8[%swap3A_179] : memref<32xi32, #tpu.memory_space<smem>>
    %jit3A_181 = arith.constant 1 : i32
    %jit3A_182 = arith.constant 0 : i32
    %select_n3A_183 = arith.select %reduce_or3A_177, %jit3A_181, %jit3A_182 : i32
    %add3A_184 = arith.addi %add3A_162, %select_n3A_183 : i32
    %get3A_185 = arith.constant 112 : index
    %get3A_186 = tpu.vector_load %arg6[%get3A_185] {strides = array<i32>} : memref<512xf32, #tpu.memory_space<vmem>>, vector<16xf32>,
    %gt3A_187 = vector.broadcast %sub3A_34 : f32 to vector<16xf32>
    %gt3A_188 = arith.cmpf ogt, %get3A_186, %gt3A_187 : vector<16xf32>
    %reduce_or3A_189 = arith.constant 1.000000e+00 : f32
    %reduce_or3A_190 = arith.constant 0.000000e+00 : f32
    %reduce_or3A_191 = vector.broadcast %reduce_or3A_189 : f32 to vector<16xf32>
    %reduce_or3A_192 = vector.broadcast %reduce_or3A_190 : f32 to vector<16xf32>
    %reduce_or3A_193 = arith.select %gt3A_188, %reduce_or3A_191, %reduce_or3A_192 : vector<16xi1>, vector<16xf32>
    %reduce_or3A_194 = arith.constant true
    %reduce_or3A_195 = vector.broadcast %reduce_or3A_194 : i1 to vector<16xi1>
    %reduce_or3A_196 = tpu.scan <max>, %reduce_or3A_193 masked %reduce_or3A_195 : vector<16xf32>, vector<16xi1> -> vector<16xf32>
    %reduce_or3A_197 = vector.extract %reduce_or3A_196[15] : f32 from vector<16xf32>
    %reduce_or3A_198 = arith.constant 0.000000e+00 : f32
    %reduce_or3A_199 = arith.cmpf ogt, %reduce_or3A_197, %reduce_or3A_198 : f32
    %swap3A_200 = arith.constant 7 : i32
    %swap3A_201 = arith.index_cast %add3A_184 : i32 to index
    %swap3A_202 = memref.load %arg8[%swap3A_201] : memref<32xi32, #tpu.memory_space<smem>>
    memref.store %swap3A_200, %arg8[%swap3A_201] : memref<32xi32, #tpu.memory_space<smem>>
    %jit3A_203 = arith.constant 1 : i32
    %jit3A_204 = arith.constant 0 : i32
    %select_n3A_205 = arith.select %reduce_or3A_199, %jit3A_203, %jit3A_204 : i32
    %add3A_206 = arith.addi %add3A_184, %select_n3A_205 : i32
    %get3A_207 = arith.constant 128 : index
    %get3A_208 = tpu.vector_load %arg6[%get3A_207] {strides = array<i32>} : memref<512xf32, #tpu.memory_space<vmem>>, vector<16xf32>,
    %gt3A_209 = vector.broadcast %sub3A_34 : f32 to vector<16xf32>
    %gt3A_210 = arith.cmpf ogt, %get3A_208, %gt3A_209 : vector<16xf32>
    %reduce_or3A_211 = arith.constant 1.000000e+00 : f32
    %reduce_or3A_212 = arith.constant 0.000000e+00 : f32
    %reduce_or3A_213 = vector.broadcast %reduce_or3A_211 : f32 to vector<16xf32>
    %reduce_or3A_214 = vector.broadcast %reduce_or3A_212 : f32 to vector<16xf32>
    %reduce_or3A_215 = arith.select %gt3A_210, %reduce_or3A_213, %reduce_or3A_214 : vector<16xi1>, vector<16xf32>
    %reduce_or3A_216 = arith.constant true
    %reduce_or3A_217 = vector.broadcast %reduce_or3A_216 : i1 to vector<16xi1>
    %reduce_or3A_218 = tpu.scan <max>, %reduce_or3A_215 masked %reduce_or3A_217 : vector<16xf32>, vector<16xi1> -> vector<16xf32>
    %reduce_or3A_219 = vector.extract %reduce_or3A_218[15] : f32 from vector<16xf32>
    %reduce_or3A_220 = arith.constant 0.000000e+00 : f32
    %reduce_or3A_221 = arith.cmpf ogt, %reduce_or3A_219, %reduce_or3A_220 : f32
    %swap3A_222 = arith.constant 8 : i32
    %swap3A_223 = arith.index_cast %add3A_206 : i32 to index
    %swap3A_224 = memref.load %arg8[%swap3A_223] : memref<32xi32, #tpu.memory_space<smem>>
    memref.store %swap3A_222, %arg8[%swap3A_223] : memref<32xi32, #tpu.memory_space<smem>>
    %jit3A_225 = arith.constant 1 : i32
    %jit3A_226 = arith.constant 0 : i32
    %select_n3A_227 = arith.select %reduce_or3A_221, %jit3A_225, %jit3A_226 : i32
    %add3A_228 = arith.addi %add3A_206, %select_n3A_227 : i32
    %get3A_229 = arith.constant 144 : index
    %get3A_230 = tpu.vector_load %arg6[%get3A_229] {strides = array<i32>} : memref<512xf32, #tpu.memory_space<vmem>>, vector<16xf32>,
    %gt3A_231 = vector.broadcast %sub3A_34 : f32 to vector<16xf32>
    %gt3A_232 = arith.cmpf ogt, %get3A_230, %gt3A_231 : vector<16xf32>
    %reduce_or3A_233 = arith.constant 1.000000e+00 : f32
    %reduce_or3A_234 = arith.constant 0.000000e+00 : f32
    %reduce_or3A_235 = vector.broadcast %reduce_or3A_233 : f32 to vector<16xf32>
    %reduce_or3A_236 = vector.broadcast %reduce_or3A_234 : f32 to vector<16xf32>
    %reduce_or3A_237 = arith.select %gt3A_232, %reduce_or3A_235, %reduce_or3A_236 : vector<16xi1>, vector<16xf32>
    %reduce_or3A_238 = arith.constant true
    %reduce_or3A_239 = vector.broadcast %reduce_or3A_238 : i1 to vector<16xi1>
    %reduce_or3A_240 = tpu.scan <max>, %reduce_or3A_237 masked %reduce_or3A_239 : vector<16xf32>, vector<16xi1> -> vector<16xf32>
    %reduce_or3A_241 = vector.extract %reduce_or3A_240[15] : f32 from vector<16xf32>
    %reduce_or3A_242 = arith.constant 0.000000e+00 : f32
    %reduce_or3A_243 = arith.cmpf ogt, %reduce_or3A_241, %reduce_or3A_242 : f32
    %swap3A_244 = arith.constant 9 : i32
    %swap3A_245 = arith.index_cast %add3A_228 : i32 to index
    %swap3A_246 = memref.load %arg8[%swap3A_245] : memref<32xi32, #tpu.memory_space<smem>>
    memref.store %swap3A_244, %arg8[%swap3A_245] : memref<32xi32, #tpu.memory_space<smem>>
    %jit3A_247 = arith.constant 1 : i32
    %jit3A_248 = arith.constant 0 : i32
    %select_n3A_249 = arith.select %reduce_or3A_243, %jit3A_247, %jit3A_248 : i32
    %add3A_250 = arith.addi %add3A_228, %select_n3A_249 : i32
    %get3A_251 = arith.constant 160 : index
    %get3A_252 = tpu.vector_load %arg6[%get3A_251] {strides = array<i32>} : memref<512xf32, #tpu.memory_space<vmem>>, vector<16xf32>,
    %gt3A_253 = vector.broadcast %sub3A_34 : f32 to vector<16xf32>
    %gt3A_254 = arith.cmpf ogt, %get3A_252, %gt3A_253 : vector<16xf32>
    %reduce_or3A_255 = arith.constant 1.000000e+00 : f32
    %reduce_or3A_256 = arith.constant 0.000000e+00 : f32
    %reduce_or3A_257 = vector.broadcast %reduce_or3A_255 : f32 to vector<16xf32>
    %reduce_or3A_258 = vector.broadcast %reduce_or3A_256 : f32 to vector<16xf32>
    %reduce_or3A_259 = arith.select %gt3A_254, %reduce_or3A_257, %reduce_or3A_258 : vector<16xi1>, vector<16xf32>
    %reduce_or3A_260 = arith.constant true
    %reduce_or3A_261 = vector.broadcast %reduce_or3A_260 : i1 to vector<16xi1>
    %reduce_or3A_262 = tpu.scan <max>, %reduce_or3A_259 masked %reduce_or3A_261 : vector<16xf32>, vector<16xi1> -> vector<16xf32>
    %reduce_or3A_263 = vector.extract %reduce_or3A_262[15] : f32 from vector<16xf32>
    %reduce_or3A_264 = arith.constant 0.000000e+00 : f32
    %reduce_or3A_265 = arith.cmpf ogt, %reduce_or3A_263, %reduce_or3A_264 : f32
    %swap3A_266 = arith.constant 10 : i32
    %swap3A_267 = arith.index_cast %add3A_250 : i32 to index
    %swap3A_268 = memref.load %arg8[%swap3A_267] : memref<32xi32, #tpu.memory_space<smem>>
    memref.store %swap3A_266, %arg8[%swap3A_267] : memref<32xi32, #tpu.memory_space<smem>>
    %jit3A_269 = arith.constant 1 : i32
    %jit3A_270 = arith.constant 0 : i32
    %select_n3A_271 = arith.select %reduce_or3A_265, %jit3A_269, %jit3A_270 : i32
    %add3A_272 = arith.addi %add3A_250, %select_n3A_271 : i32
    %get3A_273 = arith.constant 176 : index
    %get3A_274 = tpu.vector_load %arg6[%get3A_273] {strides = array<i32>} : memref<512xf32, #tpu.memory_space<vmem>>, vector<16xf32>,
    %gt3A_275 = vector.broadcast %sub3A_34 : f32 to vector<16xf32>
    %gt3A_276 = arith.cmpf ogt, %get3A_274, %gt3A_275 : vector<16xf32>
    %reduce_or3A_277 = arith.constant 1.000000e+00 : f32
    %reduce_or3A_278 = arith.constant 0.000000e+00 : f32
    %reduce_or3A_279 = vector.broadcast %reduce_or3A_277 : f32 to vector<16xf32>
    %reduce_or3A_280 = vector.broadcast %reduce_or3A_278 : f32 to vector<16xf32>
    %reduce_or3A_281 = arith.select %gt3A_276, %reduce_or3A_279, %reduce_or3A_280 : vector<16xi1>, vector<16xf32>
    %reduce_or3A_282 = arith.constant true
    %reduce_or3A_283 = vector.broadcast %reduce_or3A_282 : i1 to vector<16xi1>
    %reduce_or3A_284 = tpu.scan <max>, %reduce_or3A_281 masked %reduce_or3A_283 : vector<16xf32>, vector<16xi1> -> vector<16xf32>
    %reduce_or3A_285 = vector.extract %reduce_or3A_284[15] : f32 from vector<16xf32>
    %reduce_or3A_286 = arith.constant 0.000000e+00 : f32
    %reduce_or3A_287 = arith.cmpf ogt, %reduce_or3A_285, %reduce_or3A_286 : f32
    %swap3A_288 = arith.constant 11 : i32
    %swap3A_289 = arith.index_cast %add3A_272 : i32 to index
    %swap3A_290 = memref.load %arg8[%swap3A_289] : memref<32xi32, #tpu.memory_space<smem>>
    memref.store %swap3A_288, %arg8[%swap3A_289] : memref<32xi32, #tpu.memory_space<smem>>
    %jit3A_291 = arith.constant 1 : i32
    %jit3A_292 = arith.constant 0 : i32
    %select_n3A_293 = arith.select %reduce_or3A_287, %jit3A_291, %jit3A_292 : i32
    %add3A_294 = arith.addi %add3A_272, %select_n3A_293 : i32
    %get3A_295 = arith.constant 192 : index
    %get3A_296 = tpu.vector_load %arg6[%get3A_295] {strides = array<i32>} : memref<512xf32, #tpu.memory_space<vmem>>, vector<16xf32>,
    %gt3A_297 = vector.broadcast %sub3A_34 : f32 to vector<16xf32>
    %gt3A_298 = arith.cmpf ogt, %get3A_296, %gt3A_297 : vector<16xf32>
    %reduce_or3A_299 = arith.constant 1.000000e+00 : f32
    %reduce_or3A_300 = arith.constant 0.000000e+00 : f32
    %reduce_or3A_301 = vector.broadcast %reduce_or3A_299 : f32 to vector<16xf32>
    %reduce_or3A_302 = vector.broadcast %reduce_or3A_300 : f32 to vector<16xf32>
    %reduce_or3A_303 = arith.select %gt3A_298, %reduce_or3A_301, %reduce_or3A_302 : vector<16xi1>, vector<16xf32>
    %reduce_or3A_304 = arith.constant true
    %reduce_or3A_305 = vector.broadcast %reduce_or3A_304 : i1 to vector<16xi1>
    %reduce_or3A_306 = tpu.scan <max>, %reduce_or3A_303 masked %reduce_or3A_305 : vector<16xf32>, vector<16xi1> -> vector<16xf32>
    %reduce_or3A_307 = vector.extract %reduce_or3A_306[15] : f32 from vector<16xf32>
    %reduce_or3A_308 = arith.constant 0.000000e+00 : f32
    %reduce_or3A_309 = arith.cmpf ogt, %reduce_or3A_307, %reduce_or3A_308 : f32
    %swap3A_310 = arith.constant 12 : i32
    %swap3A_311 = arith.index_cast %add3A_294 : i32 to index
    %swap3A_312 = memref.load %arg8[%swap3A_311] : memref<32xi32, #tpu.memory_space<smem>>
    memref.store %swap3A_310, %arg8[%swap3A_311] : memref<32xi32, #tpu.memory_space<smem>>
    %jit3A_313 = arith.constant 1 : i32
    %jit3A_314 = arith.constant 0 : i32
    %select_n3A_315 = arith.select %reduce_or3A_309, %jit3A_313, %jit3A_314 : i32
    %add3A_316 = arith.addi %add3A_294, %select_n3A_315 : i32
    %get3A_317 = arith.constant 208 : index
    %get3A_318 = tpu.vector_load %arg6[%get3A_317] {strides = array<i32>} : memref<512xf32, #tpu.memory_space<vmem>>, vector<16xf32>,
    %gt3A_319 = vector.broadcast %sub3A_34 : f32 to vector<16xf32>
    %gt3A_320 = arith.cmpf ogt, %get3A_318, %gt3A_319 : vector<16xf32>
    %reduce_or3A_321 = arith.constant 1.000000e+00 : f32
    %reduce_or3A_322 = arith.constant 0.000000e+00 : f32
    %reduce_or3A_323 = vector.broadcast %reduce_or3A_321 : f32 to vector<16xf32>
    %reduce_or3A_324 = vector.broadcast %reduce_or3A_322 : f32 to vector<16xf32>
    %reduce_or3A_325 = arith.select %gt3A_320, %reduce_or3A_323, %reduce_or3A_324 : vector<16xi1>, vector<16xf32>
    %reduce_or3A_326 = arith.constant true
    %reduce_or3A_327 = vector.broadcast %reduce_or3A_326 : i1 to vector<16xi1>
    %reduce_or3A_328 = tpu.scan <max>, %reduce_or3A_325 masked %reduce_or3A_327 : vector<16xf32>, vector<16xi1> -> vector<16xf32>
    %reduce_or3A_329 = vector.extract %reduce_or3A_328[15] : f32 from vector<16xf32>
    %reduce_or3A_330 = arith.constant 0.000000e+00 : f32
    %reduce_or3A_331 = arith.cmpf ogt, %reduce_or3A_329, %reduce_or3A_330 : f32
    %swap3A_332 = arith.constant 13 : i32
    %swap3A_333 = arith.index_cast %add3A_316 : i32 to index
    %swap3A_334 = memref.load %arg8[%swap3A_333] : memref<32xi32, #tpu.memory_space<smem>>
    memref.store %swap3A_332, %arg8[%swap3A_333] : memref<32xi32, #tpu.memory_space<smem>>
    %jit3A_335 = arith.constant 1 : i32
    %jit3A_336 = arith.constant 0 : i32
    %select_n3A_337 = arith.select %reduce_or3A_331, %jit3A_335, %jit3A_336 : i32
    %add3A_338 = arith.addi %add3A_316, %select_n3A_337 : i32
    %get3A_339 = arith.constant 224 : index
    %get3A_340 = tpu.vector_load %arg6[%get3A_339] {strides = array<i32>} : memref<512xf32, #tpu.memory_space<vmem>>, vector<16xf32>,
    %gt3A_341 = vector.broadcast %sub3A_34 : f32 to vector<16xf32>
    %gt3A_342 = arith.cmpf ogt, %get3A_340, %gt3A_341 : vector<16xf32>
    %reduce_or3A_343 = arith.constant 1.000000e+00 : f32
    %reduce_or3A_344 = arith.constant 0.000000e+00 : f32
    %reduce_or3A_345 = vector.broadcast %reduce_or3A_343 : f32 to vector<16xf32>
    %reduce_or3A_346 = vector.broadcast %reduce_or3A_344 : f32 to vector<16xf32>
    %reduce_or3A_347 = arith.select %gt3A_342, %reduce_or3A_345, %reduce_or3A_346 : vector<16xi1>, vector<16xf32>
    %reduce_or3A_348 = arith.constant true
    %reduce_or3A_349 = vector.broadcast %reduce_or3A_348 : i1 to vector<16xi1>
    %reduce_or3A_350 = tpu.scan <max>, %reduce_or3A_347 masked %reduce_or3A_349 : vector<16xf32>, vector<16xi1> -> vector<16xf32>
    %reduce_or3A_351 = vector.extract %reduce_or3A_350[15] : f32 from vector<16xf32>
    %reduce_or3A_352 = arith.constant 0.000000e+00 : f32
    %reduce_or3A_353 = arith.cmpf ogt, %reduce_or3A_351, %reduce_or3A_352 : f32
    %swap3A_354 = arith.constant 14 : i32
    %swap3A_355 = arith.index_cast %add3A_338 : i32 to index
    %swap3A_356 = memref.load %arg8[%swap3A_355] : memref<32xi32, #tpu.memory_space<smem>>
    memref.store %swap3A_354, %arg8[%swap3A_355] : memref<32xi32, #tpu.memory_space<smem>>
    %jit3A_357 = arith.constant 1 : i32
    %jit3A_358 = arith.constant 0 : i32
    %select_n3A_359 = arith.select %reduce_or3A_353, %jit3A_357, %jit3A_358 : i32
    %add3A_360 = arith.addi %add3A_338, %select_n3A_359 : i32
    %get3A_361 = arith.constant 240 : index
    %get3A_362 = tpu.vector_load %arg6[%get3A_361] {strides = array<i32>} : memref<512xf32, #tpu.memory_space<vmem>>, vector<16xf32>,
    %gt3A_363 = vector.broadcast %sub3A_34 : f32 to vector<16xf32>
    %gt3A_364 = arith.cmpf ogt, %get3A_362, %gt3A_363 : vector<16xf32>
    %reduce_or3A_365 = arith.constant 1.000000e+00 : f32
    %reduce_or3A_366 = arith.constant 0.000000e+00 : f32
    %reduce_or3A_367 = vector.broadcast %reduce_or3A_365 : f32 to vector<16xf32>
    %reduce_or3A_368 = vector.broadcast %reduce_or3A_366 : f32 to vector<16xf32>
    %reduce_or3A_369 = arith.select %gt3A_364, %reduce_or3A_367, %reduce_or3A_368 : vector<16xi1>, vector<16xf32>
    %reduce_or3A_370 = arith.constant true
    %reduce_or3A_371 = vector.broadcast %reduce_or3A_370 : i1 to vector<16xi1>
    %reduce_or3A_372 = tpu.scan <max>, %reduce_or3A_369 masked %reduce_or3A_371 : vector<16xf32>, vector<16xi1> -> vector<16xf32>
    %reduce_or3A_373 = vector.extract %reduce_or3A_372[15] : f32 from vector<16xf32>
    %reduce_or3A_374 = arith.constant 0.000000e+00 : f32
    %reduce_or3A_375 = arith.cmpf ogt, %reduce_or3A_373, %reduce_or3A_374 : f32
    %swap3A_376 = arith.constant 15 : i32
    %swap3A_377 = arith.index_cast %add3A_360 : i32 to index
    %swap3A_378 = memref.load %arg8[%swap3A_377] : memref<32xi32, #tpu.memory_space<smem>>
    memref.store %swap3A_376, %arg8[%swap3A_377] : memref<32xi32, #tpu.memory_space<smem>>
    %jit3A_379 = arith.constant 1 : i32
    %jit3A_380 = arith.constant 0 : i32
    %select_n3A_381 = arith.select %reduce_or3A_375, %jit3A_379, %jit3A_380 : i32
    %add3A_382 = arith.addi %add3A_360, %select_n3A_381 : i32
    %get3A_383 = arith.constant 256 : index
    %get3A_384 = tpu.vector_load %arg6[%get3A_383] {strides = array<i32>} : memref<512xf32, #tpu.memory_space<vmem>>, vector<16xf32>,
    %gt3A_385 = vector.broadcast %sub3A_34 : f32 to vector<16xf32>
    %gt3A_386 = arith.cmpf ogt, %get3A_384, %gt3A_385 : vector<16xf32>
    %reduce_or3A_387 = arith.constant 1.000000e+00 : f32
    %reduce_or3A_388 = arith.constant 0.000000e+00 : f32
    %reduce_or3A_389 = vector.broadcast %reduce_or3A_387 : f32 to vector<16xf32>
    %reduce_or3A_390 = vector.broadcast %reduce_or3A_388 : f32 to vector<16xf32>
    %reduce_or3A_391 = arith.select %gt3A_386, %reduce_or3A_389, %reduce_or3A_390 : vector<16xi1>, vector<16xf32>
    %reduce_or3A_392 = arith.constant true
    %reduce_or3A_393 = vector.broadcast %reduce_or3A_392 : i1 to vector<16xi1>
    %reduce_or3A_394 = tpu.scan <max>, %reduce_or3A_391 masked %reduce_or3A_393 : vector<16xf32>, vector<16xi1> -> vector<16xf32>
    %reduce_or3A_395 = vector.extract %reduce_or3A_394[15] : f32 from vector<16xf32>
    %reduce_or3A_396 = arith.constant 0.000000e+00 : f32
    %reduce_or3A_397 = arith.cmpf ogt, %reduce_or3A_395, %reduce_or3A_396 : f32
    %swap3A_398 = arith.constant 16 : i32
    %swap3A_399 = arith.index_cast %add3A_382 : i32 to index
    %swap3A_400 = memref.load %arg8[%swap3A_399] : memref<32xi32, #tpu.memory_space<smem>>
    memref.store %swap3A_398, %arg8[%swap3A_399] : memref<32xi32, #tpu.memory_space<smem>>
    %jit3A_401 = arith.constant 1 : i32
    %jit3A_402 = arith.constant 0 : i32
    %select_n3A_403 = arith.select %reduce_or3A_397, %jit3A_401, %jit3A_402 : i32
    %add3A_404 = arith.addi %add3A_382, %select_n3A_403 : i32
    %get3A_405 = arith.constant 272 : index
    %get3A_406 = tpu.vector_load %arg6[%get3A_405] {strides = array<i32>} : memref<512xf32, #tpu.memory_space<vmem>>, vector<16xf32>,
    %gt3A_407 = vector.broadcast %sub3A_34 : f32 to vector<16xf32>
    %gt3A_408 = arith.cmpf ogt, %get3A_406, %gt3A_407 : vector<16xf32>
    %reduce_or3A_409 = arith.constant 1.000000e+00 : f32
    %reduce_or3A_410 = arith.constant 0.000000e+00 : f32
    %reduce_or3A_411 = vector.broadcast %reduce_or3A_409 : f32 to vector<16xf32>
    %reduce_or3A_412 = vector.broadcast %reduce_or3A_410 : f32 to vector<16xf32>
    %reduce_or3A_413 = arith.select %gt3A_408, %reduce_or3A_411, %reduce_or3A_412 : vector<16xi1>, vector<16xf32>
    %reduce_or3A_414 = arith.constant true
    %reduce_or3A_415 = vector.broadcast %reduce_or3A_414 : i1 to vector<16xi1>
    %reduce_or3A_416 = tpu.scan <max>, %reduce_or3A_413 masked %reduce_or3A_415 : vector<16xf32>, vector<16xi1> -> vector<16xf32>
    %reduce_or3A_417 = vector.extract %reduce_or3A_416[15] : f32 from vector<16xf32>
    %reduce_or3A_418 = arith.constant 0.000000e+00 : f32
    %reduce_or3A_419 = arith.cmpf ogt, %reduce_or3A_417, %reduce_or3A_418 : f32
    %swap3A_420 = arith.constant 17 : i32
    %swap3A_421 = arith.index_cast %add3A_404 : i32 to index
    %swap3A_422 = memref.load %arg8[%swap3A_421] : memref<32xi32, #tpu.memory_space<smem>>
    memref.store %swap3A_420, %arg8[%swap3A_421] : memref<32xi32, #tpu.memory_space<smem>>
    %jit3A_423 = arith.constant 1 : i32
    %jit3A_424 = arith.constant 0 : i32
    %select_n3A_425 = arith.select %reduce_or3A_419, %jit3A_423, %jit3A_424 : i32
    %add3A_426 = arith.addi %add3A_404, %select_n3A_425 : i32
    %get3A_427 = arith.constant 288 : index
    %get3A_428 = tpu.vector_load %arg6[%get3A_427] {strides = array<i32>} : memref<512xf32, #tpu.memory_space<vmem>>, vector<16xf32>,
    %gt3A_429 = vector.broadcast %sub3A_34 : f32 to vector<16xf32>
    %gt3A_430 = arith.cmpf ogt, %get3A_428, %gt3A_429 : vector<16xf32>
    %reduce_or3A_431 = arith.constant 1.000000e+00 : f32
    %reduce_or3A_432 = arith.constant 0.000000e+00 : f32
    %reduce_or3A_433 = vector.broadcast %reduce_or3A_431 : f32 to vector<16xf32>
    %reduce_or3A_434 = vector.broadcast %reduce_or3A_432 : f32 to vector<16xf32>
    %reduce_or3A_435 = arith.select %gt3A_430, %reduce_or3A_433, %reduce_or3A_434 : vector<16xi1>, vector<16xf32>
    %reduce_or3A_436 = arith.constant true
    %reduce_or3A_437 = vector.broadcast %reduce_or3A_436 : i1 to vector<16xi1>
    %reduce_or3A_438 = tpu.scan <max>, %reduce_or3A_435 masked %reduce_or3A_437 : vector<16xf32>, vector<16xi1> -> vector<16xf32>
    %reduce_or3A_439 = vector.extract %reduce_or3A_438[15] : f32 from vector<16xf32>
    %reduce_or3A_440 = arith.constant 0.000000e+00 : f32
    %reduce_or3A_441 = arith.cmpf ogt, %reduce_or3A_439, %reduce_or3A_440 : f32
    %swap3A_442 = arith.constant 18 : i32
    %swap3A_443 = arith.index_cast %add3A_426 : i32 to index
    %swap3A_444 = memref.load %arg8[%swap3A_443] : memref<32xi32, #tpu.memory_space<smem>>
    memref.store %swap3A_442, %arg8[%swap3A_443] : memref<32xi32, #tpu.memory_space<smem>>
    %jit3A_445 = arith.constant 1 : i32
    %jit3A_446 = arith.constant 0 : i32
    %select_n3A_447 = arith.select %reduce_or3A_441, %jit3A_445, %jit3A_446 : i32
    %add3A_448 = arith.addi %add3A_426, %select_n3A_447 : i32
    %get3A_449 = arith.constant 304 : index
    %get3A_450 = tpu.vector_load %arg6[%get3A_449] {strides = array<i32>} : memref<512xf32, #tpu.memory_space<vmem>>, vector<16xf32>,
    %gt3A_451 = vector.broadcast %sub3A_34 : f32 to vector<16xf32>
    %gt3A_452 = arith.cmpf ogt, %get3A_450, %gt3A_451 : vector<16xf32>
    %reduce_or3A_453 = arith.constant 1.000000e+00 : f32
    %reduce_or3A_454 = arith.constant 0.000000e+00 : f32
    %reduce_or3A_455 = vector.broadcast %reduce_or3A_453 : f32 to vector<16xf32>
    %reduce_or3A_456 = vector.broadcast %reduce_or3A_454 : f32 to vector<16xf32>
    %reduce_or3A_457 = arith.select %gt3A_452, %reduce_or3A_455, %reduce_or3A_456 : vector<16xi1>, vector<16xf32>
    %reduce_or3A_458 = arith.constant true
    %reduce_or3A_459 = vector.broadcast %reduce_or3A_458 : i1 to vector<16xi1>
    %reduce_or3A_460 = tpu.scan <max>, %reduce_or3A_457 masked %reduce_or3A_459 : vector<16xf32>, vector<16xi1> -> vector<16xf32>
    %reduce_or3A_461 = vector.extract %reduce_or3A_460[15] : f32 from vector<16xf32>
    %reduce_or3A_462 = arith.constant 0.000000e+00 : f32
    %reduce_or3A_463 = arith.cmpf ogt, %reduce_or3A_461, %reduce_or3A_462 : f32
    %swap3A_464 = arith.constant 19 : i32
    %swap3A_465 = arith.index_cast %add3A_448 : i32 to index
    %swap3A_466 = memref.load %arg8[%swap3A_465] : memref<32xi32, #tpu.memory_space<smem>>
    memref.store %swap3A_464, %arg8[%swap3A_465] : memref<32xi32, #tpu.memory_space<smem>>
    %jit3A_467 = arith.constant 1 : i32
    %jit3A_468 = arith.constant 0 : i32
    %select_n3A_469 = arith.select %reduce_or3A_463, %jit3A_467, %jit3A_468 : i32
    %add3A_470 = arith.addi %add3A_448, %select_n3A_469 : i32
    %get3A_471 = arith.constant 320 : index
    %get3A_472 = tpu.vector_load %arg6[%get3A_471] {strides = array<i32>} : memref<512xf32, #tpu.memory_space<vmem>>, vector<16xf32>,
    %gt3A_473 = vector.broadcast %sub3A_34 : f32 to vector<16xf32>
    %gt3A_474 = arith.cmpf ogt, %get3A_472, %gt3A_473 : vector<16xf32>
    %reduce_or3A_475 = arith.constant 1.000000e+00 : f32
    %reduce_or3A_476 = arith.constant 0.000000e+00 : f32
    %reduce_or3A_477 = vector.broadcast %reduce_or3A_475 : f32 to vector<16xf32>
    %reduce_or3A_478 = vector.broadcast %reduce_or3A_476 : f32 to vector<16xf32>
    %reduce_or3A_479 = arith.select %gt3A_474, %reduce_or3A_477, %reduce_or3A_478 : vector<16xi1>, vector<16xf32>
    %reduce_or3A_480 = arith.constant true
    %reduce_or3A_481 = vector.broadcast %reduce_or3A_480 : i1 to vector<16xi1>
    %reduce_or3A_482 = tpu.scan <max>, %reduce_or3A_479 masked %reduce_or3A_481 : vector<16xf32>, vector<16xi1> -> vector<16xf32>
    %reduce_or3A_483 = vector.extract %reduce_or3A_482[15] : f32 from vector<16xf32>
    %reduce_or3A_484 = arith.constant 0.000000e+00 : f32
    %reduce_or3A_485 = arith.cmpf ogt, %reduce_or3A_483, %reduce_or3A_484 : f32
    %swap3A_486 = arith.constant 20 : i32
    %swap3A_487 = arith.index_cast %add3A_470 : i32 to index
    %swap3A_488 = memref.load %arg8[%swap3A_487] : memref<32xi32, #tpu.memory_space<smem>>
    memref.store %swap3A_486, %arg8[%swap3A_487] : memref<32xi32, #tpu.memory_space<smem>>
    %jit3A_489 = arith.constant 1 : i32
    %jit3A_490 = arith.constant 0 : i32
    %select_n3A_491 = arith.select %reduce_or3A_485, %jit3A_489, %jit3A_490 : i32
    %add3A_492 = arith.addi %add3A_470, %select_n3A_491 : i32
    %get3A_493 = arith.constant 336 : index
    %get3A_494 = tpu.vector_load %arg6[%get3A_493] {strides = array<i32>} : memref<512xf32, #tpu.memory_space<vmem>>, vector<16xf32>,
    %gt3A_495 = vector.broadcast %sub3A_34 : f32 to vector<16xf32>
    %gt3A_496 = arith.cmpf ogt, %get3A_494, %gt3A_495 : vector<16xf32>
    %reduce_or3A_497 = arith.constant 1.000000e+00 : f32
    %reduce_or3A_498 = arith.constant 0.000000e+00 : f32
    %reduce_or3A_499 = vector.broadcast %reduce_or3A_497 : f32 to vector<16xf32>
    %reduce_or3A_500 = vector.broadcast %reduce_or3A_498 : f32 to vector<16xf32>
    %reduce_or3A_501 = arith.select %gt3A_496, %reduce_or3A_499, %reduce_or3A_500 : vector<16xi1>, vector<16xf32>
    %reduce_or3A_502 = arith.constant true
    %reduce_or3A_503 = vector.broadcast %reduce_or3A_502 : i1 to vector<16xi1>
    %reduce_or3A_504 = tpu.scan <max>, %reduce_or3A_501 masked %reduce_or3A_503 : vector<16xf32>, vector<16xi1> -> vector<16xf32>
    %reduce_or3A_505 = vector.extract %reduce_or3A_504[15] : f32 from vector<16xf32>
    %reduce_or3A_506 = arith.constant 0.000000e+00 : f32
    %reduce_or3A_507 = arith.cmpf ogt, %reduce_or3A_505, %reduce_or3A_506 : f32
    %swap3A_508 = arith.constant 21 : i32
    %swap3A_509 = arith.index_cast %add3A_492 : i32 to index
    %swap3A_510 = memref.load %arg8[%swap3A_509] : memref<32xi32, #tpu.memory_space<smem>>
    memref.store %swap3A_508, %arg8[%swap3A_509] : memref<32xi32, #tpu.memory_space<smem>>
    %jit3A_511 = arith.constant 1 : i32
    %jit3A_512 = arith.constant 0 : i32
    %select_n3A_513 = arith.select %reduce_or3A_507, %jit3A_511, %jit3A_512 : i32
    %add3A_514 = arith.addi %add3A_492, %select_n3A_513 : i32
    %get3A_515 = arith.constant 352 : index
    %get3A_516 = tpu.vector_load %arg6[%get3A_515] {strides = array<i32>} : memref<512xf32, #tpu.memory_space<vmem>>, vector<16xf32>,
    %gt3A_517 = vector.broadcast %sub3A_34 : f32 to vector<16xf32>
    %gt3A_518 = arith.cmpf ogt, %get3A_516, %gt3A_517 : vector<16xf32>
    %reduce_or3A_519 = arith.constant 1.000000e+00 : f32
    %reduce_or3A_520 = arith.constant 0.000000e+00 : f32
    %reduce_or3A_521 = vector.broadcast %reduce_or3A_519 : f32 to vector<16xf32>
    %reduce_or3A_522 = vector.broadcast %reduce_or3A_520 : f32 to vector<16xf32>
    %reduce_or3A_523 = arith.select %gt3A_518, %reduce_or3A_521, %reduce_or3A_522 : vector<16xi1>, vector<16xf32>
    %reduce_or3A_524 = arith.constant true
    %reduce_or3A_525 = vector.broadcast %reduce_or3A_524 : i1 to vector<16xi1>
    %reduce_or3A_526 = tpu.scan <max>, %reduce_or3A_523 masked %reduce_or3A_525 : vector<16xf32>, vector<16xi1> -> vector<16xf32>
    %reduce_or3A_527 = vector.extract %reduce_or3A_526[15] : f32 from vector<16xf32>
    %reduce_or3A_528 = arith.constant 0.000000e+00 : f32
    %reduce_or3A_529 = arith.cmpf ogt, %reduce_or3A_527, %reduce_or3A_528 : f32
    %swap3A_530 = arith.constant 22 : i32
    %swap3A_531 = arith.index_cast %add3A_514 : i32 to index
    %swap3A_532 = memref.load %arg8[%swap3A_531] : memref<32xi32, #tpu.memory_space<smem>>
    memref.store %swap3A_530, %arg8[%swap3A_531] : memref<32xi32, #tpu.memory_space<smem>>
    %jit3A_533 = arith.constant 1 : i32
    %jit3A_534 = arith.constant 0 : i32
    %select_n3A_535 = arith.select %reduce_or3A_529, %jit3A_533, %jit3A_534 : i32
    %add3A_536 = arith.addi %add3A_514, %select_n3A_535 : i32
    %get3A_537 = arith.constant 368 : index
    %get3A_538 = tpu.vector_load %arg6[%get3A_537] {strides = array<i32>} : memref<512xf32, #tpu.memory_space<vmem>>, vector<16xf32>,
    %gt3A_539 = vector.broadcast %sub3A_34 : f32 to vector<16xf32>
    %gt3A_540 = arith.cmpf ogt, %get3A_538, %gt3A_539 : vector<16xf32>
    %reduce_or3A_541 = arith.constant 1.000000e+00 : f32
    %reduce_or3A_542 = arith.constant 0.000000e+00 : f32
    %reduce_or3A_543 = vector.broadcast %reduce_or3A_541 : f32 to vector<16xf32>
    %reduce_or3A_544 = vector.broadcast %reduce_or3A_542 : f32 to vector<16xf32>
    %reduce_or3A_545 = arith.select %gt3A_540, %reduce_or3A_543, %reduce_or3A_544 : vector<16xi1>, vector<16xf32>
    %reduce_or3A_546 = arith.constant true
    %reduce_or3A_547 = vector.broadcast %reduce_or3A_546 : i1 to vector<16xi1>
    %reduce_or3A_548 = tpu.scan <max>, %reduce_or3A_545 masked %reduce_or3A_547 : vector<16xf32>, vector<16xi1> -> vector<16xf32>
    %reduce_or3A_549 = vector.extract %reduce_or3A_548[15] : f32 from vector<16xf32>
    %reduce_or3A_550 = arith.constant 0.000000e+00 : f32
    %reduce_or3A_551 = arith.cmpf ogt, %reduce_or3A_549, %reduce_or3A_550 : f32
    %swap3A_552 = arith.constant 23 : i32
    %swap3A_553 = arith.index_cast %add3A_536 : i32 to index
    %swap3A_554 = memref.load %arg8[%swap3A_553] : memref<32xi32, #tpu.memory_space<smem>>
    memref.store %swap3A_552, %arg8[%swap3A_553] : memref<32xi32, #tpu.memory_space<smem>>
    %jit3A_555 = arith.constant 1 : i32
    %jit3A_556 = arith.constant 0 : i32
    %select_n3A_557 = arith.select %reduce_or3A_551, %jit3A_555, %jit3A_556 : i32
    %add3A_558 = arith.addi %add3A_536, %select_n3A_557 : i32
    %get3A_559 = arith.constant 384 : index
    %get3A_560 = tpu.vector_load %arg6[%get3A_559] {strides = array<i32>} : memref<512xf32, #tpu.memory_space<vmem>>, vector<16xf32>,
    %gt3A_561 = vector.broadcast %sub3A_34 : f32 to vector<16xf32>
    %gt3A_562 = arith.cmpf ogt, %get3A_560, %gt3A_561 : vector<16xf32>
    %reduce_or3A_563 = arith.constant 1.000000e+00 : f32
    %reduce_or3A_564 = arith.constant 0.000000e+00 : f32
    %reduce_or3A_565 = vector.broadcast %reduce_or3A_563 : f32 to vector<16xf32>
    %reduce_or3A_566 = vector.broadcast %reduce_or3A_564 : f32 to vector<16xf32>
    %reduce_or3A_567 = arith.select %gt3A_562, %reduce_or3A_565, %reduce_or3A_566 : vector<16xi1>, vector<16xf32>
    %reduce_or3A_568 = arith.constant true
    %reduce_or3A_569 = vector.broadcast %reduce_or3A_568 : i1 to vector<16xi1>
    %reduce_or3A_570 = tpu.scan <max>, %reduce_or3A_567 masked %reduce_or3A_569 : vector<16xf32>, vector<16xi1> -> vector<16xf32>
    %reduce_or3A_571 = vector.extract %reduce_or3A_570[15] : f32 from vector<16xf32>
    %reduce_or3A_572 = arith.constant 0.000000e+00 : f32
    %reduce_or3A_573 = arith.cmpf ogt, %reduce_or3A_571, %reduce_or3A_572 : f32
    %swap3A_574 = arith.constant 24 : i32
    %swap3A_575 = arith.index_cast %add3A_558 : i32 to index
    %swap3A_576 = memref.load %arg8[%swap3A_575] : memref<32xi32, #tpu.memory_space<smem>>
    memref.store %swap3A_574, %arg8[%swap3A_575] : memref<32xi32, #tpu.memory_space<smem>>
    %jit3A_577 = arith.constant 1 : i32
    %jit3A_578 = arith.constant 0 : i32
    %select_n3A_579 = arith.select %reduce_or3A_573, %jit3A_577, %jit3A_578 : i32
    %add3A_580 = arith.addi %add3A_558, %select_n3A_579 : i32
    %get3A_581 = arith.constant 400 : index
    %get3A_582 = tpu.vector_load %arg6[%get3A_581] {strides = array<i32>} : memref<512xf32, #tpu.memory_space<vmem>>, vector<16xf32>,
    %gt3A_583 = vector.broadcast %sub3A_34 : f32 to vector<16xf32>
    %gt3A_584 = arith.cmpf ogt, %get3A_582, %gt3A_583 : vector<16xf32>
    %reduce_or3A_585 = arith.constant 1.000000e+00 : f32
    %reduce_or3A_586 = arith.constant 0.000000e+00 : f32
    %reduce_or3A_587 = vector.broadcast %reduce_or3A_585 : f32 to vector<16xf32>
    %reduce_or3A_588 = vector.broadcast %reduce_or3A_586 : f32 to vector<16xf32>
    %reduce_or3A_589 = arith.select %gt3A_584, %reduce_or3A_587, %reduce_or3A_588 : vector<16xi1>, vector<16xf32>
    %reduce_or3A_590 = arith.constant true
    %reduce_or3A_591 = vector.broadcast %reduce_or3A_590 : i1 to vector<16xi1>
    %reduce_or3A_592 = tpu.scan <max>, %reduce_or3A_589 masked %reduce_or3A_591 : vector<16xf32>, vector<16xi1> -> vector<16xf32>
    %reduce_or3A_593 = vector.extract %reduce_or3A_592[15] : f32 from vector<16xf32>
    %reduce_or3A_594 = arith.constant 0.000000e+00 : f32
    %reduce_or3A_595 = arith.cmpf ogt, %reduce_or3A_593, %reduce_or3A_594 : f32
    %swap3A_596 = arith.constant 25 : i32
    %swap3A_597 = arith.index_cast %add3A_580 : i32 to index
    %swap3A_598 = memref.load %arg8[%swap3A_597] : memref<32xi32, #tpu.memory_space<smem>>
    memref.store %swap3A_596, %arg8[%swap3A_597] : memref<32xi32, #tpu.memory_space<smem>>
    %jit3A_599 = arith.constant 1 : i32
    %jit3A_600 = arith.constant 0 : i32
    %select_n3A_601 = arith.select %reduce_or3A_595, %jit3A_599, %jit3A_600 : i32
    %add3A_602 = arith.addi %add3A_580, %select_n3A_601 : i32
    %get3A_603 = arith.constant 416 : index
    %get3A_604 = tpu.vector_load %arg6[%get3A_603] {strides = array<i32>} : memref<512xf32, #tpu.memory_space<vmem>>, vector<16xf32>,
    %gt3A_605 = vector.broadcast %sub3A_34 : f32 to vector<16xf32>
    %gt3A_606 = arith.cmpf ogt, %get3A_604, %gt3A_605 : vector<16xf32>
    %reduce_or3A_607 = arith.constant 1.000000e+00 : f32
    %reduce_or3A_608 = arith.constant 0.000000e+00 : f32
    %reduce_or3A_609 = vector.broadcast %reduce_or3A_607 : f32 to vector<16xf32>
    %reduce_or3A_610 = vector.broadcast %reduce_or3A_608 : f32 to vector<16xf32>
    %reduce_or3A_611 = arith.select %gt3A_606, %reduce_or3A_609, %reduce_or3A_610 : vector<16xi1>, vector<16xf32>
    %reduce_or3A_612 = arith.constant true
    %reduce_or3A_613 = vector.broadcast %reduce_or3A_612 : i1 to vector<16xi1>
    %reduce_or3A_614 = tpu.scan <max>, %reduce_or3A_611 masked %reduce_or3A_613 : vector<16xf32>, vector<16xi1> -> vector<16xf32>
    %reduce_or3A_615 = vector.extract %reduce_or3A_614[15] : f32 from vector<16xf32>
    %reduce_or3A_616 = arith.constant 0.000000e+00 : f32
    %reduce_or3A_617 = arith.cmpf ogt, %reduce_or3A_615, %reduce_or3A_616 : f32
    %swap3A_618 = arith.constant 26 : i32
    %swap3A_619 = arith.index_cast %add3A_602 : i32 to index
    %swap3A_620 = memref.load %arg8[%swap3A_619] : memref<32xi32, #tpu.memory_space<smem>>
    memref.store %swap3A_618, %arg8[%swap3A_619] : memref<32xi32, #tpu.memory_space<smem>>
    %jit3A_621 = arith.constant 1 : i32
    %jit3A_622 = arith.constant 0 : i32
    %select_n3A_623 = arith.select %reduce_or3A_617, %jit3A_621, %jit3A_622 : i32
    %add3A_624 = arith.addi %add3A_602, %select_n3A_623 : i32
    %get3A_625 = arith.constant 432 : index
    %get3A_626 = tpu.vector_load %arg6[%get3A_625] {strides = array<i32>} : memref<512xf32, #tpu.memory_space<vmem>>, vector<16xf32>,
    %gt3A_627 = vector.broadcast %sub3A_34 : f32 to vector<16xf32>
    %gt3A_628 = arith.cmpf ogt, %get3A_626, %gt3A_627 : vector<16xf32>
    %reduce_or3A_629 = arith.constant 1.000000e+00 : f32
    %reduce_or3A_630 = arith.constant 0.000000e+00 : f32
    %reduce_or3A_631 = vector.broadcast %reduce_or3A_629 : f32 to vector<16xf32>
    %reduce_or3A_632 = vector.broadcast %reduce_or3A_630 : f32 to vector<16xf32>
    %reduce_or3A_633 = arith.select %gt3A_628, %reduce_or3A_631, %reduce_or3A_632 : vector<16xi1>, vector<16xf32>
    %reduce_or3A_634 = arith.constant true
    %reduce_or3A_635 = vector.broadcast %reduce_or3A_634 : i1 to vector<16xi1>
    %reduce_or3A_636 = tpu.scan <max>, %reduce_or3A_633 masked %reduce_or3A_635 : vector<16xf32>, vector<16xi1> -> vector<16xf32>
    %reduce_or3A_637 = vector.extract %reduce_or3A_636[15] : f32 from vector<16xf32>
    %reduce_or3A_638 = arith.constant 0.000000e+00 : f32
    %reduce_or3A_639 = arith.cmpf ogt, %reduce_or3A_637, %reduce_or3A_638 : f32
    %swap3A_640 = arith.constant 27 : i32
    %swap3A_641 = arith.index_cast %add3A_624 : i32 to index
    %swap3A_642 = memref.load %arg8[%swap3A_641] : memref<32xi32, #tpu.memory_space<smem>>
    memref.store %swap3A_640, %arg8[%swap3A_641] : memref<32xi32, #tpu.memory_space<smem>>
    %jit3A_643 = arith.constant 1 : i32
    %jit3A_644 = arith.constant 0 : i32
    %select_n3A_645 = arith.select %reduce_or3A_639, %jit3A_643, %jit3A_644 : i32
    %add3A_646 = arith.addi %add3A_624, %select_n3A_645 : i32
    %get3A_647 = arith.constant 448 : index
    %get3A_648 = tpu.vector_load %arg6[%get3A_647] {strides = array<i32>} : memref<512xf32, #tpu.memory_space<vmem>>, vector<16xf32>,
    %gt3A_649 = vector.broadcast %sub3A_34 : f32 to vector<16xf32>
    %gt3A_650 = arith.cmpf ogt, %get3A_648, %gt3A_649 : vector<16xf32>
    %reduce_or3A_651 = arith.constant 1.000000e+00 : f32
    %reduce_or3A_652 = arith.constant 0.000000e+00 : f32
    %reduce_or3A_653 = vector.broadcast %reduce_or3A_651 : f32 to vector<16xf32>
    %reduce_or3A_654 = vector.broadcast %reduce_or3A_652 : f32 to vector<16xf32>
    %reduce_or3A_655 = arith.select %gt3A_650, %reduce_or3A_653, %reduce_or3A_654 : vector<16xi1>, vector<16xf32>
    %reduce_or3A_656 = arith.constant true
    %reduce_or3A_657 = vector.broadcast %reduce_or3A_656 : i1 to vector<16xi1>
    %reduce_or3A_658 = tpu.scan <max>, %reduce_or3A_655 masked %reduce_or3A_657 : vector<16xf32>, vector<16xi1> -> vector<16xf32>
    %reduce_or3A_659 = vector.extract %reduce_or3A_658[15] : f32 from vector<16xf32>
    %reduce_or3A_660 = arith.constant 0.000000e+00 : f32
    %reduce_or3A_661 = arith.cmpf ogt, %reduce_or3A_659, %reduce_or3A_660 : f32
    %swap3A_662 = arith.constant 28 : i32
    %swap3A_663 = arith.index_cast %add3A_646 : i32 to index
    %swap3A_664 = memref.load %arg8[%swap3A_663] : memref<32xi32, #tpu.memory_space<smem>>
    memref.store %swap3A_662, %arg8[%swap3A_663] : memref<32xi32, #tpu.memory_space<smem>>
    %jit3A_665 = arith.constant 1 : i32
    %jit3A_666 = arith.constant 0 : i32
    %select_n3A_667 = arith.select %reduce_or3A_661, %jit3A_665, %jit3A_666 : i32
    %add3A_668 = arith.addi %add3A_646, %select_n3A_667 : i32
    %get3A_669 = arith.constant 464 : index
    %get3A_670 = tpu.vector_load %arg6[%get3A_669] {strides = array<i32>} : memref<512xf32, #tpu.memory_space<vmem>>, vector<16xf32>,
    %gt3A_671 = vector.broadcast %sub3A_34 : f32 to vector<16xf32>
    %gt3A_672 = arith.cmpf ogt, %get3A_670, %gt3A_671 : vector<16xf32>
    %reduce_or3A_673 = arith.constant 1.000000e+00 : f32
    %reduce_or3A_674 = arith.constant 0.000000e+00 : f32
    %reduce_or3A_675 = vector.broadcast %reduce_or3A_673 : f32 to vector<16xf32>
    %reduce_or3A_676 = vector.broadcast %reduce_or3A_674 : f32 to vector<16xf32>
    %reduce_or3A_677 = arith.select %gt3A_672, %reduce_or3A_675, %reduce_or3A_676 : vector<16xi1>, vector<16xf32>
    %reduce_or3A_678 = arith.constant true
    %reduce_or3A_679 = vector.broadcast %reduce_or3A_678 : i1 to vector<16xi1>
    %reduce_or3A_680 = tpu.scan <max>, %reduce_or3A_677 masked %reduce_or3A_679 : vector<16xf32>, vector<16xi1> -> vector<16xf32>
    %reduce_or3A_681 = vector.extract %reduce_or3A_680[15] : f32 from vector<16xf32>
    %reduce_or3A_682 = arith.constant 0.000000e+00 : f32
    %reduce_or3A_683 = arith.cmpf ogt, %reduce_or3A_681, %reduce_or3A_682 : f32
    %swap3A_684 = arith.constant 29 : i32
    %swap3A_685 = arith.index_cast %add3A_668 : i32 to index
    %swap3A_686 = memref.load %arg8[%swap3A_685] : memref<32xi32, #tpu.memory_space<smem>>
    memref.store %swap3A_684, %arg8[%swap3A_685] : memref<32xi32, #tpu.memory_space<smem>>
    %jit3A_687 = arith.constant 1 : i32
    %jit3A_688 = arith.constant 0 : i32
    %select_n3A_689 = arith.select %reduce_or3A_683, %jit3A_687, %jit3A_688 : i32
    %add3A_690 = arith.addi %add3A_668, %select_n3A_689 : i32
    %get3A_691 = arith.constant 480 : index
    %get3A_692 = tpu.vector_load %arg6[%get3A_691] {strides = array<i32>} : memref<512xf32, #tpu.memory_space<vmem>>, vector<16xf32>,
    %gt3A_693 = vector.broadcast %sub3A_34 : f32 to vector<16xf32>
    %gt3A_694 = arith.cmpf ogt, %get3A_692, %gt3A_693 : vector<16xf32>
    %reduce_or3A_695 = arith.constant 1.000000e+00 : f32
    %reduce_or3A_696 = arith.constant 0.000000e+00 : f32
    %reduce_or3A_697 = vector.broadcast %reduce_or3A_695 : f32 to vector<16xf32>
    %reduce_or3A_698 = vector.broadcast %reduce_or3A_696 : f32 to vector<16xf32>
    %reduce_or3A_699 = arith.select %gt3A_694, %reduce_or3A_697, %reduce_or3A_698 : vector<16xi1>, vector<16xf32>
    %reduce_or3A_700 = arith.constant true
    %reduce_or3A_701 = vector.broadcast %reduce_or3A_700 : i1 to vector<16xi1>
    %reduce_or3A_702 = tpu.scan <max>, %reduce_or3A_699 masked %reduce_or3A_701 : vector<16xf32>, vector<16xi1> -> vector<16xf32>
    %reduce_or3A_703 = vector.extract %reduce_or3A_702[15] : f32 from vector<16xf32>
    %reduce_or3A_704 = arith.constant 0.000000e+00 : f32
    %reduce_or3A_705 = arith.cmpf ogt, %reduce_or3A_703, %reduce_or3A_704 : f32
    %swap3A_706 = arith.constant 30 : i32
    %swap3A_707 = arith.index_cast %add3A_690 : i32 to index
    %swap3A_708 = memref.load %arg8[%swap3A_707] : memref<32xi32, #tpu.memory_space<smem>>
    memref.store %swap3A_706, %arg8[%swap3A_707] : memref<32xi32, #tpu.memory_space<smem>>
    %jit3A_709 = arith.constant 1 : i32
    %jit3A_710 = arith.constant 0 : i32
    %select_n3A_711 = arith.select %reduce_or3A_705, %jit3A_709, %jit3A_710 : i32
    %add3A_712 = arith.addi %add3A_690, %select_n3A_711 : i32
    %get3A_713 = arith.constant 496 : index
    %get3A_714 = tpu.vector_load %arg6[%get3A_713] {strides = array<i32>} : memref<512xf32, #tpu.memory_space<vmem>>, vector<16xf32>,
    %gt3A_715 = vector.broadcast %sub3A_34 : f32 to vector<16xf32>
    %gt3A_716 = arith.cmpf ogt, %get3A_714, %gt3A_715 : vector<16xf32>
    %reduce_or3A_717 = arith.constant 1.000000e+00 : f32
    %reduce_or3A_718 = arith.constant 0.000000e+00 : f32
    %reduce_or3A_719 = vector.broadcast %reduce_or3A_717 : f32 to vector<16xf32>
    %reduce_or3A_720 = vector.broadcast %reduce_or3A_718 : f32 to vector<16xf32>
    %reduce_or3A_721 = arith.select %gt3A_716, %reduce_or3A_719, %reduce_or3A_720 : vector<16xi1>, vector<16xf32>
    %reduce_or3A_722 = arith.constant true
    %reduce_or3A_723 = vector.broadcast %reduce_or3A_722 : i1 to vector<16xi1>
    %reduce_or3A_724 = tpu.scan <max>, %reduce_or3A_721 masked %reduce_or3A_723 : vector<16xf32>, vector<16xi1> -> vector<16xf32>
    %reduce_or3A_725 = vector.extract %reduce_or3A_724[15] : f32 from vector<16xf32>
    %reduce_or3A_726 = arith.constant 0.000000e+00 : f32
    %reduce_or3A_727 = arith.cmpf ogt, %reduce_or3A_725, %reduce_or3A_726 : f32
    %swap3A_728 = arith.constant 31 : i32
    %swap3A_729 = arith.index_cast %add3A_712 : i32 to index
    %swap3A_730 = memref.load %arg8[%swap3A_729] : memref<32xi32, #tpu.memory_space<smem>>
    memref.store %swap3A_728, %arg8[%swap3A_729] : memref<32xi32, #tpu.memory_space<smem>>
    %jit3A_731 = arith.constant 1 : i32
    %jit3A_732 = arith.constant 0 : i32
    %select_n3A_733 = arith.select %reduce_or3A_727, %jit3A_731, %jit3A_732 : i32
    %add3A_734 = arith.addi %add3A_712, %select_n3A_733 : i32
    %while3A = arith.constant 0 : i32
    %while3A_735 = arith.constant 0 : i32
    %while3A_736 = arith.subi %add3A_734, %while3A : i32
    %while3A_737 = arith.addi %while3A, %while3A_736 : i32
    %while3A_738 = arith.constant 1 : i32
    %while3A_739 = arith.divsi %while3A_736, %while3A_738 : i32
    %while3A_740 = arith.muli %while3A_739, %while3A_738 : i32
    %while3A_741 = arith.addi %while3A, %while3A_740 : i32
    %while3A_742 = arith.constant 1 : i32
    %while3A_743 = scf.for %while3A_904 = %while3A to %while3A_741 step %while3A_742 iter_args(%while3A_905 = %while3A_735) -> (i32)  : i32 {
      %get3A_906 = arith.index_cast %while3A_904 : i32 to index
      %get3A_907 = memref.load %arg8[%get3A_906] : memref<32xi32, #tpu.memory_space<smem>>
      %scan3A_908 = arith.constant 0 : i32
      %scan3A_909 = arith.constant 16 : i32
      %scan3A_910 = arith.addi %scan3A_908, %scan3A_909 : i32
      %scan3A_911 = arith.constant 1 : i32
      %scan3A_912 = scf.for %scan3A_914 = %scan3A_908 to %scan3A_910 step %scan3A_911 iter_args(%scan3A_915 = %while3A_905) -> (i32)  : i32 {
        %mul3A_916 = arith.constant 16 : i32
        %mul3A_917 = arith.muli %get3A_907, %mul3A_916 : i32
        %add3A_918 = arith.addi %mul3A_917, %scan3A_914 : i32
        %mul3A_919 = arith.constant 16 : i32
        %mul3A_920 = arith.muli %add3A_918, %mul3A_919 : i32
        %get3A_921 = arith.index_cast %mul3A_920 : i32 to index
        %get3A_922 = tpu.vector_load %arg4[%get3A_921] {strides = array<i32>} : memref<8192xf32, #tpu.memory_space<vmem>>, vector<16xf32>,
        %gt3A_923 = vector.broadcast %sub3A_34 : f32 to vector<16xf32>
        %gt3A_924 = arith.cmpf ogt, %get3A_922, %gt3A_923 : vector<16xf32>
        %reduce_or3A_925 = arith.constant 1.000000e+00 : f32
        %reduce_or3A_926 = arith.constant 0.000000e+00 : f32
        %reduce_or3A_927 = vector.broadcast %reduce_or3A_925 : f32 to vector<16xf32>
        %reduce_or3A_928 = vector.broadcast %reduce_or3A_926 : f32 to vector<16xf32>
        %reduce_or3A_929 = arith.select %gt3A_924, %reduce_or3A_927, %reduce_or3A_928 : vector<16xi1>, vector<16xf32>
        %reduce_or3A_930 = arith.constant true
        %reduce_or3A_931 = vector.broadcast %reduce_or3A_930 : i1 to vector<16xi1>
        %reduce_or3A_932 = tpu.scan <max>, %reduce_or3A_929 masked %reduce_or3A_931 : vector<16xf32>, vector<16xi1> -> vector<16xf32>
        %reduce_or3A_933 = vector.extract %reduce_or3A_932[15] : f32 from vector<16xf32>
        %reduce_or3A_934 = arith.constant 0.000000e+00 : f32
        %reduce_or3A_935 = arith.cmpf ogt, %reduce_or3A_933, %reduce_or3A_934 : f32
        %swap3A_936 = arith.index_cast %scan3A_915 : i32 to index
        %swap3A_937 = memref.load %arg7[%swap3A_936] : memref<512xi32, #tpu.memory_space<smem>>
        memref.store %add3A_918, %arg7[%swap3A_936] : memref<512xi32, #tpu.memory_space<smem>>
        %jit3A_938 = arith.constant 1 : i32
        %jit3A_939 = arith.constant 0 : i32
        %select_n3A_940 = arith.select %reduce_or3A_935, %jit3A_938, %jit3A_939 : i32
        %add3A_941 = arith.addi %scan3A_915, %select_n3A_940 : i32
        scf.yield %add3A_941 : i32
      }
      %scan3A_913 = arith.constant 16 : i32
      scf.yield %scan3A_912 : i32
    }
    %while3A_744 = arith.constant 1 : i32
    %while3A_745 = scf.for %while3A_904 = %while3A_741 to %while3A_737 step %while3A_744 iter_args(%while3A_905 = %while3A_743) -> (i32)  : i32 {
      %get3A_906 = arith.index_cast %while3A_904 : i32 to index
      %get3A_907 = memref.load %arg8[%get3A_906] : memref<32xi32, #tpu.memory_space<smem>>
      %scan3A_908 = arith.constant 0 : i32
      %scan3A_909 = arith.constant 16 : i32
      %scan3A_910 = arith.addi %scan3A_908, %scan3A_909 : i32
      %scan3A_911 = arith.constant 1 : i32
      %scan3A_912 = scf.for %scan3A_914 = %scan3A_908 to %scan3A_910 step %scan3A_911 iter_args(%scan3A_915 = %while3A_905) -> (i32)  : i32 {
        %mul3A_916 = arith.constant 16 : i32
        %mul3A_917 = arith.muli %get3A_907, %mul3A_916 : i32
        %add3A_918 = arith.addi %mul3A_917, %scan3A_914 : i32
        %mul3A_919 = arith.constant 16 : i32
        %mul3A_920 = arith.muli %add3A_918, %mul3A_919 : i32
        %get3A_921 = arith.index_cast %mul3A_920 : i32 to index
        %get3A_922 = tpu.vector_load %arg4[%get3A_921] {strides = array<i32>} : memref<8192xf32, #tpu.memory_space<vmem>>, vector<16xf32>,
        %gt3A_923 = vector.broadcast %sub3A_34 : f32 to vector<16xf32>
        %gt3A_924 = arith.cmpf ogt, %get3A_922, %gt3A_923 : vector<16xf32>
        %reduce_or3A_925 = arith.constant 1.000000e+00 : f32
        %reduce_or3A_926 = arith.constant 0.000000e+00 : f32
        %reduce_or3A_927 = vector.broadcast %reduce_or3A_925 : f32 to vector<16xf32>
        %reduce_or3A_928 = vector.broadcast %reduce_or3A_926 : f32 to vector<16xf32>
        %reduce_or3A_929 = arith.select %gt3A_924, %reduce_or3A_927, %reduce_or3A_928 : vector<16xi1>, vector<16xf32>
        %reduce_or3A_930 = arith.constant true
        %reduce_or3A_931 = vector.broadcast %reduce_or3A_930 : i1 to vector<16xi1>
        %reduce_or3A_932 = tpu.scan <max>, %reduce_or3A_929 masked %reduce_or3A_931 : vector<16xf32>, vector<16xi1> -> vector<16xf32>
        %reduce_or3A_933 = vector.extract %reduce_or3A_932[15] : f32 from vector<16xf32>
        %reduce_or3A_934 = arith.constant 0.000000e+00 : f32
        %reduce_or3A_935 = arith.cmpf ogt, %reduce_or3A_933, %reduce_or3A_934 : f32
        %swap3A_936 = arith.index_cast %scan3A_915 : i32 to index
        %swap3A_937 = memref.load %arg7[%swap3A_936] : memref<512xi32, #tpu.memory_space<smem>>
        memref.store %add3A_918, %arg7[%swap3A_936] : memref<512xi32, #tpu.memory_space<smem>>
        %jit3A_938 = arith.constant 1 : i32
        %jit3A_939 = arith.constant 0 : i32
        %select_n3A_940 = arith.select %reduce_or3A_935, %jit3A_938, %jit3A_939 : i32
        %add3A_941 = arith.addi %scan3A_915, %select_n3A_940 : i32
        scf.yield %add3A_941 : i32
      }
      %scan3A_913 = arith.constant 16 : i32
      scf.yield %scan3A_912 : i32
    }
    %while3A_746 = arith.constant 0 : i32
    %while3A_747 = arith.subi %while3A_745, %while3A_746 : i32
    %while3A_748 = arith.addi %while3A_746, %while3A_747 : i32
    %while3A_749 = arith.constant 1 : i32
    %while3A_750 = arith.divsi %while3A_747, %while3A_749 : i32
    %while3A_751 = arith.muli %while3A_750, %while3A_749 : i32
    %while3A_752 = arith.addi %while3A_746, %while3A_751 : i32
    %while3A_753 = arith.constant 1 : i32
    %while3A_754:2 = scf.for %while3A_904 = %while3A_746 to %while3A_752 step %while3A_753 iter_args(%while3A_905 = %broadcast_in_dim3A_22, %while3A_906 = %broadcast_in_dim3A_22) -> (vector<16xf32>, vector<16xf32>)  : i32 {
      %get3A_907 = arith.index_cast %while3A_904 : i32 to index
      %get3A_908 = memref.load %arg7[%get3A_907] : memref<512xi32, #tpu.memory_space<smem>>
      %mul3A_909 = arith.constant 16 : i32
      %mul3A_910 = arith.muli %get3A_908, %mul3A_909 : i32
      %get3A_911 = arith.index_cast %mul3A_910 : i32 to index
      %get3A_912 = tpu.vector_load %arg4[%get3A_911] {strides = array<i32>} : memref<8192xf32, #tpu.memory_space<vmem>>, vector<16xf32>,
      %gt3A_913 = vector.broadcast %sub3A_34 : f32 to vector<16xf32>
      %gt3A_914 = arith.cmpf ogt, %get3A_912, %gt3A_913 : vector<16xf32>
      %sub3A_915 = vector.broadcast %sub3A_34 : f32 to vector<16xf32>
      %sub3A_916 = arith.subf %get3A_912, %sub3A_915 : vector<16xf32>
      %jit3A_917 = arith.constant 0.000000e+00 : f32
      %broadcast_in_dim3A_918 = vector.broadcast %jit3A_917 : f32 to vector<16xf32>
      %select_n3A_919 = arith.select %gt3A_914, %sub3A_916, %broadcast_in_dim3A_918 : vector<16xi1>, vector<16xf32>
      %add3A_920 = arith.addf %while3A_905, %select_n3A_919 : vector<16xf32>
      %jit3A_921 = arith.constant 1.000000e+00 : f32
      %jit3A_922 = arith.constant 0.000000e+00 : f32
      %broadcast_in_dim3A_923 = vector.broadcast %jit3A_921 : f32 to vector<16xf32>
      %broadcast_in_dim3A_924 = vector.broadcast %jit3A_922 : f32 to vector<16xf32>
      %select_n3A_925 = arith.select %gt3A_914, %broadcast_in_dim3A_923, %broadcast_in_dim3A_924 : vector<16xi1>, vector<16xf32>
      %add3A_926 = arith.addf %while3A_906, %select_n3A_925 : vector<16xf32>
      scf.yield %add3A_920, %add3A_926 : vector<16xf32>, vector<16xf32>
    }
    %while3A_755 = arith.constant 1 : i32
    %while3A_756:2 = scf.for %while3A_904 = %while3A_752 to %while3A_748 step %while3A_755 iter_args(%while3A_905 = %while3A_754#0, %while3A_906 = %while3A_754#1) -> (vector<16xf32>, vector<16xf32>)  : i32 {
      %get3A_907 = arith.index_cast %while3A_904 : i32 to index
      %get3A_908 = memref.load %arg7[%get3A_907] : memref<512xi32, #tpu.memory_space<smem>>
      %mul3A_909 = arith.constant 16 : i32
      %mul3A_910 = arith.muli %get3A_908, %mul3A_909 : i32
      %get3A_911 = arith.index_cast %mul3A_910 : i32 to index
      %get3A_912 = tpu.vector_load %arg4[%get3A_911] {strides = array<i32>} : memref<8192xf32, #tpu.memory_space<vmem>>, vector<16xf32>,
      %gt3A_913 = vector.broadcast %sub3A_34 : f32 to vector<16xf32>
      %gt3A_914 = arith.cmpf ogt, %get3A_912, %gt3A_913 : vector<16xf32>
      %sub3A_915 = vector.broadcast %sub3A_34 : f32 to vector<16xf32>
      %sub3A_916 = arith.subf %get3A_912, %sub3A_915 : vector<16xf32>
      %jit3A_917 = arith.constant 0.000000e+00 : f32
      %broadcast_in_dim3A_918 = vector.broadcast %jit3A_917 : f32 to vector<16xf32>
      %select_n3A_919 = arith.select %gt3A_914, %sub3A_916, %broadcast_in_dim3A_918 : vector<16xi1>, vector<16xf32>
      %add3A_920 = arith.addf %while3A_905, %select_n3A_919 : vector<16xf32>
      %jit3A_921 = arith.constant 1.000000e+00 : f32
      %jit3A_922 = arith.constant 0.000000e+00 : f32
      %broadcast_in_dim3A_923 = vector.broadcast %jit3A_921 : f32 to vector<16xf32>
      %broadcast_in_dim3A_924 = vector.broadcast %jit3A_922 : f32 to vector<16xf32>
      %select_n3A_925 = arith.select %gt3A_914, %broadcast_in_dim3A_923, %broadcast_in_dim3A_924 : vector<16xi1>, vector<16xf32>
      %add3A_926 = arith.addf %while3A_906, %select_n3A_925 : vector<16xf32>
      scf.yield %add3A_920, %add3A_926 : vector<16xf32>, vector<16xf32>
    }
    %reduce_sum3A = arith.constant true
    %reduce_sum3A_757 = vector.broadcast %reduce_sum3A : i1 to vector<16xi1>
    %reduce_sum3A_758 = tpu.scan <sum>, %while3A_756#0 masked %reduce_sum3A_757 : vector<16xf32>, vector<16xi1> -> vector<16xf32>
    %reduce_sum3A_759 = vector.extract %reduce_sum3A_758[15] : f32 from vector<16xf32>
    %sub3A_760 = arith.constant 1.000000e+00 : f32
    %sub3A_761 = arith.subf %reduce_sum3A_759, %sub3A_760 : f32
    %reduce_sum3A_762 = arith.constant true
    %reduce_sum3A_763 = vector.broadcast %reduce_sum3A_762 : i1 to vector<16xi1>
    %reduce_sum3A_764 = tpu.scan <sum>, %while3A_756#1 masked %reduce_sum3A_763 : vector<16xf32>, vector<16xi1> -> vector<16xf32>
    %reduce_sum3A_765 = vector.extract %reduce_sum3A_764[15] : f32 from vector<16xf32>
    %broadcast_in_dim3A_766 = vector.broadcast %sub3A_761 : f32 to vector<16xf32>
    %broadcast_in_dim3A_767 = vector.broadcast %reduce_sum3A_765 : f32 to vector<16xf32>
    %div3A = arith.divf %broadcast_in_dim3A_766, %broadcast_in_dim3A_767 : vector<16xf32>
    %reduce_max3A_768 = arith.constant true
    %reduce_max3A_769 = vector.broadcast %reduce_max3A_768 : i1 to vector<16xi1>
    %reduce_max3A_770 = tpu.scan <max>, %div3A masked %reduce_max3A_769 : vector<16xf32>, vector<16xi1> -> vector<16xf32>
    %reduce_max3A_771 = vector.extract %reduce_max3A_770[15] : f32 from vector<16xf32>
    %add3A_772 = arith.addf %sub3A_34, %reduce_max3A_771 : f32
    %while3A_773 = arith.constant 0 : i32
    %while3A_774 = arith.subi %while3A_745, %while3A_773 : i32
    %while3A_775 = arith.addi %while3A_773, %while3A_774 : i32
    %while3A_776 = arith.constant 1 : i32
    %while3A_777 = arith.divsi %while3A_774, %while3A_776 : i32
    %while3A_778 = arith.muli %while3A_777, %while3A_776 : i32
    %while3A_779 = arith.addi %while3A_773, %while3A_778 : i32
    %while3A_780 = arith.constant 1 : i32
    %while3A_781:2 = scf.for %while3A_904 = %while3A_773 to %while3A_779 step %while3A_780 iter_args(%while3A_905 = %broadcast_in_dim3A_22, %while3A_906 = %broadcast_in_dim3A_22) -> (vector<16xf32>, vector<16xf32>)  : i32 {
      %get3A_907 = arith.index_cast %while3A_904 : i32 to index
      %get3A_908 = memref.load %arg7[%get3A_907] : memref<512xi32, #tpu.memory_space<smem>>
      %mul3A_909 = arith.constant 16 : i32
      %mul3A_910 = arith.muli %get3A_908, %mul3A_909 : i32
      %get3A_911 = arith.index_cast %mul3A_910 : i32 to index
      %get3A_912 = tpu.vector_load %arg4[%get3A_911] {strides = array<i32>} : memref<8192xf32, #tpu.memory_space<vmem>>, vector<16xf32>,
      %gt3A_913 = vector.broadcast %add3A_772 : f32 to vector<16xf32>
      %gt3A_914 = arith.cmpf ogt, %get3A_912, %gt3A_913 : vector<16xf32>
      %sub3A_915 = vector.broadcast %add3A_772 : f32 to vector<16xf32>
      %sub3A_916 = arith.subf %get3A_912, %sub3A_915 : vector<16xf32>
      %jit3A_917 = arith.constant 0.000000e+00 : f32
      %broadcast_in_dim3A_918 = vector.broadcast %jit3A_917 : f32 to vector<16xf32>
      %select_n3A_919 = arith.select %gt3A_914, %sub3A_916, %broadcast_in_dim3A_918 : vector<16xi1>, vector<16xf32>
      %add3A_920 = arith.addf %while3A_905, %select_n3A_919 : vector<16xf32>
      %jit3A_921 = arith.constant 1.000000e+00 : f32
      %jit3A_922 = arith.constant 0.000000e+00 : f32
      %broadcast_in_dim3A_923 = vector.broadcast %jit3A_921 : f32 to vector<16xf32>
      %broadcast_in_dim3A_924 = vector.broadcast %jit3A_922 : f32 to vector<16xf32>
      %select_n3A_925 = arith.select %gt3A_914, %broadcast_in_dim3A_923, %broadcast_in_dim3A_924 : vector<16xi1>, vector<16xf32>
      %add3A_926 = arith.addf %while3A_906, %select_n3A_925 : vector<16xf32>
      scf.yield %add3A_920, %add3A_926 : vector<16xf32>, vector<16xf32>
    }
    %while3A_782 = arith.constant 1 : i32
    %while3A_783:2 = scf.for %while3A_904 = %while3A_779 to %while3A_775 step %while3A_782 iter_args(%while3A_905 = %while3A_781#0, %while3A_906 = %while3A_781#1) -> (vector<16xf32>, vector<16xf32>)  : i32 {
      %get3A_907 = arith.index_cast %while3A_904 : i32 to index
      %get3A_908 = memref.load %arg7[%get3A_907] : memref<512xi32, #tpu.memory_space<smem>>
      %mul3A_909 = arith.constant 16 : i32
      %mul3A_910 = arith.muli %get3A_908, %mul3A_909 : i32
      %get3A_911 = arith.index_cast %mul3A_910 : i32 to index
      %get3A_912 = tpu.vector_load %arg4[%get3A_911] {strides = array<i32>} : memref<8192xf32, #tpu.memory_space<vmem>>, vector<16xf32>,
      %gt3A_913 = vector.broadcast %add3A_772 : f32 to vector<16xf32>
      %gt3A_914 = arith.cmpf ogt, %get3A_912, %gt3A_913 : vector<16xf32>
      %sub3A_915 = vector.broadcast %add3A_772 : f32 to vector<16xf32>
      %sub3A_916 = arith.subf %get3A_912, %sub3A_915 : vector<16xf32>
      %jit3A_917 = arith.constant 0.000000e+00 : f32
      %broadcast_in_dim3A_918 = vector.broadcast %jit3A_917 : f32 to vector<16xf32>
      %select_n3A_919 = arith.select %gt3A_914, %sub3A_916, %broadcast_in_dim3A_918 : vector<16xi1>, vector<16xf32>
      %add3A_920 = arith.addf %while3A_905, %select_n3A_919 : vector<16xf32>
      %jit3A_921 = arith.constant 1.000000e+00 : f32
      %jit3A_922 = arith.constant 0.000000e+00 : f32
      %broadcast_in_dim3A_923 = vector.broadcast %jit3A_921 : f32 to vector<16xf32>
      %broadcast_in_dim3A_924 = vector.broadcast %jit3A_922 : f32 to vector<16xf32>
      %select_n3A_925 = arith.select %gt3A_914, %broadcast_in_dim3A_923, %broadcast_in_dim3A_924 : vector<16xi1>, vector<16xf32>
      %add3A_926 = arith.addf %while3A_906, %select_n3A_925 : vector<16xf32>
      scf.yield %add3A_920, %add3A_926 : vector<16xf32>, vector<16xf32>
    }
    %reduce_sum3A_784 = arith.constant true
    %reduce_sum3A_785 = vector.broadcast %reduce_sum3A_784 : i1 to vector<16xi1>
    %reduce_sum3A_786 = tpu.scan <sum>, %while3A_783#0 masked %reduce_sum3A_785 : vector<16xf32>, vector<16xi1> -> vector<16xf32>
    %reduce_sum3A_787 = vector.extract %reduce_sum3A_786[15] : f32 from vector<16xf32>
    %sub3A_788 = arith.constant 1.000000e+00 : f32
    %sub3A_789 = arith.subf %reduce_sum3A_787, %sub3A_788 : f32
    %reduce_sum3A_790 = arith.constant true
    %reduce_sum3A_791 = vector.broadcast %reduce_sum3A_790 : i1 to vector<16xi1>
    %reduce_sum3A_792 = tpu.scan <sum>, %while3A_783#1 masked %reduce_sum3A_791 : vector<16xf32>, vector<16xi1> -> vector<16xf32>
    %reduce_sum3A_793 = vector.extract %reduce_sum3A_792[15] : f32 from vector<16xf32>
    %broadcast_in_dim3A_794 = vector.broadcast %sub3A_789 : f32 to vector<16xf32>
    %broadcast_in_dim3A_795 = vector.broadcast %reduce_sum3A_793 : f32 to vector<16xf32>
    %div3A_796 = arith.divf %broadcast_in_dim3A_794, %broadcast_in_dim3A_795 : vector<16xf32>
    %reduce_max3A_797 = arith.constant true
    %reduce_max3A_798 = vector.broadcast %reduce_max3A_797 : i1 to vector<16xi1>
    %reduce_max3A_799 = tpu.scan <max>, %div3A_796 masked %reduce_max3A_798 : vector<16xf32>, vector<16xi1> -> vector<16xf32>
    %reduce_max3A_800 = vector.extract %reduce_max3A_799[15] : f32 from vector<16xf32>
    %add3A_801 = arith.addf %add3A_772, %reduce_max3A_800 : f32
    %while3A_802 = arith.constant 0 : i32
    %while3A_803 = arith.subi %while3A_745, %while3A_802 : i32
    %while3A_804 = arith.addi %while3A_802, %while3A_803 : i32
    %while3A_805 = arith.constant 1 : i32
    %while3A_806 = arith.divsi %while3A_803, %while3A_805 : i32
    %while3A_807 = arith.muli %while3A_806, %while3A_805 : i32
    %while3A_808 = arith.addi %while3A_802, %while3A_807 : i32
    %while3A_809 = arith.constant 1 : i32
    %while3A_810:2 = scf.for %while3A_904 = %while3A_802 to %while3A_808 step %while3A_809 iter_args(%while3A_905 = %broadcast_in_dim3A_22, %while3A_906 = %broadcast_in_dim3A_22) -> (vector<16xf32>, vector<16xf32>)  : i32 {
      %get3A_907 = arith.index_cast %while3A_904 : i32 to index
      %get3A_908 = memref.load %arg7[%get3A_907] : memref<512xi32, #tpu.memory_space<smem>>
      %mul3A_909 = arith.constant 16 : i32
      %mul3A_910 = arith.muli %get3A_908, %mul3A_909 : i32
      %get3A_911 = arith.index_cast %mul3A_910 : i32 to index
      %get3A_912 = tpu.vector_load %arg4[%get3A_911] {strides = array<i32>} : memref<8192xf32, #tpu.memory_space<vmem>>, vector<16xf32>,
      %gt3A_913 = vector.broadcast %add3A_801 : f32 to vector<16xf32>
      %gt3A_914 = arith.cmpf ogt, %get3A_912, %gt3A_913 : vector<16xf32>
      %sub3A_915 = vector.broadcast %add3A_801 : f32 to vector<16xf32>
      %sub3A_916 = arith.subf %get3A_912, %sub3A_915 : vector<16xf32>
      %jit3A_917 = arith.constant 0.000000e+00 : f32
      %broadcast_in_dim3A_918 = vector.broadcast %jit3A_917 : f32 to vector<16xf32>
      %select_n3A_919 = arith.select %gt3A_914, %sub3A_916, %broadcast_in_dim3A_918 : vector<16xi1>, vector<16xf32>
      %add3A_920 = arith.addf %while3A_905, %select_n3A_919 : vector<16xf32>
      %jit3A_921 = arith.constant 1.000000e+00 : f32
      %jit3A_922 = arith.constant 0.000000e+00 : f32
      %broadcast_in_dim3A_923 = vector.broadcast %jit3A_921 : f32 to vector<16xf32>
      %broadcast_in_dim3A_924 = vector.broadcast %jit3A_922 : f32 to vector<16xf32>
      %select_n3A_925 = arith.select %gt3A_914, %broadcast_in_dim3A_923, %broadcast_in_dim3A_924 : vector<16xi1>, vector<16xf32>
      %add3A_926 = arith.addf %while3A_906, %select_n3A_925 : vector<16xf32>
      scf.yield %add3A_920, %add3A_926 : vector<16xf32>, vector<16xf32>
    }
    %while3A_811 = arith.constant 1 : i32
    %while3A_812:2 = scf.for %while3A_904 = %while3A_808 to %while3A_804 step %while3A_811 iter_args(%while3A_905 = %while3A_810#0, %while3A_906 = %while3A_810#1) -> (vector<16xf32>, vector<16xf32>)  : i32 {
      %get3A_907 = arith.index_cast %while3A_904 : i32 to index
      %get3A_908 = memref.load %arg7[%get3A_907] : memref<512xi32, #tpu.memory_space<smem>>
      %mul3A_909 = arith.constant 16 : i32
      %mul3A_910 = arith.muli %get3A_908, %mul3A_909 : i32
      %get3A_911 = arith.index_cast %mul3A_910 : i32 to index
      %get3A_912 = tpu.vector_load %arg4[%get3A_911] {strides = array<i32>} : memref<8192xf32, #tpu.memory_space<vmem>>, vector<16xf32>,
      %gt3A_913 = vector.broadcast %add3A_801 : f32 to vector<16xf32>
      %gt3A_914 = arith.cmpf ogt, %get3A_912, %gt3A_913 : vector<16xf32>
      %sub3A_915 = vector.broadcast %add3A_801 : f32 to vector<16xf32>
      %sub3A_916 = arith.subf %get3A_912, %sub3A_915 : vector<16xf32>
      %jit3A_917 = arith.constant 0.000000e+00 : f32
      %broadcast_in_dim3A_918 = vector.broadcast %jit3A_917 : f32 to vector<16xf32>
      %select_n3A_919 = arith.select %gt3A_914, %sub3A_916, %broadcast_in_dim3A_918 : vector<16xi1>, vector<16xf32>
      %add3A_920 = arith.addf %while3A_905, %select_n3A_919 : vector<16xf32>
      %jit3A_921 = arith.constant 1.000000e+00 : f32
      %jit3A_922 = arith.constant 0.000000e+00 : f32
      %broadcast_in_dim3A_923 = vector.broadcast %jit3A_921 : f32 to vector<16xf32>
      %broadcast_in_dim3A_924 = vector.broadcast %jit3A_922 : f32 to vector<16xf32>
      %select_n3A_925 = arith.select %gt3A_914, %broadcast_in_dim3A_923, %broadcast_in_dim3A_924 : vector<16xi1>, vector<16xf32>
      %add3A_926 = arith.addf %while3A_906, %select_n3A_925 : vector<16xf32>
      scf.yield %add3A_920, %add3A_926 : vector<16xf32>, vector<16xf32>
    }
    %reduce_sum3A_813 = arith.constant true
    %reduce_sum3A_814 = vector.broadcast %reduce_sum3A_813 : i1 to vector<16xi1>
    %reduce_sum3A_815 = tpu.scan <sum>, %while3A_812#0 masked %reduce_sum3A_814 : vector<16xf32>, vector<16xi1> -> vector<16xf32>
    %reduce_sum3A_816 = vector.extract %reduce_sum3A_815[15] : f32 from vector<16xf32>
    %sub3A_817 = arith.constant 1.000000e+00 : f32
    %sub3A_818 = arith.subf %reduce_sum3A_816, %sub3A_817 : f32
    %reduce_sum3A_819 = arith.constant true
    %reduce_sum3A_820 = vector.broadcast %reduce_sum3A_819 : i1 to vector<16xi1>
    %reduce_sum3A_821 = tpu.scan <sum>, %while3A_812#1 masked %reduce_sum3A_820 : vector<16xf32>, vector<16xi1> -> vector<16xf32>
    %reduce_sum3A_822 = vector.extract %reduce_sum3A_821[15] : f32 from vector<16xf32>
    %broadcast_in_dim3A_823 = vector.broadcast %sub3A_818 : f32 to vector<16xf32>
    %broadcast_in_dim3A_824 = vector.broadcast %reduce_sum3A_822 : f32 to vector<16xf32>
    %div3A_825 = arith.divf %broadcast_in_dim3A_823, %broadcast_in_dim3A_824 : vector<16xf32>
    %reduce_max3A_826 = arith.constant true
    %reduce_max3A_827 = vector.broadcast %reduce_max3A_826 : i1 to vector<16xi1>
    %reduce_max3A_828 = tpu.scan <max>, %div3A_825 masked %reduce_max3A_827 : vector<16xf32>, vector<16xi1> -> vector<16xf32>
    %reduce_max3A_829 = vector.extract %reduce_max3A_828[15] : f32 from vector<16xf32>
    %add3A_830 = arith.addf %add3A_801, %reduce_max3A_829 : f32
    %while3A_831 = arith.constant 0 : i32
    %while3A_832 = arith.subi %while3A_745, %while3A_831 : i32
    %while3A_833 = arith.addi %while3A_831, %while3A_832 : i32
    %while3A_834 = arith.constant 1 : i32
    %while3A_835 = arith.divsi %while3A_832, %while3A_834 : i32
    %while3A_836 = arith.muli %while3A_835, %while3A_834 : i32
    %while3A_837 = arith.addi %while3A_831, %while3A_836 : i32
    %while3A_838 = arith.constant 1 : i32
    %while3A_839:2 = scf.for %while3A_904 = %while3A_831 to %while3A_837 step %while3A_838 iter_args(%while3A_905 = %broadcast_in_dim3A_22, %while3A_906 = %broadcast_in_dim3A_22) -> (vector<16xf32>, vector<16xf32>)  : i32 {
      %get3A_907 = arith.index_cast %while3A_904 : i32 to index
      %get3A_908 = memref.load %arg7[%get3A_907] : memref<512xi32, #tpu.memory_space<smem>>
      %mul3A_909 = arith.constant 16 : i32
      %mul3A_910 = arith.muli %get3A_908, %mul3A_909 : i32
      %get3A_911 = arith.index_cast %mul3A_910 : i32 to index
      %get3A_912 = tpu.vector_load %arg4[%get3A_911] {strides = array<i32>} : memref<8192xf32, #tpu.memory_space<vmem>>, vector<16xf32>,
      %gt3A_913 = vector.broadcast %add3A_830 : f32 to vector<16xf32>
      %gt3A_914 = arith.cmpf ogt, %get3A_912, %gt3A_913 : vector<16xf32>
      %sub3A_915 = vector.broadcast %add3A_830 : f32 to vector<16xf32>
      %sub3A_916 = arith.subf %get3A_912, %sub3A_915 : vector<16xf32>
      %jit3A_917 = arith.constant 0.000000e+00 : f32
      %broadcast_in_dim3A_918 = vector.broadcast %jit3A_917 : f32 to vector<16xf32>
      %select_n3A_919 = arith.select %gt3A_914, %sub3A_916, %broadcast_in_dim3A_918 : vector<16xi1>, vector<16xf32>
      %add3A_920 = arith.addf %while3A_905, %select_n3A_919 : vector<16xf32>
      %jit3A_921 = arith.constant 1.000000e+00 : f32
      %jit3A_922 = arith.constant 0.000000e+00 : f32
      %broadcast_in_dim3A_923 = vector.broadcast %jit3A_921 : f32 to vector<16xf32>
      %broadcast_in_dim3A_924 = vector.broadcast %jit3A_922 : f32 to vector<16xf32>
      %select_n3A_925 = arith.select %gt3A_914, %broadcast_in_dim3A_923, %broadcast_in_dim3A_924 : vector<16xi1>, vector<16xf32>
      %add3A_926 = arith.addf %while3A_906, %select_n3A_925 : vector<16xf32>
      scf.yield %add3A_920, %add3A_926 : vector<16xf32>, vector<16xf32>
    }
    %while3A_840 = arith.constant 1 : i32
    %while3A_841:2 = scf.for %while3A_904 = %while3A_837 to %while3A_833 step %while3A_840 iter_args(%while3A_905 = %while3A_839#0, %while3A_906 = %while3A_839#1) -> (vector<16xf32>, vector<16xf32>)  : i32 {
      %get3A_907 = arith.index_cast %while3A_904 : i32 to index
      %get3A_908 = memref.load %arg7[%get3A_907] : memref<512xi32, #tpu.memory_space<smem>>
      %mul3A_909 = arith.constant 16 : i32
      %mul3A_910 = arith.muli %get3A_908, %mul3A_909 : i32
      %get3A_911 = arith.index_cast %mul3A_910 : i32 to index
      %get3A_912 = tpu.vector_load %arg4[%get3A_911] {strides = array<i32>} : memref<8192xf32, #tpu.memory_space<vmem>>, vector<16xf32>,
      %gt3A_913 = vector.broadcast %add3A_830 : f32 to vector<16xf32>
      %gt3A_914 = arith.cmpf ogt, %get3A_912, %gt3A_913 : vector<16xf32>
      %sub3A_915 = vector.broadcast %add3A_830 : f32 to vector<16xf32>
      %sub3A_916 = arith.subf %get3A_912, %sub3A_915 : vector<16xf32>
      %jit3A_917 = arith.constant 0.000000e+00 : f32
      %broadcast_in_dim3A_918 = vector.broadcast %jit3A_917 : f32 to vector<16xf32>
      %select_n3A_919 = arith.select %gt3A_914, %sub3A_916, %broadcast_in_dim3A_918 : vector<16xi1>, vector<16xf32>
      %add3A_920 = arith.addf %while3A_905, %select_n3A_919 : vector<16xf32>
      %jit3A_921 = arith.constant 1.000000e+00 : f32
      %jit3A_922 = arith.constant 0.000000e+00 : f32
      %broadcast_in_dim3A_923 = vector.broadcast %jit3A_921 : f32 to vector<16xf32>
      %broadcast_in_dim3A_924 = vector.broadcast %jit3A_922 : f32 to vector<16xf32>
      %select_n3A_925 = arith.select %gt3A_914, %broadcast_in_dim3A_923, %broadcast_in_dim3A_924 : vector<16xi1>, vector<16xf32>
      %add3A_926 = arith.addf %while3A_906, %select_n3A_925 : vector<16xf32>
      scf.yield %add3A_920, %add3A_926 : vector<16xf32>, vector<16xf32>
    }
    %reduce_sum3A_842 = arith.constant true
    %reduce_sum3A_843 = vector.broadcast %reduce_sum3A_842 : i1 to vector<16xi1>
    %reduce_sum3A_844 = tpu.scan <sum>, %while3A_841#0 masked %reduce_sum3A_843 : vector<16xf32>, vector<16xi1> -> vector<16xf32>
    %reduce_sum3A_845 = vector.extract %reduce_sum3A_844[15] : f32 from vector<16xf32>
    %sub3A_846 = arith.constant 1.000000e+00 : f32
    %sub3A_847 = arith.subf %reduce_sum3A_845, %sub3A_846 : f32
    %reduce_sum3A_848 = arith.constant true
    %reduce_sum3A_849 = vector.broadcast %reduce_sum3A_848 : i1 to vector<16xi1>
    %reduce_sum3A_850 = tpu.scan <sum>, %while3A_841#1 masked %reduce_sum3A_849 : vector<16xf32>, vector<16xi1> -> vector<16xf32>
    %reduce_sum3A_851 = vector.extract %reduce_sum3A_850[15] : f32 from vector<16xf32>
    %broadcast_in_dim3A_852 = vector.broadcast %sub3A_847 : f32 to vector<16xf32>
    %broadcast_in_dim3A_853 = vector.broadcast %reduce_sum3A_851 : f32 to vector<16xf32>
    %div3A_854 = arith.divf %broadcast_in_dim3A_852, %broadcast_in_dim3A_853 : vector<16xf32>
    %reduce_max3A_855 = arith.constant true
    %reduce_max3A_856 = vector.broadcast %reduce_max3A_855 : i1 to vector<16xi1>
    %reduce_max3A_857 = tpu.scan <max>, %div3A_854 masked %reduce_max3A_856 : vector<16xf32>, vector<16xi1> -> vector<16xf32>
    %reduce_max3A_858 = vector.extract %reduce_max3A_857[15] : f32 from vector<16xf32>
    %add3A_859 = arith.addf %add3A_830, %reduce_max3A_858 : f32
    %while3A_860 = arith.constant 0 : i32
    %while3A_861 = arith.subi %while3A_745, %while3A_860 : i32
    %while3A_862 = arith.addi %while3A_860, %while3A_861 : i32
    %while3A_863 = arith.constant 1 : i32
    %while3A_864 = arith.divsi %while3A_861, %while3A_863 : i32
    %while3A_865 = arith.muli %while3A_864, %while3A_863 : i32
    %while3A_866 = arith.addi %while3A_860, %while3A_865 : i32
    %while3A_867 = arith.constant 1 : i32
    %while3A_868:2 = scf.for %while3A_904 = %while3A_860 to %while3A_866 step %while3A_867 iter_args(%while3A_905 = %broadcast_in_dim3A_22, %while3A_906 = %broadcast_in_dim3A_22) -> (vector<16xf32>, vector<16xf32>)  : i32 {
      %get3A_907 = arith.index_cast %while3A_904 : i32 to index
      %get3A_908 = memref.load %arg7[%get3A_907] : memref<512xi32, #tpu.memory_space<smem>>
      %mul3A_909 = arith.constant 16 : i32
      %mul3A_910 = arith.muli %get3A_908, %mul3A_909 : i32
      %get3A_911 = arith.index_cast %mul3A_910 : i32 to index
      %get3A_912 = tpu.vector_load %arg4[%get3A_911] {strides = array<i32>} : memref<8192xf32, #tpu.memory_space<vmem>>, vector<16xf32>,
      %gt3A_913 = vector.broadcast %add3A_859 : f32 to vector<16xf32>
      %gt3A_914 = arith.cmpf ogt, %get3A_912, %gt3A_913 : vector<16xf32>
      %sub3A_915 = vector.broadcast %add3A_859 : f32 to vector<16xf32>
      %sub3A_916 = arith.subf %get3A_912, %sub3A_915 : vector<16xf32>
      %jit3A_917 = arith.constant 0.000000e+00 : f32
      %broadcast_in_dim3A_918 = vector.broadcast %jit3A_917 : f32 to vector<16xf32>
      %select_n3A_919 = arith.select %gt3A_914, %sub3A_916, %broadcast_in_dim3A_918 : vector<16xi1>, vector<16xf32>
      %add3A_920 = arith.addf %while3A_905, %select_n3A_919 : vector<16xf32>
      %jit3A_921 = arith.constant 1.000000e+00 : f32
      %jit3A_922 = arith.constant 0.000000e+00 : f32
      %broadcast_in_dim3A_923 = vector.broadcast %jit3A_921 : f32 to vector<16xf32>
      %broadcast_in_dim3A_924 = vector.broadcast %jit3A_922 : f32 to vector<16xf32>
      %select_n3A_925 = arith.select %gt3A_914, %broadcast_in_dim3A_923, %broadcast_in_dim3A_924 : vector<16xi1>, vector<16xf32>
      %add3A_926 = arith.addf %while3A_906, %select_n3A_925 : vector<16xf32>
      scf.yield %add3A_920, %add3A_926 : vector<16xf32>, vector<16xf32>
    }
    %while3A_869 = arith.constant 1 : i32
    %while3A_870:2 = scf.for %while3A_904 = %while3A_866 to %while3A_862 step %while3A_869 iter_args(%while3A_905 = %while3A_868#0, %while3A_906 = %while3A_868#1) -> (vector<16xf32>, vector<16xf32>)  : i32 {
      %get3A_907 = arith.index_cast %while3A_904 : i32 to index
      %get3A_908 = memref.load %arg7[%get3A_907] : memref<512xi32, #tpu.memory_space<smem>>
      %mul3A_909 = arith.constant 16 : i32
      %mul3A_910 = arith.muli %get3A_908, %mul3A_909 : i32
      %get3A_911 = arith.index_cast %mul3A_910 : i32 to index
      %get3A_912 = tpu.vector_load %arg4[%get3A_911] {strides = array<i32>} : memref<8192xf32, #tpu.memory_space<vmem>>, vector<16xf32>,
      %gt3A_913 = vector.broadcast %add3A_859 : f32 to vector<16xf32>
      %gt3A_914 = arith.cmpf ogt, %get3A_912, %gt3A_913 : vector<16xf32>
      %sub3A_915 = vector.broadcast %add3A_859 : f32 to vector<16xf32>
      %sub3A_916 = arith.subf %get3A_912, %sub3A_915 : vector<16xf32>
      %jit3A_917 = arith.constant 0.000000e+00 : f32
      %broadcast_in_dim3A_918 = vector.broadcast %jit3A_917 : f32 to vector<16xf32>
      %select_n3A_919 = arith.select %gt3A_914, %sub3A_916, %broadcast_in_dim3A_918 : vector<16xi1>, vector<16xf32>
      %add3A_920 = arith.addf %while3A_905, %select_n3A_919 : vector<16xf32>
      %jit3A_921 = arith.constant 1.000000e+00 : f32
      %jit3A_922 = arith.constant 0.000000e+00 : f32
      %broadcast_in_dim3A_923 = vector.broadcast %jit3A_921 : f32 to vector<16xf32>
      %broadcast_in_dim3A_924 = vector.broadcast %jit3A_922 : f32 to vector<16xf32>
      %select_n3A_925 = arith.select %gt3A_914, %broadcast_in_dim3A_923, %broadcast_in_dim3A_924 : vector<16xi1>, vector<16xf32>
      %add3A_926 = arith.addf %while3A_906, %select_n3A_925 : vector<16xf32>
      scf.yield %add3A_920, %add3A_926 : vector<16xf32>, vector<16xf32>
    }
    %reduce_sum3A_871 = arith.constant true
    %reduce_sum3A_872 = vector.broadcast %reduce_sum3A_871 : i1 to vector<16xi1>
    %reduce_sum3A_873 = tpu.scan <sum>, %while3A_870#0 masked %reduce_sum3A_872 : vector<16xf32>, vector<16xi1> -> vector<16xf32>
    %reduce_sum3A_874 = vector.extract %reduce_sum3A_873[15] : f32 from vector<16xf32>
    %sub3A_875 = arith.constant 1.000000e+00 : f32
    %sub3A_876 = arith.subf %reduce_sum3A_874, %sub3A_875 : f32
    %reduce_sum3A_877 = arith.constant true
    %reduce_sum3A_878 = vector.broadcast %reduce_sum3A_877 : i1 to vector<16xi1>
    %reduce_sum3A_879 = tpu.scan <sum>, %while3A_870#1 masked %reduce_sum3A_878 : vector<16xf32>, vector<16xi1> -> vector<16xf32>
    %reduce_sum3A_880 = vector.extract %reduce_sum3A_879[15] : f32 from vector<16xf32>
    %broadcast_in_dim3A_881 = vector.broadcast %sub3A_876 : f32 to vector<16xf32>
    %broadcast_in_dim3A_882 = vector.broadcast %reduce_sum3A_880 : f32 to vector<16xf32>
    %div3A_883 = arith.divf %broadcast_in_dim3A_881, %broadcast_in_dim3A_882 : vector<16xf32>
    %reduce_max3A_884 = arith.constant true
    %reduce_max3A_885 = vector.broadcast %reduce_max3A_884 : i1 to vector<16xi1>
    %reduce_max3A_886 = tpu.scan <max>, %div3A_883 masked %reduce_max3A_885 : vector<16xf32>, vector<16xi1> -> vector<16xf32>
    %reduce_max3A_887 = vector.extract %reduce_max3A_886[15] : f32 from vector<16xf32>
    %add3A_888 = arith.addf %add3A_859, %reduce_max3A_887 : f32
    %while3A_889 = arith.constant 0 : i32
    %while3A_890 = arith.constant true
    %while3A_891:3 = scf.while (%while3A_904 = %while3A_889, %while3A_905 = %add3A_888, %while3A_906 = %while3A_890) : (i32, f32, i1) -> (i32, f32, i1) {
      %lt3A = arith.constant 40 : i32
      %lt3A_907 = arith.cmpi slt, %while3A_904, %lt3A : i32
      %and3A = arith.andi %lt3A_907, %while3A_906 : i1
      scf.condition(%and3A) %while3A_904, %while3A_905, %while3A_906 : i32, f32, i1
    } do {
    ^bb0(%while3A_904: i32, %while3A_905: f32, %while3A_906: i1):
      %while3A_907 = arith.constant 0 : i32
      %while3A_908 = arith.subi %while3A_745, %while3A_907 : i32
      %while3A_909 = arith.addi %while3A_907, %while3A_908 : i32
      %while3A_910 = arith.constant 1 : i32
      %while3A_911 = arith.divsi %while3A_908, %while3A_910 : i32
      %while3A_912 = arith.muli %while3A_911, %while3A_910 : i32
      %while3A_913 = arith.addi %while3A_907, %while3A_912 : i32
      %while3A_914 = arith.constant 1 : i32
      %while3A_915:2 = scf.for %while3A_938 = %while3A_907 to %while3A_913 step %while3A_914 iter_args(%while3A_939 = %broadcast_in_dim3A_22, %while3A_940 = %broadcast_in_dim3A_22) -> (vector<16xf32>, vector<16xf32>)  : i32 {
        %get3A_941 = arith.index_cast %while3A_938 : i32 to index
        %get3A_942 = memref.load %arg7[%get3A_941] : memref<512xi32, #tpu.memory_space<smem>>
        %mul3A_943 = arith.constant 16 : i32
        %mul3A_944 = arith.muli %get3A_942, %mul3A_943 : i32
        %get3A_945 = arith.index_cast %mul3A_944 : i32 to index
        %get3A_946 = tpu.vector_load %arg4[%get3A_945] {strides = array<i32>} : memref<8192xf32, #tpu.memory_space<vmem>>, vector<16xf32>,
        %gt3A_947 = vector.broadcast %while3A_905 : f32 to vector<16xf32>
        %gt3A_948 = arith.cmpf ogt, %get3A_946, %gt3A_947 : vector<16xf32>
        %sub3A_949 = vector.broadcast %while3A_905 : f32 to vector<16xf32>
        %sub3A_950 = arith.subf %get3A_946, %sub3A_949 : vector<16xf32>
        %jit3A_951 = arith.constant 0.000000e+00 : f32
        %broadcast_in_dim3A_952 = vector.broadcast %jit3A_951 : f32 to vector<16xf32>
        %select_n3A_953 = arith.select %gt3A_948, %sub3A_950, %broadcast_in_dim3A_952 : vector<16xi1>, vector<16xf32>
        %add3A_954 = arith.addf %while3A_939, %select_n3A_953 : vector<16xf32>
        %jit3A_955 = arith.constant 1.000000e+00 : f32
        %jit3A_956 = arith.constant 0.000000e+00 : f32
        %broadcast_in_dim3A_957 = vector.broadcast %jit3A_955 : f32 to vector<16xf32>
        %broadcast_in_dim3A_958 = vector.broadcast %jit3A_956 : f32 to vector<16xf32>
        %select_n3A_959 = arith.select %gt3A_948, %broadcast_in_dim3A_957, %broadcast_in_dim3A_958 : vector<16xi1>, vector<16xf32>
        %add3A_960 = arith.addf %while3A_940, %select_n3A_959 : vector<16xf32>
        scf.yield %add3A_954, %add3A_960 : vector<16xf32>, vector<16xf32>
      }
      %while3A_916 = arith.constant 1 : i32
      %while3A_917:2 = scf.for %while3A_938 = %while3A_913 to %while3A_909 step %while3A_916 iter_args(%while3A_939 = %while3A_915#0, %while3A_940 = %while3A_915#1) -> (vector<16xf32>, vector<16xf32>)  : i32 {
        %get3A_941 = arith.index_cast %while3A_938 : i32 to index
        %get3A_942 = memref.load %arg7[%get3A_941] : memref<512xi32, #tpu.memory_space<smem>>
        %mul3A_943 = arith.constant 16 : i32
        %mul3A_944 = arith.muli %get3A_942, %mul3A_943 : i32
        %get3A_945 = arith.index_cast %mul3A_944 : i32 to index
        %get3A_946 = tpu.vector_load %arg4[%get3A_945] {strides = array<i32>} : memref<8192xf32, #tpu.memory_space<vmem>>, vector<16xf32>,
        %gt3A_947 = vector.broadcast %while3A_905 : f32 to vector<16xf32>
        %gt3A_948 = arith.cmpf ogt, %get3A_946, %gt3A_947 : vector<16xf32>
        %sub3A_949 = vector.broadcast %while3A_905 : f32 to vector<16xf32>
        %sub3A_950 = arith.subf %get3A_946, %sub3A_949 : vector<16xf32>
        %jit3A_951 = arith.constant 0.000000e+00 : f32
        %broadcast_in_dim3A_952 = vector.broadcast %jit3A_951 : f32 to vector<16xf32>
        %select_n3A_953 = arith.select %gt3A_948, %sub3A_950, %broadcast_in_dim3A_952 : vector<16xi1>, vector<16xf32>
        %add3A_954 = arith.addf %while3A_939, %select_n3A_953 : vector<16xf32>
        %jit3A_955 = arith.constant 1.000000e+00 : f32
        %jit3A_956 = arith.constant 0.000000e+00 : f32
        %broadcast_in_dim3A_957 = vector.broadcast %jit3A_955 : f32 to vector<16xf32>
        %broadcast_in_dim3A_958 = vector.broadcast %jit3A_956 : f32 to vector<16xf32>
        %select_n3A_959 = arith.select %gt3A_948, %broadcast_in_dim3A_957, %broadcast_in_dim3A_958 : vector<16xi1>, vector<16xf32>
        %add3A_960 = arith.addf %while3A_940, %select_n3A_959 : vector<16xf32>
        scf.yield %add3A_954, %add3A_960 : vector<16xf32>, vector<16xf32>
      }
      %reduce_sum3A_918 = arith.constant true
      %reduce_sum3A_919 = vector.broadcast %reduce_sum3A_918 : i1 to vector<16xi1>
      %reduce_sum3A_920 = tpu.scan <sum>, %while3A_917#0 masked %reduce_sum3A_919 : vector<16xf32>, vector<16xi1> -> vector<16xf32>
      %reduce_sum3A_921 = vector.extract %reduce_sum3A_920[15] : f32 from vector<16xf32>
      %sub3A_922 = arith.constant 1.000000e+00 : f32
      %sub3A_923 = arith.subf %reduce_sum3A_921, %sub3A_922 : f32
      %reduce_sum3A_924 = arith.constant true
      %reduce_sum3A_925 = vector.broadcast %reduce_sum3A_924 : i1 to vector<16xi1>
      %reduce_sum3A_926 = tpu.scan <sum>, %while3A_917#1 masked %reduce_sum3A_925 : vector<16xf32>, vector<16xi1> -> vector<16xf32>
      %reduce_sum3A_927 = vector.extract %reduce_sum3A_926[15] : f32 from vector<16xf32>
      %broadcast_in_dim3A_928 = vector.broadcast %sub3A_923 : f32 to vector<16xf32>
      %broadcast_in_dim3A_929 = vector.broadcast %reduce_sum3A_927 : f32 to vector<16xf32>
      %div3A_930 = arith.divf %broadcast_in_dim3A_928, %broadcast_in_dim3A_929 : vector<16xf32>
      %reduce_max3A_931 = arith.constant true
      %reduce_max3A_932 = vector.broadcast %reduce_max3A_931 : i1 to vector<16xi1>
      %reduce_max3A_933 = tpu.scan <max>, %div3A_930 masked %reduce_max3A_932 : vector<16xf32>, vector<16xi1> -> vector<16xf32>
      %reduce_max3A_934 = vector.extract %reduce_max3A_933[15] : f32 from vector<16xf32>
      %add3A_935 = arith.addf %while3A_905, %reduce_max3A_934 : f32
      %add3A_936 = arith.constant 1 : i32
      %add3A_937 = arith.addi %while3A_904, %add3A_936 : i32
      %ne3A = arith.cmpf one, %add3A_935, %while3A_905 : f32
      scf.yield %add3A_937, %add3A_935, %ne3A : i32, f32, i1
    }
    %while3A_892 = arith.constant 0 : i32
    %while3A_893 = arith.constant 0 : i32
    %while3A_894 = arith.subi %while3A_745, %while3A_893 : i32
    %while3A_895 = arith.addi %while3A_893, %while3A_894 : i32
    %while3A_896 = arith.constant 1 : i32
    %while3A_897 = arith.divsi %while3A_894, %while3A_896 : i32
    %while3A_898 = arith.muli %while3A_897, %while3A_896 : i32
    %while3A_899 = arith.addi %while3A_893, %while3A_898 : i32
    %while3A_900 = arith.constant 1 : i32
    scf.for %while3A_904 = %while3A_893 to %while3A_899 step %while3A_900  : i32 {
      %get3A_905 = arith.index_cast %while3A_904 : i32 to index
      %get3A_906 = memref.load %arg7[%get3A_905] : memref<512xi32, #tpu.memory_space<smem>>
      %mul3A_907 = arith.constant 16 : i32
      %mul3A_908 = arith.muli %get3A_906, %mul3A_907 : i32
      %get3A_909 = arith.index_cast %mul3A_908 : i32 to index
      %get3A_910 = tpu.vector_load %arg4[%get3A_909] {strides = array<i32>} : memref<8192xf32, #tpu.memory_space<vmem>>, vector<16xf32>,
      %sub3A_911 = vector.broadcast %while3A_891#1 : f32 to vector<16xf32>
      %sub3A_912 = arith.subf %get3A_910, %sub3A_911 : vector<16xf32>
      %max3A = arith.constant 0.000000e+00 : f32
      %max3A_913 = vector.broadcast %max3A : f32 to vector<16xf32>
      %max3A_914 = arith.maximumf %sub3A_912, %max3A_913 : vector<16xf32>
      %swap3A_915 = arith.index_cast %mul3A_908 : i32 to index
      %swap3A_916 = tpu.vector_load %arg5[%swap3A_915] {strides = array<i32>} : memref<8192xf32, #tpu.memory_space<vmem>>, vector<16xf32>,
      tpu.vector_store %arg5[%swap3A_915], %max3A_914 {strides = array<i32>} : memref<8192xf32, #tpu.memory_space<vmem>>, vector<16xf32>,
    }
    %while3A_901 = arith.constant 1 : i32
    scf.for %while3A_904 = %while3A_899 to %while3A_895 step %while3A_901  : i32 {
      %get3A_905 = arith.index_cast %while3A_904 : i32 to index
      %get3A_906 = memref.load %arg7[%get3A_905] : memref<512xi32, #tpu.memory_space<smem>>
      %mul3A_907 = arith.constant 16 : i32
      %mul3A_908 = arith.muli %get3A_906, %mul3A_907 : i32
      %get3A_909 = arith.index_cast %mul3A_908 : i32 to index
      %get3A_910 = tpu.vector_load %arg4[%get3A_909] {strides = array<i32>} : memref<8192xf32, #tpu.memory_space<vmem>>, vector<16xf32>,
      %sub3A_911 = vector.broadcast %while3A_891#1 : f32 to vector<16xf32>
      %sub3A_912 = arith.subf %get3A_910, %sub3A_911 : vector<16xf32>
      %max3A = arith.constant 0.000000e+00 : f32
      %max3A_913 = vector.broadcast %max3A : f32 to vector<16xf32>
      %max3A_914 = arith.maximumf %sub3A_912, %max3A_913 : vector<16xf32>
      %swap3A_915 = arith.index_cast %mul3A_908 : i32 to index
      %swap3A_916 = tpu.vector_load %arg5[%swap3A_915] {strides = array<i32>} : memref<8192xf32, #tpu.memory_space<vmem>>, vector<16xf32>,
      tpu.vector_store %arg5[%swap3A_915], %max3A_914 {strides = array<i32>} : memref<8192xf32, #tpu.memory_space<vmem>>, vector<16xf32>,
    }
    %add3A_902 = arith.constant 32 : i32
    %add3A_903 = arith.addi %add3A_902, %add3A_3 : i32
    "tpu.region"() ({
      %run_scoped3A = tpu.sem_alloc : memref<!tpu.dma_semaphore, #tpu.memory_space<semaphore_mem>>
      %dma_start3A_904 = arith.constant 0 : i32
      %dma_start3A_905 = tpu.memref_slice %arg3[%add3A_903, %dma_start3A_904] : memref<64x8192xf32, #tpu.memory_space<hbm>> -> memref<1x8192xf32, #tpu.memory_space<hbm>>
      %dma_start3A_906 = tpu.memref_squeeze %dma_start3A_905 : memref<1x8192xf32, #tpu.memory_space<hbm>> -> memref<8192xf32, #tpu.memory_space<hbm>>
      %dma_start3A_907 = arith.constant 0 : i32
      %dma_start3A_908 = tpu.memref_slice %arg3[%add3A_903, %dma_start3A_907] : memref<64x8192xf32, #tpu.memory_space<hbm>> -> memref<1x8192xf32, #tpu.memory_space<hbm>>
      %dma_start3A_909 = tpu.memref_squeeze %dma_start3A_908 : memref<1x8192xf32, #tpu.memory_space<hbm>> -> memref<8192xf32, #tpu.memory_space<hbm>>
      tpu.enqueue_dma source(%arg5 : memref<8192xf32, #tpu.memory_space<vmem>>) target(%dma_start3A_909 : memref<8192xf32, #tpu.memory_space<hbm>>) target_semaphore(%run_scoped3A : memref<!tpu.dma_semaphore, #tpu.memory_space<semaphore_mem>>)
      %dma_wait3A_910 = arith.constant 0 : i32
      %dma_wait3A_911 = tpu.memref_slice %arg3[%add3A_903, %dma_wait3A_910] : memref<64x8192xf32, #tpu.memory_space<hbm>> -> memref<1x8192xf32, #tpu.memory_space<hbm>>
      %dma_wait3A_912 = tpu.memref_squeeze %dma_wait3A_911 : memref<1x8192xf32, #tpu.memory_space<hbm>> -> memref<8192xf32, #tpu.memory_space<hbm>>
      %dma_wait3A_913 = arith.constant 0 : i32
      %dma_wait3A_914 = tpu.memref_slice %arg3[%add3A_903, %dma_wait3A_913] : memref<64x8192xf32, #tpu.memory_space<hbm>> -> memref<1x8192xf32, #tpu.memory_space<hbm>>
      %dma_wait3A_915 = tpu.memref_squeeze %dma_wait3A_914 : memref<1x8192xf32, #tpu.memory_space<hbm>> -> memref<8192xf32, #tpu.memory_space<hbm>>
      tpu.wait_dma2 semaphore(%run_scoped3A : memref<!tpu.dma_semaphore, #tpu.memory_space<semaphore_mem>>) src(%arg5 : memref<8192xf32, #tpu.memory_space<vmem>>) dst(%dma_wait3A_915 : memref<8192xf32, #tpu.memory_space<hbm>>)
      tpu.yield
    }) : () -> ()
    return
  }
}

module attributes {stable_mosaic.version = 14 : i64} {
  func.func @merge_body(%arg0: i32, %arg1: memref<32x8192xf32, #tpu.memory_space<vmem>>, %arg2: memref<64x8192xf32, #tpu.memory_space<any>>, %arg3: memref<32x8192xf32, #tpu.memory_space<vmem>>) attributes {dimension_semantics = [#tpu.dimension_semantics<arbitrary>], iteration_bounds = array<i64: 1>, scalar_prefetch = 0 : i64, scratch_operands = 0 : i64, tpu.core_type = #tpu.core_type<tc>, window_params = [{pipeline_mode = #tpu.pipeline_mode<synchronous>, transform_indices = @transform_0, window_bounds = array<i64: 32, 8192>}, {}, {transform_indices = @transform_2, window_bounds = array<i64: 32, 8192>}]} {
    %get3A = arith.constant 0 : index
    %get3A_0 = arith.constant 0 : index
    %get3A_1 = vector.load %arg1[%get3A, %get3A_0] : memref<32x8192xf32, #tpu.memory_space<vmem>>, vector<32x8192xf32>
    %swap3A = arith.constant 0 : index
    %swap3A_2 = arith.constant 0 : index
    %swap3A_3 = vector.load %arg3[%swap3A, %swap3A_2] : memref<32x8192xf32, #tpu.memory_space<vmem>>, vector<32x8192xf32>
    tpu.vector_store %arg3[%swap3A, %swap3A_2], %get3A_1 {strides = array<i32>} : memref<32x8192xf32, #tpu.memory_space<vmem>>, vector<32x8192xf32>,
    return
  }
  func.func @transform_0(%arg0: i32) -> (i32, i32) {
    %c0_i32 = arith.constant 0 : i32
    %c0_i32_0 = arith.constant 0 : i32
    %c0_i32_1 = arith.constant 0 : i32
    return %c0_i32, %c0_i32_0 : i32, i32
  }
  func.func @transform_2(%arg0: i32) -> (i32, i32) {
    %c0_i32 = arith.constant 0 : i32
    %c0_i32_0 = arith.constant 0 : i32
    %c0_i32_1 = arith.constant 0 : i32
    return %c0_i32, %c0_i32_0 : i32, i32
  }
}

module attributes {stable_mosaic.version = 14 : i64} {
  func.func @_sparsemax_block(%arg0: i32, %arg1: memref<32x8192xf32, #tpu.memory_space<vmem>>, %arg2: memref<32x8192xf32, #tpu.memory_space<vmem>>) attributes {dimension_semantics = [#tpu.dimension_semantics<arbitrary>], iteration_bounds = array<i64: 1>, scalar_prefetch = 0 : i64, scratch_operands = 0 : i64, tpu.core_type = #tpu.core_type<tc>, window_params = [{transform_indices = @transform_0, window_bounds = array<i64: 32, 8192>}, {pipeline_mode = #tpu.pipeline_mode<synchronous>, transform_indices = @transform_1, window_bounds = array<i64: 32, 8192>}]} {
    %get3A = arith.constant 0 : index
    %get3A_0 = arith.constant 0 : index
    %get3A_1 = vector.load %arg1[%get3A, %get3A_0] : memref<32x8192xf32, #tpu.memory_space<vmem>>, vector<32x8192xf32>
    %reduce_max3A = arith.constant dense<0xFF800000> : vector<32xf32>
    %reduce_max3A_2 = vector.multi_reduction <maximumf>, %get3A_1, %reduce_max3A [1] : vector<32x8192xf32> to vector<32xf32>
    %broadcast_in_dim3A = vector.shape_cast %reduce_max3A_2 : vector<32xf32> to vector<32x1xf32>
    %sub3A = arith.constant 2.000000e+00 : f32
    %sub3A_3 = vector.broadcast %sub3A : f32 to vector<32x1xf32>
    %sub3A_4 = arith.subf %broadcast_in_dim3A, %sub3A_3 : vector<32x1xf32>
    %sub3A_5 = vector.broadcast %sub3A_4 : vector<32x1xf32> to vector<32x8192xf32>
    %sub3A_6 = arith.subf %get3A_1, %sub3A_5 : vector<32x8192xf32>
    %max3A = arith.constant 0.000000e+00 : f32
    %max3A_7 = vector.broadcast %max3A : f32 to vector<32x8192xf32>
    %max3A_8 = arith.maximumf %sub3A_6, %max3A_7 : vector<32x8192xf32>
    %reduce_sum3A = arith.constant dense<0.000000e+00> : vector<32xf32>
    %reduce_sum3A_9 = vector.multi_reduction <add>, %max3A_8, %reduce_sum3A [1] : vector<32x8192xf32> to vector<32xf32>
    %broadcast_in_dim3A_10 = vector.shape_cast %reduce_sum3A_9 : vector<32xf32> to vector<32x1xf32>
    %sub3A_11 = arith.constant 1.000000e+00 : f32
    %sub3A_12 = vector.broadcast %sub3A_11 : f32 to vector<32x1xf32>
    %sub3A_13 = arith.subf %broadcast_in_dim3A_10, %sub3A_12 : vector<32x1xf32>
    %sub3A_14 = arith.constant 1.000000e+00 : f32
    %sub3A_15 = vector.broadcast %sub3A_14 : f32 to vector<32x1xf32>
    %sub3A_16 = arith.subf %broadcast_in_dim3A, %sub3A_15 : vector<32x1xf32>
    %sub3A_17 = vector.broadcast %sub3A_16 : vector<32x1xf32> to vector<32x8192xf32>
    %sub3A_18 = arith.subf %get3A_1, %sub3A_17 : vector<32x8192xf32>
    %max3A_19 = arith.constant 0.000000e+00 : f32
    %max3A_20 = vector.broadcast %max3A_19 : f32 to vector<32x8192xf32>
    %max3A_21 = arith.maximumf %sub3A_18, %max3A_20 : vector<32x8192xf32>
    %reduce_sum3A_22 = arith.constant dense<0.000000e+00> : vector<32xf32>
    %reduce_sum3A_23 = vector.multi_reduction <add>, %max3A_21, %reduce_sum3A_22 [1] : vector<32x8192xf32> to vector<32xf32>
    %broadcast_in_dim3A_24 = vector.shape_cast %reduce_sum3A_23 : vector<32xf32> to vector<32x1xf32>
    %sub3A_25 = arith.constant 1.000000e+00 : f32
    %sub3A_26 = vector.broadcast %sub3A_25 : f32 to vector<32x1xf32>
    %sub3A_27 = arith.subf %broadcast_in_dim3A_24, %sub3A_26 : vector<32x1xf32>
    %sub3A_28 = arith.subf %sub3A_27, %sub3A_13 : vector<32x1xf32>
    %lt3A = arith.constant 0.000000e+00 : f32
    %lt3A_29 = vector.broadcast %lt3A : f32 to vector<32x1xf32>
    %lt3A_30 = arith.cmpf olt, %sub3A_28, %lt3A_29 : vector<32x1xf32>
    %sub3A_31 = arith.subf %sub3A_16, %sub3A_4 : vector<32x1xf32>
    %mul3A = arith.mulf %sub3A_27, %sub3A_31 : vector<32x1xf32>
    %div3A = arith.divf %mul3A, %sub3A_28 : vector<32x1xf32>
    %sub3A_32 = arith.subf %sub3A_16, %div3A : vector<32x1xf32>
    %select_n3A = arith.select %lt3A_30, %sub3A_32, %sub3A_16 : vector<32x1xi1>, vector<32x1xf32>
    %sub3A_33 = vector.broadcast %select_n3A : vector<32x1xf32> to vector<32x8192xf32>
    %sub3A_34 = arith.subf %get3A_1, %sub3A_33 : vector<32x8192xf32>
    %max3A_35 = arith.constant 0.000000e+00 : f32
    %max3A_36 = vector.broadcast %max3A_35 : f32 to vector<32x8192xf32>
    %max3A_37 = arith.maximumf %sub3A_34, %max3A_36 : vector<32x8192xf32>
    %reduce_sum3A_38 = arith.constant dense<0.000000e+00> : vector<32xf32>
    %reduce_sum3A_39 = vector.multi_reduction <add>, %max3A_37, %reduce_sum3A_38 [1] : vector<32x8192xf32> to vector<32xf32>
    %broadcast_in_dim3A_40 = vector.shape_cast %reduce_sum3A_39 : vector<32xf32> to vector<32x1xf32>
    %sub3A_41 = arith.constant 1.000000e+00 : f32
    %sub3A_42 = vector.broadcast %sub3A_41 : f32 to vector<32x1xf32>
    %sub3A_43 = arith.subf %broadcast_in_dim3A_40, %sub3A_42 : vector<32x1xf32>
    %sub3A_44 = arith.subf %sub3A_43, %sub3A_27 : vector<32x1xf32>
    %lt3A_45 = arith.constant 0.000000e+00 : f32
    %lt3A_46 = vector.broadcast %lt3A_45 : f32 to vector<32x1xf32>
    %lt3A_47 = arith.cmpf olt, %sub3A_44, %lt3A_46 : vector<32x1xf32>
    %sub3A_48 = arith.subf %select_n3A, %sub3A_16 : vector<32x1xf32>
    %mul3A_49 = arith.mulf %sub3A_43, %sub3A_48 : vector<32x1xf32>
    %div3A_50 = arith.divf %mul3A_49, %sub3A_44 : vector<32x1xf32>
    %sub3A_51 = arith.subf %select_n3A, %div3A_50 : vector<32x1xf32>
    %select_n3A_52 = arith.select %lt3A_47, %sub3A_51, %select_n3A : vector<32x1xi1>, vector<32x1xf32>
    %sub3A_53 = vector.broadcast %select_n3A_52 : vector<32x1xf32> to vector<32x8192xf32>
    %sub3A_54 = arith.subf %get3A_1, %sub3A_53 : vector<32x8192xf32>
    %max3A_55 = arith.constant 0.000000e+00 : f32
    %max3A_56 = vector.broadcast %max3A_55 : f32 to vector<32x8192xf32>
    %max3A_57 = arith.maximumf %sub3A_54, %max3A_56 : vector<32x8192xf32>
    %reduce_sum3A_58 = arith.constant dense<0.000000e+00> : vector<32xf32>
    %reduce_sum3A_59 = vector.multi_reduction <add>, %max3A_57, %reduce_sum3A_58 [1] : vector<32x8192xf32> to vector<32xf32>
    %broadcast_in_dim3A_60 = vector.shape_cast %reduce_sum3A_59 : vector<32xf32> to vector<32x1xf32>
    %sub3A_61 = arith.constant 1.000000e+00 : f32
    %sub3A_62 = vector.broadcast %sub3A_61 : f32 to vector<32x1xf32>
    %sub3A_63 = arith.subf %broadcast_in_dim3A_60, %sub3A_62 : vector<32x1xf32>
    %sub3A_64 = arith.subf %sub3A_63, %sub3A_43 : vector<32x1xf32>
    %lt3A_65 = arith.constant 0.000000e+00 : f32
    %lt3A_66 = vector.broadcast %lt3A_65 : f32 to vector<32x1xf32>
    %lt3A_67 = arith.cmpf olt, %sub3A_64, %lt3A_66 : vector<32x1xf32>
    %sub3A_68 = arith.subf %select_n3A_52, %select_n3A : vector<32x1xf32>
    %mul3A_69 = arith.mulf %sub3A_63, %sub3A_68 : vector<32x1xf32>
    %div3A_70 = arith.divf %mul3A_69, %sub3A_64 : vector<32x1xf32>
    %sub3A_71 = arith.subf %select_n3A_52, %div3A_70 : vector<32x1xf32>
    %select_n3A_72 = arith.select %lt3A_67, %sub3A_71, %select_n3A_52 : vector<32x1xi1>, vector<32x1xf32>
    %sub3A_73 = vector.broadcast %select_n3A_72 : vector<32x1xf32> to vector<32x8192xf32>
    %sub3A_74 = arith.subf %get3A_1, %sub3A_73 : vector<32x8192xf32>
    %max3A_75 = arith.constant 0.000000e+00 : f32
    %max3A_76 = vector.broadcast %max3A_75 : f32 to vector<32x8192xf32>
    %max3A_77 = arith.maximumf %sub3A_74, %max3A_76 : vector<32x8192xf32>
    %reduce_sum3A_78 = arith.constant dense<0.000000e+00> : vector<32xf32>
    %reduce_sum3A_79 = vector.multi_reduction <add>, %max3A_77, %reduce_sum3A_78 [1] : vector<32x8192xf32> to vector<32xf32>
    %broadcast_in_dim3A_80 = vector.shape_cast %reduce_sum3A_79 : vector<32xf32> to vector<32x1xf32>
    %sub3A_81 = arith.constant 1.000000e+00 : f32
    %sub3A_82 = vector.broadcast %sub3A_81 : f32 to vector<32x1xf32>
    %sub3A_83 = arith.subf %broadcast_in_dim3A_80, %sub3A_82 : vector<32x1xf32>
    %sub3A_84 = arith.subf %sub3A_83, %sub3A_63 : vector<32x1xf32>
    %lt3A_85 = arith.constant 0.000000e+00 : f32
    %lt3A_86 = vector.broadcast %lt3A_85 : f32 to vector<32x1xf32>
    %lt3A_87 = arith.cmpf olt, %sub3A_84, %lt3A_86 : vector<32x1xf32>
    %sub3A_88 = arith.subf %select_n3A_72, %select_n3A_52 : vector<32x1xf32>
    %mul3A_89 = arith.mulf %sub3A_83, %sub3A_88 : vector<32x1xf32>
    %div3A_90 = arith.divf %mul3A_89, %sub3A_84 : vector<32x1xf32>
    %sub3A_91 = arith.subf %select_n3A_72, %div3A_90 : vector<32x1xf32>
    %select_n3A_92 = arith.select %lt3A_87, %sub3A_91, %select_n3A_72 : vector<32x1xi1>, vector<32x1xf32>
    %sub3A_93 = vector.broadcast %select_n3A_92 : vector<32x1xf32> to vector<32x8192xf32>
    %sub3A_94 = arith.subf %get3A_1, %sub3A_93 : vector<32x8192xf32>
    %max3A_95 = arith.constant 0.000000e+00 : f32
    %max3A_96 = vector.broadcast %max3A_95 : f32 to vector<32x8192xf32>
    %max3A_97 = arith.maximumf %sub3A_94, %max3A_96 : vector<32x8192xf32>
    %reduce_sum3A_98 = arith.constant dense<0.000000e+00> : vector<32xf32>
    %reduce_sum3A_99 = vector.multi_reduction <add>, %max3A_97, %reduce_sum3A_98 [1] : vector<32x8192xf32> to vector<32xf32>
    %broadcast_in_dim3A_100 = vector.shape_cast %reduce_sum3A_99 : vector<32xf32> to vector<32x1xf32>
    %sub3A_101 = arith.constant 1.000000e+00 : f32
    %sub3A_102 = vector.broadcast %sub3A_101 : f32 to vector<32x1xf32>
    %sub3A_103 = arith.subf %broadcast_in_dim3A_100, %sub3A_102 : vector<32x1xf32>
    %sub3A_104 = arith.subf %sub3A_103, %sub3A_83 : vector<32x1xf32>
    %lt3A_105 = arith.constant 0.000000e+00 : f32
    %lt3A_106 = vector.broadcast %lt3A_105 : f32 to vector<32x1xf32>
    %lt3A_107 = arith.cmpf olt, %sub3A_104, %lt3A_106 : vector<32x1xf32>
    %sub3A_108 = arith.subf %select_n3A_92, %select_n3A_72 : vector<32x1xf32>
    %mul3A_109 = arith.mulf %sub3A_103, %sub3A_108 : vector<32x1xf32>
    %div3A_110 = arith.divf %mul3A_109, %sub3A_104 : vector<32x1xf32>
    %sub3A_111 = arith.subf %select_n3A_92, %div3A_110 : vector<32x1xf32>
    %select_n3A_112 = arith.select %lt3A_107, %sub3A_111, %select_n3A_92 : vector<32x1xi1>, vector<32x1xf32>
    %sub3A_113 = vector.broadcast %select_n3A_112 : vector<32x1xf32> to vector<32x8192xf32>
    %sub3A_114 = arith.subf %get3A_1, %sub3A_113 : vector<32x8192xf32>
    %max3A_115 = arith.constant 0.000000e+00 : f32
    %max3A_116 = vector.broadcast %max3A_115 : f32 to vector<32x8192xf32>
    %max3A_117 = arith.maximumf %sub3A_114, %max3A_116 : vector<32x8192xf32>
    %reduce_sum3A_118 = arith.constant dense<0.000000e+00> : vector<32xf32>
    %reduce_sum3A_119 = vector.multi_reduction <add>, %max3A_117, %reduce_sum3A_118 [1] : vector<32x8192xf32> to vector<32xf32>
    %broadcast_in_dim3A_120 = vector.shape_cast %reduce_sum3A_119 : vector<32xf32> to vector<32x1xf32>
    %sub3A_121 = arith.constant 1.000000e+00 : f32
    %sub3A_122 = vector.broadcast %sub3A_121 : f32 to vector<32x1xf32>
    %sub3A_123 = arith.subf %broadcast_in_dim3A_120, %sub3A_122 : vector<32x1xf32>
    %sub3A_124 = arith.subf %sub3A_123, %sub3A_103 : vector<32x1xf32>
    %lt3A_125 = arith.constant 0.000000e+00 : f32
    %lt3A_126 = vector.broadcast %lt3A_125 : f32 to vector<32x1xf32>
    %lt3A_127 = arith.cmpf olt, %sub3A_124, %lt3A_126 : vector<32x1xf32>
    %sub3A_128 = arith.subf %select_n3A_112, %select_n3A_92 : vector<32x1xf32>
    %mul3A_129 = arith.mulf %sub3A_123, %sub3A_128 : vector<32x1xf32>
    %div3A_130 = arith.divf %mul3A_129, %sub3A_124 : vector<32x1xf32>
    %sub3A_131 = arith.subf %select_n3A_112, %div3A_130 : vector<32x1xf32>
    %select_n3A_132 = arith.select %lt3A_127, %sub3A_131, %select_n3A_112 : vector<32x1xi1>, vector<32x1xf32>
    %sub3A_133 = vector.broadcast %select_n3A_132 : vector<32x1xf32> to vector<32x8192xf32>
    %sub3A_134 = arith.subf %get3A_1, %sub3A_133 : vector<32x8192xf32>
    %max3A_135 = arith.constant 0.000000e+00 : f32
    %max3A_136 = vector.broadcast %max3A_135 : f32 to vector<32x8192xf32>
    %max3A_137 = arith.maximumf %sub3A_134, %max3A_136 : vector<32x8192xf32>
    %reduce_sum3A_138 = arith.constant dense<0.000000e+00> : vector<32xf32>
    %reduce_sum3A_139 = vector.multi_reduction <add>, %max3A_137, %reduce_sum3A_138 [1] : vector<32x8192xf32> to vector<32xf32>
    %broadcast_in_dim3A_140 = vector.shape_cast %reduce_sum3A_139 : vector<32xf32> to vector<32x1xf32>
    %sub3A_141 = arith.constant 1.000000e+00 : f32
    %sub3A_142 = vector.broadcast %sub3A_141 : f32 to vector<32x1xf32>
    %sub3A_143 = arith.subf %broadcast_in_dim3A_140, %sub3A_142 : vector<32x1xf32>
    %sub3A_144 = arith.subf %sub3A_143, %sub3A_123 : vector<32x1xf32>
    %lt3A_145 = arith.constant 0.000000e+00 : f32
    %lt3A_146 = vector.broadcast %lt3A_145 : f32 to vector<32x1xf32>
    %lt3A_147 = arith.cmpf olt, %sub3A_144, %lt3A_146 : vector<32x1xf32>
    %sub3A_148 = arith.subf %select_n3A_132, %select_n3A_112 : vector<32x1xf32>
    %mul3A_149 = arith.mulf %sub3A_143, %sub3A_148 : vector<32x1xf32>
    %div3A_150 = arith.divf %mul3A_149, %sub3A_144 : vector<32x1xf32>
    %sub3A_151 = arith.subf %select_n3A_132, %div3A_150 : vector<32x1xf32>
    %select_n3A_152 = arith.select %lt3A_147, %sub3A_151, %select_n3A_132 : vector<32x1xi1>, vector<32x1xf32>
    %sub3A_153 = vector.broadcast %select_n3A_152 : vector<32x1xf32> to vector<32x8192xf32>
    %sub3A_154 = arith.subf %get3A_1, %sub3A_153 : vector<32x8192xf32>
    %max3A_155 = arith.constant 0.000000e+00 : f32
    %max3A_156 = vector.broadcast %max3A_155 : f32 to vector<32x8192xf32>
    %max3A_157 = arith.maximumf %sub3A_154, %max3A_156 : vector<32x8192xf32>
    %reduce_sum3A_158 = arith.constant dense<0.000000e+00> : vector<32xf32>
    %reduce_sum3A_159 = vector.multi_reduction <add>, %max3A_157, %reduce_sum3A_158 [1] : vector<32x8192xf32> to vector<32xf32>
    %broadcast_in_dim3A_160 = vector.shape_cast %reduce_sum3A_159 : vector<32xf32> to vector<32x1xf32>
    %sub3A_161 = arith.constant 1.000000e+00 : f32
    %sub3A_162 = vector.broadcast %sub3A_161 : f32 to vector<32x1xf32>
    %sub3A_163 = arith.subf %broadcast_in_dim3A_160, %sub3A_162 : vector<32x1xf32>
    %while3A = arith.constant 0 : i32
    %while3A_164 = arith.constant true
    %while3A_165:6 = scf.while (%while3A_173 = %while3A, %while3A_174 = %select_n3A_132, %while3A_175 = %sub3A_143, %while3A_176 = %select_n3A_152, %while3A_177 = %sub3A_163, %while3A_178 = %while3A_164) : (i32, vector<32x1xf32>, vector<32x1xf32>, vector<32x1xf32>, vector<32x1xf32>, i1) -> (i32, vector<32x1xf32>, vector<32x1xf32>, vector<32x1xf32>, vector<32x1xf32>, i1) {
      %lt3A_179 = arith.constant 24 : i32
      %lt3A_180 = arith.cmpi slt, %while3A_173, %lt3A_179 : i32
      %and3A = arith.andi %lt3A_180, %while3A_178 : i1
      scf.condition(%and3A) %while3A_173, %while3A_174, %while3A_175, %while3A_176, %while3A_177, %while3A_178 : i32, vector<32x1xf32>, vector<32x1xf32>, vector<32x1xf32>, vector<32x1xf32>, i1
    } do {
    ^bb0(%while3A_173: i32, %while3A_174: vector<32x1xf32>, %while3A_175: vector<32x1xf32>, %while3A_176: vector<32x1xf32>, %while3A_177: vector<32x1xf32>, %while3A_178: i1):
      %sub3A_179 = arith.subf %while3A_177, %while3A_175 : vector<32x1xf32>
      %lt3A_180 = arith.constant 0.000000e+00 : f32
      %lt3A_181 = vector.broadcast %lt3A_180 : f32 to vector<32x1xf32>
      %lt3A_182 = arith.cmpf olt, %sub3A_179, %lt3A_181 : vector<32x1xf32>
      %sub3A_183 = arith.subf %while3A_176, %while3A_174 : vector<32x1xf32>
      %mul3A_184 = arith.mulf %while3A_177, %sub3A_183 : vector<32x1xf32>
      %div3A_185 = arith.divf %mul3A_184, %sub3A_179 : vector<32x1xf32>
      %sub3A_186 = arith.subf %while3A_176, %div3A_185 : vector<32x1xf32>
      %select_n3A_187 = arith.select %lt3A_182, %sub3A_186, %while3A_176 : vector<32x1xi1>, vector<32x1xf32>
      %add3A = arith.constant 1 : i32
      %add3A_188 = arith.addi %while3A_173, %add3A : i32
      %sub3A_189 = vector.broadcast %select_n3A_187 : vector<32x1xf32> to vector<32x8192xf32>
      %sub3A_190 = arith.subf %get3A_1, %sub3A_189 : vector<32x8192xf32>
      %max3A_191 = arith.constant 0.000000e+00 : f32
      %max3A_192 = vector.broadcast %max3A_191 : f32 to vector<32x8192xf32>
      %max3A_193 = arith.maximumf %sub3A_190, %max3A_192 : vector<32x8192xf32>
      %reduce_sum3A_194 = arith.constant dense<0.000000e+00> : vector<32xf32>
      %reduce_sum3A_195 = vector.multi_reduction <add>, %max3A_193, %reduce_sum3A_194 [1] : vector<32x8192xf32> to vector<32xf32>
      %broadcast_in_dim3A_196 = vector.shape_cast %reduce_sum3A_195 : vector<32xf32> to vector<32x1xf32>
      %sub3A_197 = arith.constant 1.000000e+00 : f32
      %sub3A_198 = vector.broadcast %sub3A_197 : f32 to vector<32x1xf32>
      %sub3A_199 = arith.subf %broadcast_in_dim3A_196, %sub3A_198 : vector<32x1xf32>
      %ne3A = arith.cmpf one, %select_n3A_187, %while3A_176 : vector<32x1xf32>
      %reduce_or3A = arith.constant 1.000000e+00 : f32
      %reduce_or3A_200 = arith.constant 0.000000e+00 : f32
      %reduce_or3A_201 = vector.broadcast %reduce_or3A : f32 to vector<32x1xf32>
      %reduce_or3A_202 = vector.broadcast %reduce_or3A_200 : f32 to vector<32x1xf32>
      %reduce_or3A_203 = arith.select %ne3A, %reduce_or3A_201, %reduce_or3A_202 : vector<32x1xi1>, vector<32x1xf32>
      %reduce_or3A_204 = vector.shape_cast %reduce_or3A_203 : vector<32x1xf32> to vector<1x32x1xf32>
      %reduce_or3A_205 = arith.constant dense<0xFF800000> : vector<1xf32>
      %reduce_or3A_206 = vector.multi_reduction <maximumf>, %reduce_or3A_204, %reduce_or3A_205 [1, 2] : vector<1x32x1xf32> to vector<1xf32>
      %reduce_or3A_207 = vector.shape_cast %reduce_or3A_206 : vector<1xf32> to vector<1x1x1xf32>
      %reduce_or3A_208 = vector.extract %reduce_or3A_207[0, 0, 0] : f32 from vector<1x1x1xf32>
      %reduce_or3A_209 = arith.constant 0.000000e+00 : f32
      %reduce_or3A_210 = arith.cmpf ogt, %reduce_or3A_208, %reduce_or3A_209 : f32
      scf.yield %add3A_188, %while3A_176, %while3A_177, %select_n3A_187, %sub3A_199, %reduce_or3A_210 : i32, vector<32x1xf32>, vector<32x1xf32>, vector<32x1xf32>, vector<32x1xf32>, i1
    }
    %sub3A_166 = vector.broadcast %while3A_165#3 : vector<32x1xf32> to vector<32x8192xf32>
    %sub3A_167 = arith.subf %get3A_1, %sub3A_166 : vector<32x8192xf32>
    %max3A_168 = arith.constant 0.000000e+00 : f32
    %max3A_169 = vector.broadcast %max3A_168 : f32 to vector<32x8192xf32>
    %max3A_170 = arith.maximumf %sub3A_167, %max3A_169 : vector<32x8192xf32>
    %swap3A = arith.constant 0 : index
    %swap3A_171 = arith.constant 0 : index
    %swap3A_172 = vector.load %arg2[%swap3A, %swap3A_171] : memref<32x8192xf32, #tpu.memory_space<vmem>>, vector<32x8192xf32>
    tpu.vector_store %arg2[%swap3A, %swap3A_171], %max3A_170 {strides = array<i32>} : memref<32x8192xf32, #tpu.memory_space<vmem>>, vector<32x8192xf32>,
    return
  }
  func.func @transform_0(%arg0: i32) -> (i32, i32) {
    %c0_i32 = arith.constant 0 : i32
    %c0_i32_0 = arith.constant 0 : i32
    %c0_i32_1 = arith.constant 0 : i32
    return %c0_i32, %c0_i32_0 : i32, i32
  }
  func.func @transform_1(%arg0: i32) -> (i32, i32) {
    %c0_i32 = arith.constant 0 : i32
    %c0_i32_0 = arith.constant 0 : i32
    %c0_i32_1 = arith.constant 0 : i32
    return %c0_i32, %c0_i32_0 : i32, i32
  }
}

</mosaic_0001>

<sc_bundles>
// kernel: kernel.5.cloned.1.call-start
scs
__scs_entry_jumppad:
0x0: {  	(pc) =	sbr.rel $0x88, $3  }
0x1: {  	(tag) =	ssettag $0x0;
	lr =	simm.s32 $0x1  }
0x2: {  	[smem:$0x3FA0] =	sst lr;
	_ =	strace $0xD0000000  }
0x3: {  	_ = 	snop  }
0x4: {  	_ = 	snop  }
0x5: {  	_ = 	snop  }
0x6: {  	_ = 	snop  }
0x7: {  	_ = 	snop  }
__scs_overlays_trampoline_lowered:
0x8: {  	[smem:$0x3FAF] =	sst s0  }
0x9: {  	[smem:$0x3FB0] =	sst s1  }
0xa: {  	[smem:$0x3FB1] =	sst s2  }
0xb: {  	[smem:$0x3FB2] =	sst s3  }
0xc: {  	[smem:$0x3FB3] =	sst s4  }
0xd: {  	[smem:$0x3FB4] =	sst s5  }
0xe: {  	[smem:$0x3FB5] =	sst s6  }
0xf: {  	[smem:$0x3FB6] =	sst s7  }
0x10: {  	[smem:$0x3FB7] =	sst s8  }
0x11: {  	[smem:$0x3FB8] =	sst s9;
	s0 =	simm.s32 @!p0 $0x0  }
0x12: {  	s1 =	sld [smem:$0x3F9E];
	s0 =	simm.s32 @p0 $0x1  }
0x13: {  	[smem:$0x3FB9] =	sst s0;
	s0 =	simm.s32 @!p1 $0x0  }
0x14: {  	s2 =	sld [smem:$0x3F9D];
	s0 =	simm.s32 @p1 $0x1  }
0x15: {  	[smem:$0x3FBA] =	sst s0;
	s0 =	simm.s32 @!p2 $0x0  }
0x16: {  	s3 =	sld [smem:$0x3FDB];
	s0 =	simm.s32 @p2 $0x1  }
0x17: {  	s4 =	simm.s32 $0x1BF5;
	[smem:$0x3FBC] =	sst s0  }
0x18: {  	s0 =	sld [smem:$0x3F9F];
	_ =	swait.ge [sflag:s4], $0x0  }
0x19: {  	s7 =	sld [smem:$0x3FA0]  }
0x1a: {  	s8 =	sadd.s32 $0xFFFFE003, lr  }
0x1b: {  	s9 =	sadd.s32 $0xFFFFFEF7, lr;
	s5 =	simm.s32 $0xFFFFFFFF;
	p2 =	slt.u32 s8, $0xFFFFF086  }
0x1c: {  	p1 =	slt.u32 s9, $0xF7A;
	s5 =	simm.s32 @!p2 $0x0  }
0x1d: {  	s5 =	simm.s32 @p1 $0x1;
	p0 =	seq.s32 s7, s2  }
0x1e: {  	s7 =	smul.u32 @!p0 $0xF7A, s2;
	p2 =	seq.s32 @!p0 s5, $0x0  }
0x1f: {  	s9 =	smul.u32 $0xF7A, s1;
	s8 =	simm.s32 @!p0 $0x1BF5;
	p2 =	por !p2, p0  }
0x20: {  	[sflag:s8] =	ssyncset.s32 @!p0 $0xFFFFF086;
	s6 =	sadd.s32 @!p0 s3, s7;
	s7 =	simm.s32 @!p0 $0x108  }
0x21: {  	s3 =	sadd.s32 s3, s9;
	s6 =	sadd.s32 @!p0 $0x88, s6;
	s7 =	simm.s32 @p2 $0x1082  }
0x22: {  	[simem:s7], [sflag:s8] =	dma.local @!p0 [hbm:s6], $0xF7A  }
0x23: {  	s9 =	sor.u32 $0xD0000000, s2;
	s6 =	simm.s32 $0x108;
	_ =	swait.ge @!p0 [sflag:s8], $0x0  }
0x24: {  	s3 =	sadd.s32 $0x88, s3;
	s6 =	simm.s32 @!p1 $0x1082;
	[sflag:s4] =	ssyncset.s32 $0xFFFFF086  }
0x25: {  	[simem:s6], [sflag:s4] =	dma.local [hbm:s3], $0xF7A  }
0x26: {  	[smem:$0x3FA0] =	sst s1;
	(tag) =	ssettag s2;
	_ =	strace s9  }
0x27: {  	s1 =	sld [smem:$0x3FB0]  }
0x28: {  	s2 =	sld [smem:$0x3FB1]  }
0x29: {  	s4 =	sld [smem:$0x3FB3]  }
0x2a: {  	p0 =	seq.s32 s5, $0x0;
	s5 =	sld [smem:$0x3FB4]  }
0x2b: {  	s6 =	sld [smem:$0x3FB5]  }
0x2c: {  	s7 =	sld [smem:$0x3FB6]  }
0x2d: {  	s3 =	simm.s32 $0x108;
	s8 =	sld [smem:$0x3FB7]  }
0x2e: {  	s3 =	simm.s32 @!p0 $0x1082;
	s9 =	sld [smem:$0x3FB8]  }
0x2f: {  	lr =	sadd.s32 s0, s3;
	s0 =	sld [smem:$0x3FAF]  }
0x30: {  	s3 =	sld [smem:$0x3FB2]  }
0x31: {  	[smem:$0x3FBB] =	sst s10  }
0x32: {  	s10 =	sld [smem:$0x3FB9];
	_ =	sdelay $0x3  }
0x33: {  	p0 =	seq.s32 s10, $0x1;
	s10 =	sld [smem:$0x3FBB];
	_ =	sdelay $0x3  }
0x34: {  	[smem:$0x3FBB] =	sst s10  }
0x35: {  	s10 =	sld [smem:$0x3FBA];
	_ =	sdelay $0x3  }
0x36: {  	p1 =	seq.s32 s10, $0x1;
	s10 =	sld [smem:$0x3FBB];
	_ =	sdelay $0x3  }
0x37: {  	[smem:$0x3FBB] =	sst s10  }
0x38: {  	s10 =	sld [smem:$0x3FBC]  }
0x39: {  	_ = 	snop;
	(pc) =	sbr.ind lr, $3  }
0x3a: {  	_ = 	snop  }
0x3b: {  	_ = 	snop  }
0x3c: {  	p2 =	seq.s32 s10, $0x1;
	s10 =	sld [smem:$0x3FBB]  }
0x3d: {  	_ =	shalt  }
0x3e: {  	_ =	shalt  }
0x3f: {  	_ =	shalt  }
0x40: {  	_ =	shalt  }
0x41: {  	_ =	shalt  }
0x42: {  	_ =	shalt  }
0x43: {  	_ =	shalt  }
0x44: {  	_ =	shalt  }
0x45: {  	_ =	shalt  }
0x46: {  	_ =	shalt  }
0x47: {  	_ =	shalt  }
0x48: {  	_ =	shalt  }
0x49: {  	_ =	shalt  }
0x4a: {  	_ =	shalt  }
0x4b: {  	_ =	shalt  }
0x4c: {  	_ =	shalt  }
0x4d: {  	_ =	shalt  }
0x4e: {  	_ =	shalt  }
0x4f: {  	_ =	shalt  }
0x50: {  	_ =	shalt  }
0x51: {  	_ =	shalt  }
0x52: {  	_ =	shalt  }
0x53: {  	_ =	shalt  }
0x54: {  	_ =	shalt  }
0x55: {  	_ =	shalt  }
0x56: {  	_ =	shalt  }
0x57: {  	_ =	shalt  }
0x58: {  	_ =	shalt  }
0x59: {  	_ =	shalt  }
0x5a: {  	_ =	shalt  }
0x5b: {  	_ =	shalt  }
0x5c: {  	_ =	shalt  }
0x5d: {  	_ =	shalt  }
0x5e: {  	_ =	shalt  }
0x5f: {  	_ =	shalt  }
0x60: {  	_ =	shalt  }
0x61: {  	_ =	shalt  }
0x62: {  	_ =	shalt  }
0x63: {  	_ =	shalt  }
0x64: {  	_ =	shalt  }
0x65: {  	_ =	shalt  }
0x66: {  	_ =	shalt  }
0x67: {  	_ =	shalt  }
0x68: {  	_ =	shalt  }
0x69: {  	_ =	shalt  }
0x6a: {  	_ =	shalt  }
0x6b: {  	_ =	shalt  }
0x6c: {  	_ =	shalt  }
0x6d: {  	_ =	shalt  }
0x6e: {  	_ =	shalt  }
0x6f: {  	_ =	shalt  }
0x70: {  	_ =	shalt  }
0x71: {  	_ =	shalt  }
0x72: {  	_ =	shalt  }
0x73: {  	_ =	shalt  }
0x74: {  	_ =	shalt  }
0x75: {  	_ =	shalt  }
0x76: {  	_ =	shalt  }
0x77: {  	_ =	shalt  }
0x78: {  	_ =	shalt  }
0x79: {  	_ =	shalt  }
0x7a: {  	_ =	shalt  }
0x7b: {  	_ =	shalt  }
0x7c: {  	_ =	shalt  }
0x7d: {  	_ =	shalt  }
0x7e: {  	_ =	shalt  }
0x7f: {  	_ =	shalt  }
0x80: {  	_ =	shalt  }
0x81: {  	_ =	shalt  }
0x82: {  	_ =	shalt  }
0x83: {  	_ =	shalt  }
0x84: {  	_ =	shalt  }
0x85: {  	_ =	shalt  }
0x86: {  	_ =	shalt  }
0x87: {  	_ =	shalt  }
.Lfunc_end0:
.L_simem_size_0:
called_computation_lowered:
.L_overlay_start_0:
0x88: {  	s2 =	sld [smem:$0x3FD9]  }
0x89: {  	s3 =	sld [smem:$0x3FFE];
	_ =	sdelay $0x1  }
0x8a: {  	s1 =	srdreg.scid  }
0x8b: {  	s0 =	sand.u32 $0x1, s1  }
0x8c: {  	s18 =	sshll.u32 s0, $0xA;
	s2 =	sadd.s32 s3, s2  }
0x8d: {  	s2 =	sadd.s32 s2, s18  }
0x8e: {  	[smem:$0x3FC7] =	sst s2  }
0x8f: {  	_ = 	snop  }
0x90: {  	s2 =	sld [smem:$0x3FC9]  }
0x91: {  	s19 =	sld [smem:$0x3FD0];
	(tm) =	ssettm $0x1  }
0x92: {  	s4 =	sld [smem:$0x3FFB];
	_ =	sdelay $0x3  }
0x93: {  	_ =	strace s4  }
0x94: {  	s4 =	sld [smem:$0x3FFC];
	_ =	sdelay $0x3  }
0x95: {  	_ =	strace s4  }
0x96: {  	s4 =	sld [smem:$0x3FFD];
	_ =	sdelay $0x3  }
0x97: {  	_ =	strace s4  }
0x98: {  	_ =	strace $0x8FFFFFFF  }
0x99: {  	s20 =	sld [smem:$0x3FDB];
	_ =	sdelay $0x1  }
0x9a: {  	s5 =	simm.s32 $_scs_section_size  }
0x9b: {  	s6 =	simm.s32 $_size__tile_overlayer_lowered;
	s7 =	simm.s32 $_tile_overlayer_lowered  }
0x9c: {  	s23 =	simm.s32 $0x1BFF;
	s22 =	sshll.u32 s7, $0x1;
	s4 =	sadd.s32 s5, s20  }
0x9d: {  	s8 =	simm.s32 $0x0;
	s21 =	sshll.u32 s6, $0x1;
	s6 =	sadd.s32 s22, s4  }
0x9e: {  	[timem:s8], [sflag:s23] =	dma.local [hbm:s6], s21  }
0x9f: {  	_ =	swait.ge [sflag:s23], s21  }
0xa0: {  	s5 =	ssub.s32 $0x0, s21;
	[sflag:s23] =	ssyncset.done $0x0  }
0xa1: {  	[sflag:s23] =	ssyncadd.s32 s5;
	_ =	sdelay $0x1  }
0xa2: {  	s24 =	simm.s32 $0x1B8B  }
0xa3: {  	_ =	swait.ge [sflag:s24], $0x1  }
0xa4: {  	[sflag:s24] =	ssyncset.done $0x0  }
0xa5: {  	s25 =	simm.s32 $0x1B8E;
	[sflag:s24] =	ssyncadd.s32 $0xFFFFFFFF  }
0xa6: {  	s26 =	simm.s32 $execute0_lowered;
	[smem:$0x3FD2] =	sst s25  }
0xa7: {  	s5 =	sshll.u32 s26, $0x1;
	_ =	strace $0x80000046;
	[dreg:$0x1] =	wrdreg $0xFFFFFFFF  }
0xa8: {  	s28 =	simm.s32 $_size_execute0_lowered;
	s4 =	sadd.s32 s4, s5;
	[dreg:$0x0] =	wrdreg $0x0  }
0xa9: {  	s5 =	sshll.u32 s28, $0x1;
	[dreg:$0x2] =	wrdreg s4  }
0xaa: {  	[dreg:$0x3] =	wrdreg s5  }
0xab: {  	[dreg:$0x4] =	wrdreg $0xC0  }
0xac: {  	_ =	task [dreg:s8], $0x5FFFF  }
0xad: {  	[dreg:$0x1] =	wrdreg $0xFFFFFFFF  }
0xae: {  	[dreg:$0x0] =	wrdreg $0x60  }
0xaf: {  	[dreg:$0x2] =	wrdreg s2  }
0xb0: {  	[dreg:$0x3] =	wrdreg s19  }
0xb1: {  	[dreg:$0x4] =	wrdreg $0x9  }
0xb2: {  	_ =	task.clear_ibuf [dreg:s8], $0x5FFFF;
	_ =	strace $0x90000046  }
0xb3: {  	s29 =	simm.s32 $0x9;
	_ =	strace $0x80000048  }
0xb4: {  	_ =	swait.ge [sflag:s29], $0x1  }
0xb5: {  	[sflag:s29] =	ssyncadd.s32 $0xFFFFFFFF  }
0xb6: {  	_ =	strace $0x90000048  }
0xb7: {  	_ =	sfence  }
0xb8: {  	s30 =	sld [smem:$0x0];
	_ =	sdelay $0x2  }
0xb9: {  	s31 =	sshll.u32 s1, $0xD;
	s1 =	sshrl.u32 s1, $0x2  }
0xba: {  	s3 =	sand.u32 $0x4000, s31;
	s1 =	sadd.s32 s1, s30  }
0xbb: {  	s0 =	sor.u32 s3, s0;
	s1 =	sshll.u32 s1, $0x11  }
0xbc: {  	s0 =	sor.u32 s1, s0  }
0xbd: {  	s0 =	sadd.s32 $0x8F2B, s0  }
0xbe: {  	[sflag:s0] =	ssyncadd.remote.s32 $0x1  }
0xbf: {  	_ =	sfence.sel $0xFFFF  }
0xc0: {  	[dreg:$0x0] =	wrdreg $0xFFFFFFFF;
	(pc) =	sbr.abs _section_cstart, $3  }
0xc1: {  	[dreg:$0x1] =	wrdreg $0xFFFFFFFF  }
0xc2: {  	_ =	task.clear_ibuf [dreg:s8], $0x2FFFF;
	_ =	strace $0x9FFFFFFF  }
0xc3: {  	(tm) =	ssettm $0x7FFFFFFF  }
tec
execute0_lowered:
.L_overlay_start_1:
0x0: {  	(tag) =	ssettag $0x1  }
0x1: {  	s0 =	rddreg [dreg:$0x0]  }
0x2: {  	s1 =	rddreg [dreg:$0x1]  }
0x3: {  	s2 =	srdreg.scid;
	s4 =	stileid.u32;
	s7 =	simm.s32 $0x400  }
0x4: {  	s8 =	simm.s32 $0x1;
	s9 =	simm.s32 $0x2;
	s31 =	simm.s32 $0x17  }
0x5: {  	s10 =	simm.s32 $0x1A;
	s11 =	simm.s32 $0x1B;
	s12 =	simm.s32 $0x1C  }
0x6: {  	s13 =	simm.s32 $0x1D;
	s14 =	simm.s32 $0x1E;
	s15 =	simm.s32 $0x1F  }
0x7: {  	s16 =	simm.s32 $0x2000;
	s17 =	simm.s32 $0x0;
	s3 =	sand.u32 $0x1, s2  }
0x8: {  	s29 =	sshll.u32 s4, $0x5;
	s4 =	sshll.u32 s4, $0xB;
	s2 =	simm.s32 $0x0  }
0x9: {  	s5 =	sshll.u32 s3, $0x4;
	s6 =	sand.u32 $0x60, s29;
	s4 =	sand.u32 $0x6000, s4  }
.Ltmp0:
0xa: {  	s3 =	ssub.s32 $0x2, s3;
	s5 =	sor.u32 s5, s6;
	(pc) =	sbr.rel .LBB2_1-.Ltmp0, $4  }
0xb: {  	[smem:$0x7FF] =	sst s2;
	s30 =	sshrl.u32 s3, $0x1;
	s4 =	sor.u32 s4, s5  }
0xc: {  	_ =	strace $0x80000047;
	s5 =	ssub.s32 s3, s30;
	s4 =	sor.u32 $0x8000, s4  }
0xd: {  	s6 =	simm.s32 $0x80;
	s5 =	smax.u32 s5, $0x1;
	s3 =	sadd.s32 s0, s4  }
0xe: {  	v0 =	vimm.f32 $0.0e+00;
	s4 =	sadd.s32 s1, s4;
	s0 =	simm.s32 $0x18;
	s1 =	simm.s32 $0x19  }
.LBB2_58:
0xf: {  	_ = 	snop  }
.LBB2_69:
0x10: {  	_ =	sdelay $0x1  }
0x11: {  	v1 =	vsub.f32 v2, v1;
	_ =	sdelay $0x1  }
0x12: {  	[tilespmem:s20+$0x2000] =	vst @p0 v3;
	v1 =	vmax.f32 v1, $0.0e+00  }
0x13: {  	[tilespmem:s19+$0x2000] =	vst v1  }
.LBB2_70:
0x14: {  	s17 =	sadd.s32 $0x1, s17  }
0x15: {  	p0 =	sne.s32 s17, s5  }
.Ltmp1:
0x16: {  	_ = 	snop;
	(pc) =	sbr.rel @!p0 .LBB2_71-.Ltmp1, $4  }
0x17: {  	[hbm4b:s4+s6] =	stream.strided.scatter [tilespmem:s16], [sflag:$0x2], $0x2000, s7, s6, $0x38;
	[tilespmem:$0x4200] =	vst v63  }
0x18: {  	_ =	swait.ge [sflag:s9], $0x2000  }
0x19: {  	[sflag:s9] =	ssyncset.done $0x0  }
0x1a: {  	[sflag:s9] =	ssyncadd.s32 $0xFFFFE000  }
.LBB2_1:
0x1b: {  	[tilespmem:s2], [sflag:$0x1] =	stream.strided.gather [hbm4b:s3+s6], $0x2000, s7, s6, $0x38;
	[tilespmem:$0x4200] =	vst v63  }
0x1c: {  	s18 =	simm.s32 $0x0;
	s19 =	simm.s32 $0x400  }
.LBB2_2:
0x1d: {  	p0 =	sne.s32 s19, $0x7C00;
	[tilespmem:s18+$0x20F0] =	vst v0  }
0x1e: {  	[tilespmem:s18+$0x2000] =	vst v0  }
0x1f: {  	[tilespmem:s18+$0x2010] =	vst v0  }
0x20: {  	[tilespmem:s18+$0x2020] =	vst v0  }
0x21: {  	[tilespmem:s18+$0x2030] =	vst v0  }
0x22: {  	[tilespmem:s18+$0x2040] =	vst v0  }
0x23: {  	[tilespmem:s18+$0x2050] =	vst v0  }
0x24: {  	[tilespmem:s18+$0x2060] =	vst v0  }
0x25: {  	[tilespmem:s18+$0x2070] =	vst v0  }
0x26: {  	[tilespmem:s18+$0x2080] =	vst v0  }
0x27: {  	[tilespmem:s18+$0x2090] =	vst v0  }
.Ltmp2:
0x28: {  	[tilespmem:s18+$0x20A0] =	vst v0;
	(pc) =	sbr.rel @p0 .LBB2_2-.Ltmp2, $4  }
0x29: {  	[tilespmem:s18+$0x20B0] =	vst v0  }
0x2a: {  	[tilespmem:s18+$0x20C0] =	vst v0  }
0x2b: {  	[tilespmem:s18+$0x20D0] =	vst v0  }
0x2c: {  	[tilespmem:s18+$0x20E0] =	vst v0;
	s18 =	sshra.s32 s19, $0x2;
	s19 =	sadd.s32 $0x400, s19  }
0x2d: {  	[tilespmem:s18+$0x20F0] =	vst v0  }
0x2e: {  	[tilespmem:s18+$0x2000] =	vst v0  }
0x2f: {  	[tilespmem:s18+$0x2010] =	vst v0  }
0x30: {  	[tilespmem:s18+$0x2020] =	vst v0  }
0x31: {  	[tilespmem:s18+$0x2030] =	vst v0  }
0x32: {  	[tilespmem:s18+$0x2040] =	vst v0  }
0x33: {  	[tilespmem:s18+$0x2050] =	vst v0  }
0x34: {  	[tilespmem:s18+$0x2060] =	vst v0  }
0x35: {  	[tilespmem:s18+$0x2070] =	vst v0  }
0x36: {  	[tilespmem:s18+$0x2080] =	vst v0  }
0x37: {  	[tilespmem:s18+$0x2090] =	vst v0  }
0x38: {  	[tilespmem:s18+$0x20A0] =	vst v0  }
0x39: {  	[tilespmem:s18+$0x20B0] =	vst v0  }
0x3a: {  	[tilespmem:s18+$0x20C0] =	vst v0  }
0x3b: {  	[tilespmem:s18+$0x20D0] =	vst v0  }
0x3c: {  	[tilespmem:s18+$0x20E0] =	vst v0  }
0x3d: {  	_ =	swait.ge [sflag:s8], $0x2000  }
0x3e: {  	[sflag:s8] =	ssyncset.done $0x0  }
0x3f: {  	s19 =	simm.s32 $0x80;
	[sflag:s8] =	ssyncadd.s32 $0xFFFFE000  }
0x40: {  	v4 =	vld [tilespmem:s19+$0x40]  }
0x41: {  	v2 =	vld [tilespmem:s19+$0x50]  }
0x42: {  	v3 =	vld [tilespmem:s19+$0x60]  }
0x43: {  	v7 =	vld [tilespmem:s19+$0x0]  }
0x44: {  	v5 =	vld [tilespmem:s19+$0x10]  }
0x45: {  	v6 =	vld [tilespmem:s19+$0x20]  }
0x46: {  	v11 =	vld [tilespmem:s19+$0xFFFFFFC0]  }
0x47: {  	v13 =	vld [tilespmem:s19+$0xFFFFFF80]  }
0x48: {  	v8 =	vld [tilespmem:s19+$0xFFFFFF90]  }
0x49: {  	v9 =	vld [tilespmem:s19+$0xFFFFFFD0]  }
0x4a: {  	v10 =	vld [tilespmem:s19+$0xFFFFFFA0]  }
0x4b: {  	v12 =	vld [tilespmem:s19+$0xFFFFFFE0]  }
0x4c: {  	v14 =	vld [tilespmem:s19+$0xFFFFFFB0]  }
0x4d: {  	v1 =	vimm.f32 $-Inf;
	s18 =	simm.s32 $0x0;
	s20 =	simm.s32 $0x40;
	v15 =	vld [tilespmem:s19+$0xFFFFFFF0]  }
.LBB2_4:
0x4e: {  	p0 =	sne.s32 s20, $0x7C0;
	v16 =	vld [tilespmem:s19+$0x30]  }
0x4f: {  	v11 =	vmax.f32 v13, v11;
	v13 =	vld [tilespmem:s19+$0x70]  }
0x50: {  	v7 =	vmax.f32 v11, v7  }
0x51: {  	v4 =	vmax.f32 v7, v4  }
0x52: {  	v7 =	vmax.f32 v8, v9;
	v8 =	vmax.f32 v10, v12;
	v9 =	vmax.f32 v14, v15  }
0x53: {  	v5 =	vmax.f32 v7, v5;
	v6 =	vmax.f32 v8, v6;
	v7 =	vmax.f32 v9, v16  }
0x54: {  	v2 =	vmax.f32 v5, v2;
	v3 =	vmax.f32 v6, v3;
	v5 =	vmax.f32 v7, v13  }
0x55: {  	v2 =	vmax.f32 v4, v2;
	v3 =	vmax.f32 v3, v5  }
0x56: {  	s21 =	sshra.s32 s18, $0x2;
	s18 =	smov.u32 s20;
	v2 =	vmax.f32 v2, v3  }
0x57: {  	s19 =	sadd.s32 $0x100, s19;
	[tilespmem:s21+$0x4000] =	vst v2;
	v1 =	vmax.f32 v1, v2  }
0x58: {  	v4 =	vld [tilespmem:s19+$0x40]  }
0x59: {  	v2 =	vld [tilespmem:s19+$0x50]  }
0x5a: {  	v3 =	vld [tilespmem:s19+$0x60]  }
0x5b: {  	v7 =	vld [tilespmem:s19+$0x0]  }
0x5c: {  	v5 =	vld [tilespmem:s19+$0x10]  }
0x5d: {  	v6 =	vld [tilespmem:s19+$0x20]  }
0x5e: {  	v11 =	vld [tilespmem:s19+$0xFFFFFFC0]  }
0x5f: {  	v13 =	vld [tilespmem:s19+$0xFFFFFF80]  }
0x60: {  	v8 =	vld [tilespmem:s19+$0xFFFFFF90]  }
.Ltmp3:
0x61: {  	v9 =	vld [tilespmem:s19+$0xFFFFFFD0];
	(pc) =	sbr.rel @p0 .LBB2_4-.Ltmp3, $4  }
0x62: {  	v10 =	vld [tilespmem:s19+$0xFFFFFFA0]  }
0x63: {  	v12 =	vld [tilespmem:s19+$0xFFFFFFE0]  }
0x64: {  	v14 =	vld [tilespmem:s19+$0xFFFFFFB0]  }
0x65: {  	s20 =	sadd.s32 $0x40, s20;
	v15 =	vld [tilespmem:s19+$0xFFFFFFF0]  }
0x66: {  	v16 =	vld [tilespmem:s19+$0x30]  }
0x67: {  	v19 =	vld [tilespmem:s19+$0x70]  }
0x68: {  	v11 =	vmax.f32 v13, v11  }
0x69: {  	v20 =	vmax.f32 v8, v9;
	v7 =	vmax.f32 v11, v7  }
0x6a: {  	v5 =	vmax.f32 v20, v5;
	v21 =	vmax.f32 v10, v12;
	v22 =	vmax.f32 v14, v15  }
0x6b: {  	v4 =	vmax.f32 v7, v4;
	v6 =	vmax.f32 v21, v6;
	v23 =	vmax.f32 v22, v16  }
0x6c: {  	v2 =	vmax.f32 v5, v2;
	v3 =	vmax.f32 v6, v3;
	v24 =	vmax.f32 v23, v19  }
0x6d: {  	v2 =	vmax.f32 v4, v2;
	v3 =	vmax.f32 v3, v24  }
0x6e: {  	v2 =	vmax.f32 v2, v3  }
0x6f: {  	v1 =	vmax.f32 v1, v2  }
0x70: {  	(xrf0) =	vmax.scan.msk.f32 $0xffff, v1;
	_ =	sdelay $0x5  }
0x71: {  	v1, _, _ =	vpop (xrf0)  }
0x72: {  	(v2sf) =	vpush v1, $0xF;
	_ =	sdelay $0x9  }
0x73: {  	s18 =	sshra.s32 s18, $0x2  }
0x74: {  	[tilespmem:s18+$0x4000] =	vst v2  }
0x75: {  	v2 =	vld [tilespmem:$0x4010]  }
0x76: {  	v1 =	vld [tilespmem:$0x4000]  }
0x77: {  	v3 =	vld [tilespmem:$0x4020]  }
0x78: {  	v25 =	vld [tilespmem:$0x4030];
	s28 =	spop (v2sf)  }
0x79: {  	v26 =	vld [tilespmem:$0x4040];
	s19 =	sadd.f32 $-1.000000000e+00, s28  }
0x7a: {  	v27 =	vld [tilespmem:$0x4050]  }
0x7b: {  	vm0 =	vgt.f32 v1, s19;
	v1 =	vimm.f32 $0.0e+00;
	vm9 =	vgt.f32 v2, s19;
	v2 =	vld [tilespmem:$0x4060]  }
0x7c: {  	v28 =	vsel vm0, $0x3F800000, v1  }
0x7d: {  	vm10 =	vgt.f32 v3, s19;
	v3 =	vld [tilespmem:$0x4070];
	v29 =	vsel vm9, $0x3F800000, v1;
	(xrf0) =	vmax.scan.msk.f32 $0xffff, v28  }
0x7e: {  	v31 =	vld [tilespmem:$0x4080];
	vm11 =	vgt.f32 v25, s19;
	v30 =	vsel vm10, $0x3F800000, v1;
	(xrf0) =	vmax.scan.msk.f32 $0xffff, v29  }
0x7f: {  	vm12 =	vgt.f32 v26, s19;
	v32 =	vsel vm11, $0x3F800000, v1;
	(xrf0) =	vmax.scan.msk.f32 $0xffff, v30  }
0x80: {  	vm13 =	vgt.f32 v27, s19;
	v5 =	vsel vm12, $0x3F800000, v1;
	(xrf0) =	vmax.scan.msk.f32 $0xffff, v32;
	vm14 =	vgt.f32 v2, s19;
	v2 =	vld [tilespmem:$0x4090]  }
0x81: {  	v33 =	vsel vm13, $0x3F800000, v1;
	(xrf0) =	vmax.scan.msk.f32 $0xffff, v5  }
0x82: {  	vm15 =	vgt.f32 v3, s19;
	v34 =	vsel vm14, $0x3F800000, v1;
	(xrf0) =	vmax.scan.msk.f32 $0xffff, v33  }
0x83: {  	vm4 =	vgt.f32 v31, s19;
	v35 =	vsel vm15, $0x3F800000, v1;
	v3, _, _ =	vpop (xrf0);
	(xrf0) =	vmax.scan.msk.f32 $0xffff, v34  }
0x84: {  	v4 =	vsel vm4, $0x3F800000, v1;
	(v2sf) =	vpush v3, $0xF;
	v3, _, _ =	vpop (xrf0);
	(xrf0) =	vmax.scan.msk.f32 $0xffff, v35  }
0x85: {  	v36 =	vld [tilespmem:$0x40A0];
	(v2sf) =	vpush v3, $0xF;
	v3, _, _ =	vpop (xrf0);
	(xrf0) =	vmax.scan.msk.f32 $0xffff, v4;
	vm5 =	vgt.f32 v2, s19  }
0x86: {  	v38 =	vld [tilespmem:$0x40B0];
	v37, _, _ =	vpop (xrf0);
	(v2sf) =	vpush v3, $0xF;
	v3 =	vsel vm5, $0x3F800000, v1  }
0x87: {  	v2, _, _ =	vpop (xrf0);
	(v2sf) =	vpush v37, $0xF;
	(xrf0) =	vmax.scan.msk.f32 $0xffff, v3;
	v3 =	vld [tilespmem:$0x40C0]  }
0x88: {  	(v2sf) =	vpush v2, $0xF;
	v2, _, _ =	vpop (xrf0)  }
0x89: {  	v39, _, _ =	vpop (xrf0);
	(v2sf) =	vpush v2, $0xF  }
0x8a: {  	vm6 =	vgt.f32 v36, s19;
	(v2sf) =	vpush v39, $0xF;
	v2, _, _ =	vpop (xrf0)  }
0x8b: {  	v40 =	vld [tilespmem:$0x40D0];
	vm7 =	vgt.f32 v38, s19;
	v5 =	vsel vm6, $0x3F800000, v1;
	(v2sf) =	vpush v2, $0xF;
	v2, _, _ =	vpop (xrf0)  }
0x8c: {  	(xrf0) =	vmax.scan.msk.f32 $0xffff, v5;
	(v2sf) =	vpush v2, $0xF;
	v2 =	vsel vm7, $0x3F800000, v1;
	vm8 =	vgt.f32 v3, s19;
	v3 =	vld [tilespmem:$0x40E0]  }
0x8d: {  	(xrf0) =	vmax.scan.msk.f32 $0xffff, v2;
	v2 =	vsel vm8, $0x3F800000, v1  }
0x8e: {  	(xrf0) =	vmax.scan.msk.f32 $0xffff, v2;
	v2 =	vld [tilespmem:$0x40F0];
	_ =	sdelay $0x2  }
0x8f: {  	vm9 =	vgt.f32 v40, s19;
	vm10 =	vgt.f32 v3, s19  }
0x90: {  	v5 =	vsel vm9, $0x3F800000, v1;
	v41, _, _ =	vpop (xrf0);
	v3 =	vsel vm10, $0x3F800000, v1  }
0x91: {  	(v2sf) =	vpush v41, $0xF;
	v42, _, _ =	vpop (xrf0);
	(xrf0) =	vmax.scan.msk.f32 $0xffff, v5;
	vm11 =	vgt.f32 v2, s19  }
0x92: {  	v43 =	vld [tilespmem:$0x4100];
	(v2sf) =	vpush v42, $0xF;
	v44, _, _ =	vpop (xrf0);
	(xrf0) =	vmax.scan.msk.f32 $0xffff, v3;
	v2 =	vsel vm11, $0x3F800000, v1  }
0x93: {  	s29 =	spop (v2sf);
	(v2sf) =	vpush v44, $0xF;
	v3, _, _ =	vpop (xrf0);
	(xrf0) =	vmax.scan.msk.f32 $0xffff, v2;
	v2 =	vld [tilespmem:$0x4120]  }
0x94: {  	s20 =	spop (v2sf);
	(v2sf) =	vpush v3, $0xF;
	v3 =	vld [tilespmem:$0x4110]  }
0x95: {  	s18 =	simm.s32 $0x0  }
0x96: {  	s30 =	simm.s32 $0x1;
	[smem:$0x200] =	sst s18  }
0x97: {  	s28 =	simm.s32 $0x1;
	vm12 =	vgt.f32 v43, s19;
	p0 =	sgt.f32 s29, $0.0e+00;
	s21 =	spop (v2sf)  }
0x98: {  	v4 =	vsel vm12, $0x3F800000, v1;
	s29 =	simm.s32 $0x1;
	p1 =	sgt.f32 s20, $0.0e+00;
	s24 =	spop (v2sf);
	v45, _, _ =	vpop (xrf0)  }
0x99: {  	s28 =	simm.s32 @!p0 $0x0;
	p0 =	sgt.f32 s21, $0.0e+00;
	s25 =	spop (v2sf);
	(v2sf) =	vpush v45, $0xF;
	vm14 =	vgt.f32 v2, s19;
	v2 =	vld [tilespmem:$0x4140];
	vm13 =	vgt.f32 v3, s19  }
0x9a: {  	v47 =	vld [tilespmem:$0x4130];
	(xrf0) =	vmax.scan.msk.f32 $0xffff, v4;
	[smem:s28+$0x200] =	sst s8;
	s29 =	simm.s32 @!p1 $0x0;
	p1 =	sgt.f32 s24, $0.0e+00;
	v3 =	vsel vm13, $0x3F800000, v1  }
0x9b: {  	s26 =	spop (v2sf);
	s28 =	sadd.s32 s28, s29;
	s29 =	simm.s32 $0x1;
	v46, _, _ =	vpop (xrf0);
	(xrf0) =	vmax.scan.msk.f32 $0xffff, v3;
	v3 =	vsel vm14, $0x3F800000, v1  }
0x9c: {  	s23 =	spop (v2sf);
	[smem:s28+$0x200] =	sst s9;
	s29 =	simm.s32 @!p0 $0x0;
	v48, _, _ =	vpop (xrf0);
	(xrf0) =	vmax.scan.msk.f32 $0xffff, v3  }
0x9d: {  	s30 =	simm.s32 @!p1 $0x0;
	p0 =	sgt.f32 s25, $0.0e+00;
	p1 =	sgt.f32 s26, $0.0e+00;
	v3 =	vld [tilespmem:$0x4150]  }
0x9e: {  	s22 =	spop (v2sf);
	s28 =	sadd.s32 s29, s28;
	s29 =	simm.s32 $0x3;
	vm4 =	vgt.f32 v2, s19  }
0x9f: {  	vm15 =	vgt.f32 v47, s19;
	(v2sf) =	vpush v46, $0xF;
	s20 =	spop (v2sf);
	[smem:s28+$0x200] =	sst s29;
	v2 =	vsel vm4, $0x3F800000, v1  }
0xa0: {  	v50 =	vsel vm15, $0x3F800000, v1;
	s28 =	sadd.s32 s30, s28;
	s30 =	simm.s32 $0x4;
	(v2sf) =	vpush v48, $0xF;
	v49, _, _ =	vpop (xrf0);
	s21 =	spop (v2sf)  }
0xa1: {  	s29 =	simm.s32 $0x1;
	[smem:s28+$0x200] =	sst s30;
	(v2sf) =	vpush v49, $0xF;
	s24 =	spop (v2sf);
	(xrf0) =	vmax.scan.msk.f32 $0xffff, v50;
	v52, _, _ =	vpop (xrf0)  }
0xa2: {  	v51 =	vld [tilespmem:$0x4160];
	s29 =	simm.s32 @!p0 $0x0;
	s30 =	simm.s32 $0x1;
	(xrf0) =	vmax.scan.msk.f32 $0xffff, v2;
	s25 =	spop (v2sf);
	vm5 =	vgt.f32 v3, s19;
	(v2sf) =	vpush v52, $0xF;
	v2, _, _ =	vpop (xrf0)  }
0xa3: {  	p0 =	sgt.f32 s23, $0.0e+00;
	s23 =	simm.s32 $0x1;
	v3 =	vld [tilespmem:$0x4170];
	s26 =	spop (v2sf);
	(v2sf) =	vpush v2, $0xF;
	v2 =	vsel vm5, $0x3F800000, v1  }
0xa4: {  	s28 =	sadd.s32 s29, s28;
	s30 =	simm.s32 @!p1 $0x0;
	s29 =	simm.s32 $0x5;
	(xrf0) =	vmax.scan.msk.f32 $0xffff, v2;
	v2 =	vld [tilespmem:$0x4180]  }
0xa5: {  	p1 =	sgt.f32 s22, $0.0e+00;
	[smem:s28+$0x200] =	sst s29;
	s28 =	sadd.s32 s30, s28  }
0xa6: {  	s29 =	simm.s32 $0x6;
	s23 =	simm.s32 @!p0 $0x0;
	p0 =	sgt.f32 s20, $0.0e+00  }
0xa7: {  	s30 =	simm.s32 $0x7;
	[smem:s28+$0x200] =	sst s29;
	s29 =	simm.s32 $0x1;
	v53, _, _ =	vpop (xrf0)  }
0xa8: {  	v55 =	vld [tilespmem:$0x4190];
	vm6 =	vgt.f32 v51, s19;
	s23 =	sadd.s32 s23, s28;
	s28 =	simm.s32 $0x1;
	s22 =	spop (v2sf);
	(v2sf) =	vpush v53, $0xF  }
0xa9: {  	v4 =	vsel vm6, $0x3F800000, v1;
	s29 =	simm.s32 @!p1 $0x0;
	[smem:s23+$0x200] =	sst s30;
	s30 =	simm.s32 $0x8;
	vm7 =	vgt.f32 v3, s19;
	vm8 =	vgt.f32 v2, s19;
	v2 =	vld [tilespmem:$0x41A0]  }
0xaa: {  	s28 =	simm.s32 @!p0 $0x0;
	p0 =	sgt.f32 s21, $0.0e+00;
	p1 =	sgt.f32 s24, $0.0e+00;
	(xrf0) =	vmax.scan.msk.f32 $0xffff, v4;
	v3 =	vsel vm7, $0x3F800000, v1  }
0xab: {  	s24 =	simm.s32 $0x1;
	s23 =	sadd.s32 s29, s23;
	s29 =	simm.s32 $0x9;
	v54, _, _ =	vpop (xrf0);
	(xrf0) =	vmax.scan.msk.f32 $0xffff, v3;
	v3 =	vsel vm8, $0x3F800000, v1  }
0xac: {  	[smem:s23+$0x200] =	sst s30;
	s23 =	sadd.s32 s28, s23;
	s28 =	simm.s32 $0x1;
	v56, _, _ =	vpop (xrf0);
	(xrf0) =	vmax.scan.msk.f32 $0xffff, v3  }
0xad: {  	s24 =	simm.s32 @!p1 $0x0;
	s30 =	simm.s32 $0xA;
	s28 =	simm.s32 @!p0 $0x0;
	v3 =	vld [tilespmem:$0x41B0]  }
0xae: {  	vm9 =	vgt.f32 v55, s19;
	[smem:s23+$0x200] =	sst s29;
	s29 =	simm.s32 $0xB;
	s23 =	sadd.s32 s28, s23;
	vm10 =	vgt.f32 v2, s19  }
0xaf: {  	v58 =	vsel vm9, $0x3F800000, v1;
	p0 =	sgt.f32 s25, $0.0e+00;
	s25 =	simm.s32 $0x1;
	s20 =	spop (v2sf);
	(v2sf) =	vpush v54, $0xF;
	v2 =	vsel vm10, $0x3F800000, v1  }
0xb0: {  	[smem:s23+$0x200] =	sst s30;
	s23 =	sadd.s32 s24, s23;
	s21 =	spop (v2sf);
	(v2sf) =	vpush v56, $0xF;
	v57, _, _ =	vpop (xrf0);
	(xrf0) =	vmax.scan.msk.f32 $0xffff, v58  }
0xb1: {  	v59 =	vld [tilespmem:$0x41C0];
	s24 =	simm.s32 $0x1;
	s30 =	simm.s32 $0xC;
	s28 =	spop (v2sf);
	(v2sf) =	vpush v57, $0xF;
	v60, _, _ =	vpop (xrf0)  }
0xb2: {  	p1 =	sgt.f32 s26, $0.0e+00;
	s24 =	simm.s32 @!p0 $0x0;
	(xrf0) =	vmax.scan.msk.f32 $0xffff, v2;
	vm11 =	vgt.f32 v3, s19;
	s26 =	spop (v2sf);
	(v2sf) =	vpush v60, $0xF;
	v2, _, _ =	vpop (xrf0)  }
0xb3: {  	[smem:s23+$0x200] =	sst s29;
	s23 =	sadd.s32 s24, s23;
	s24 =	spop (v2sf);
	(v2sf) =	vpush v2, $0xF;
	v2 =	vsel vm11, $0x3F800000, v1  }
0xb4: {  	s29 =	simm.s32 $0xE;
	p0 =	sgt.f32 s22, $0.0e+00;
	s25 =	simm.s32 @!p1 $0x0;
	v3 =	vld [tilespmem:$0x41D0]  }
0xb5: {  	s22 =	simm.s32 $0x1;
	[smem:s23+$0x200] =	sst s30;
	s23 =	sadd.s32 s25, s23  }
0xb6: {  	vm12 =	vgt.f32 v59, s19;
	s25 =	simm.s32 $0xD;
	p1 =	sgt.f32 s20, $0.0e+00;
	s20 =	simm.s32 $0x1;
	(xrf0) =	vmax.scan.msk.f32 $0xffff, v2;
	v2, _, _ =	vpop (xrf0)  }
0xb7: {  	[smem:s23+$0x200] =	sst s25;
	s20 =	simm.s32 @!p0 $0x0;
	s25 =	spop (v2sf);
	(v2sf) =	vpush v2, $0xF;
	v2 =	vsel vm12, $0x3F800000, v1  }
0xb8: {  	s22 =	simm.s32 @!p1 $0x0;
	s20 =	sadd.s32 s20, s23;
	p0 =	sgt.f32 s21, $0.0e+00;
	(xrf0) =	vmax.scan.msk.f32 $0xffff, v2;
	v2 =	vld [tilespmem:$0x41E0]  }
0xb9: {  	[smem:s20+$0x200] =	sst s29;
	s20 =	sadd.s32 s22, s20;
	s22 =	simm.s32 $0x1;
	vm13 =	vgt.f32 v3, s19  }
0xba: {  	v62 =	vld [tilespmem:$0x41F0];
	s30 =	simm.s32 $0xF;
	s22 =	simm.s32 @!p0 $0x0;
	p0 =	sgt.f32 s28, $0.0e+00;
	v3 =	vsel vm13, $0x3F800000, v1  }
0xbb: {  	[smem:s20+$0x200] =	sst s30;
	s20 =	sadd.s32 s22, s20;
	s22 =	simm.s32 $0x1;
	v61, _, _ =	vpop (xrf0);
	(xrf0) =	vmax.scan.msk.f32 $0xffff, v3  }
0xbc: {  	s29 =	simm.s32 $0x10;
	s22 =	simm.s32 @!p0 $0x0  }
0xbd: {  	s30 =	simm.s32 $0x11;
	[smem:s20+$0x200] =	sst s29;
	s20 =	sadd.s32 s22, s20;
	vm14 =	vgt.f32 v2, s19  }
0xbe: {  	s28 =	simm.s32 $0x16;
	[smem:s20+$0x200] =	sst s30;
	s21 =	spop (v2sf);
	(v2sf) =	vpush v61, $0xF;
	v63, _, _ =	vpop (xrf0);
	v3 =	vsel vm14, $0x3F800000, v1  }
0xbf: {  	vm15 =	vgt.f32 v62, s19;
	s29 =	simm.s32 $0x12;
	p1 =	sgt.f32 s26, $0.0e+00;
	s23 =	spop (v2sf);
	(v2sf) =	vpush v63, $0xF;
	v2, _, _ =	vpop (xrf0)  }
0xc0: {  	s26 =	simm.s32 $0x1;
	p0 =	sgt.f32 s24, $0.0e+00;
	s22 =	spop (v2sf);
	(v2sf) =	vpush v2, $0xF;
	(xrf0) =	vmax.scan.msk.f32 $0xffff, v3;
	v2 =	vsel vm15, $0x3F800000, v1  }
0xc1: {  	s30 =	simm.s32 $0x13;
	s24 =	simm.s32 $0x1;
	s26 =	simm.s32 @!p1 $0x0;
	v3, _, _ =	vpop (xrf0);
	(xrf0) =	vmax.scan.msk.f32 $0xffff, v2  }
0xc2: {  	p1 =	sgt.f32 s25, $0.0e+00;
	s20 =	sadd.s32 s26, s20;
	s24 =	simm.s32 @!p0 $0x0  }
0xc3: {  	s25 =	simm.s32 $0x1;
	[smem:s20+$0x200] =	sst s29;
	s20 =	sadd.s32 s24, s20  }
0xc4: {  	s25 =	simm.s32 @!p1 $0x0;
	s29 =	simm.s32 $0x14;
	[smem:s20+$0x200] =	sst s30  }
0xc5: {  	s20 =	sadd.s32 s25, s20;
	s30 =	simm.s32 $0x15;
	p0 =	sgt.f32 s21, $0.0e+00  }
0xc6: {  	[smem:s20+$0x200] =	sst s29;
	s21 =	simm.s32 $0x1;
	s26 =	spop (v2sf);
	(v2sf) =	vpush v3, $0xF;
	v2, _, _ =	vpop (xrf0)  }
0xc7: {  	s21 =	simm.s32 @!p0 $0x0;
	p1 =	sgt.f32 s23, $0.0e+00;
	s24 =	spop (v2sf);
	(v2sf) =	vpush v2, $0xF;
	v2, _, _ =	vpop (xrf0)  }
0xc8: {  	s23 =	simm.s32 $0x1;
	p0 =	sgt.f32 s22, $0.0e+00;
	s25 =	spop (v2sf);
	(v2sf) =	vpush v2, $0xF  }
0xc9: {  	s20 =	sadd.s32 s21, s20;
	s22 =	simm.s32 $0x1;
	s23 =	simm.s32 @!p1 $0x0  }
0xca: {  	[smem:s20+$0x200] =	sst s30;
	s20 =	sadd.s32 s23, s20;
	s22 =	simm.s32 @!p0 $0x0  }
0xcb: {  	s23 =	simm.s32 $0x1;
	[smem:s20+$0x200] =	sst s28;
	p0 =	sgt.f32 s26, $0.0e+00  }
0xcc: {  	s20 =	sadd.s32 s22, s20;
	s22 =	simm.s32 $0x1;
	p1 =	sgt.f32 s24, $0.0e+00  }
0xcd: {  	[smem:s20+$0x200] =	sst s31;
	s23 =	simm.s32 @!p0 $0x0;
	s24 =	simm.s32 $0x1  }
0xce: {  	s20 =	sadd.s32 s23, s20;
	s24 =	simm.s32 @!p1 $0x0;
	p0 =	sgt.f32 s25, $0.0e+00  }
0xcf: {  	[smem:s20+$0x200] =	sst s0;
	s20 =	sadd.s32 s24, s20;
	s24 =	simm.s32 $0x1  }
0xd0: {  	s21 =	spop (v2sf);
	[smem:s20+$0x200] =	sst s1;
	s24 =	simm.s32 @!p0 $0x0  }
0xd1: {  	p0 =	sgt.f32 s21, $0.0e+00;
	s21 =	simm.s32 $0x1;
	s29 =	spop (v2sf)  }
0xd2: {  	s20 =	sadd.s32 s24, s20;
	p1 =	sgt.f32 s29, $0.0e+00;
	s30 =	spop (v2sf)  }
0xd3: {  	[smem:s20+$0x200] =	sst s10;
	s21 =	simm.s32 @!p0 $0x0;
	p0 =	sgt.f32 s30, $0.0e+00  }
0xd4: {  	s20 =	sadd.s32 s21, s20;
	s21 =	simm.s32 $0x1;
	s22 =	simm.s32 @!p1 $0x0  }
0xd5: {  	s22 =	sadd.s32 s22, s20;
	s25 =	spop (v2sf);
	s21 =	simm.s32 @!p0 $0x0  }
0xd6: {  	s28 =	sadd.s32 s21, s22;
	p0 =	sgt.f32 s25, $0.0e+00;
	s26 =	spop (v2sf)  }
0xd7: {  	s21 =	simm.s32 $0x1;
	p1 =	sgt.f32 s26, $0.0e+00;
	s29 =	spop (v2sf)  }
0xd8: {  	s24 =	simm.s32 $0x1;
	s21 =	simm.s32 @!p0 $0x0;
	p0 =	sgt.f32 s29, $0.0e+00  }
0xd9: {  	s23 =	simm.s32 $0x1;
	s21 =	sadd.s32 s21, s28;
	s24 =	simm.s32 @!p1 $0x0  }
0xda: {  	s30 =	sadd.s32 s24, s21;
	s23 =	simm.s32 @!p0 $0x0  }
0xdb: {  	[smem:s20+$0x200] =	sst s11;
	s20 =	sadd.s32 s23, s30  }
0xdc: {  	p1 =	seq.s32 s20, $0x0  }
.Ltmp4:
0xdd: {  	_ = 	snop;
	(pc) =	sbr.rel @p1 .LBB2_6-.Ltmp4, $4  }
0xde: {  	[smem:s22+$0x200] =	sst s12  }
0xdf: {  	[smem:s28+$0x200] =	sst s13  }
0xe0: {  	[smem:s21+$0x200] =	sst s14  }
0xe1: {  	[smem:s30+$0x200] =	sst s15;
	p0 =	por $0x0, $0x0  }
0xe2: {  	v2 =	vmov s19;
	s21 =	simm.s32 $0x0  }
.LBB2_10:
0xe3: {  	s22 =	sld [smem:s21+$0x200];
	_ =	sdelay $0x2  }
0xe4: {  	s23 =	sshll.u32 s22, $0xA  }
0xe5: {  	s23 =	sshra.s32 s23, $0x2  }
0xe6: {  	v3 =	vmov s23;
	_ =	sdelay $0x3  }
0xe7: {  	s26 =	simm.s32 $0x0  }
0xe8: {  	v4 =	vld.idx.msk [tilespmem:v3+s26+$0x0 ss:$0x1], $0xffff;
	_ =	sdelay $0x1  }
0xe9: {  	s28 =	simm.s32 $0x10  }
0xea: {  	s29 =	simm.s32 $0x20;
	v5 =	vld.idx.msk [tilespmem:v3+s28+$0x0 ss:$0x1], $0xffff  }
0xeb: {  	v6 =	vld.idx.msk [tilespmem:v3+s29+$0x0 ss:$0x1], $0xffff  }
0xec: {  	vm0 =	vgt.f32 v4, v2  }
0xed: {  	v4 =	vsel vm0, $0x3F800000, v0  }
0xee: {  	(xrf0) =	vmax.scan.msk.f32 $0xffff, v4  }
0xef: {  	vm13 =	vgt.f32 v5, v2  }
0xf0: {  	vm14 =	vgt.f32 v6, v2;
	v4 =	vsel vm13, $0x3F800000, v0  }
0xf1: {  	(xrf0) =	vmax.scan.msk.f32 $0xffff, v4;
	v4 =	vsel vm14, $0x3F800000, v0  }
0xf2: {  	s30 =	simm.s32 $0x30;
	(xrf0) =	vmax.scan.msk.f32 $0xffff, v4  }
0xf3: {  	v5 =	vld.idx.msk [tilespmem:v3+s30+$0x0 ss:$0x1], $0xffff  }
0xf4: {  	v4, _, _ =	vpop (xrf0)  }
0xf5: {  	(v2sf) =	vpush v4, $0xF;
	_ =	sdelay $0x1  }
0xf6: {  	v4, _, _ =	vpop (xrf0)  }
0xf7: {  	vm15 =	vgt.f32 v5, v2;
	(v2sf) =	vpush v4, $0xF;
	v5, _, _ =	vpop (xrf0)  }
0xf8: {  	(v2sf) =	vpush v5, $0xF;
	_ =	sdelay $0x4  }
0xf9: {  	s24 =	simm.s32 $0x40;
	v4 =	vsel vm15, $0x3F800000, v0  }
0xfa: {  	(xrf0) =	vmax.scan.msk.f32 $0xffff, v4;
	v4 =	vld.idx.msk [tilespmem:v3+s24+$0x0 ss:$0x1], $0xffff;
	_ =	sdelay $0x1  }
0xfb: {  	s22 =	sshll.u32 s22, $0x4;
	s23 =	simm.s32 $0x140  }
.LBB2_11:
0xfc: {  	s24 =	sshra.s32 s23, $0x2;
	p1 =	sne.s32 s23, $0x3C0;
	s23 =	sadd.s32 $0x40, s23  }
0xfd: {  	[smem:s18] =	sst s22  }
.Ltmp5:
0xfe: {  	vm0 =	vgt.f32 v4, v2;
	v4 =	vld.idx.msk [tilespmem:v3+s24+$0x0 ss:$0x1], $0xffff;
	s24 =	spop (v2sf);
	(pc) =	sbr.rel @p1 .LBB2_11-.Ltmp5, $4  }
0xff: {  	v6 =	vsel vm0, $0x3F800000, v0;
	p2 =	sgt.f32 s24, $0.0e+00  }
0x100: {  	s24 =	simm.s32 $0x1;
	(xrf0) =	vmax.scan.msk.f32 $0xffff, v6;
	v5, _, _ =	vpop (xrf0)  }
0x101: {  	(v2sf) =	vpush v5, $0xF;
	s24 =	simm.s32 @!p2 $0x0  }
0x102: {  	s22 =	sadd.s32 $0x1, s22;
	s18 =	sadd.s32 s24, s18  }
0x103: {  	vm0 =	vgt.f32 v4, v2  }
0x104: {  	v3 =	vsel vm0, $0x3F800000, v0  }
0x105: {  	(xrf0) =	vmax.scan.msk.f32 $0xffff, v3;
	_ =	sdelay $0x1  }
0x106: {  	v3, _, _ =	vpop (xrf0)  }
0x107: {  	(v2sf) =	vpush v3, $0xF;
	_ =	sdelay $0x2  }
0x108: {  	v3, _, _ =	vpop (xrf0)  }
0x109: {  	(v2sf) =	vpush v3, $0xF;
	_ =	sdelay $0x4  }
0x10a: {  	s23 =	spop (v2sf)  }
0x10b: {  	s24 =	simm.s32 $0x1;
	p1 =	sgt.f32 s23, $0.0e+00  }
0x10c: {  	[smem:s18] =	sst s22;
	s21 =	sadd.s32 $0x1, s21;
	s29 =	spop (v2sf)  }
0x10d: {  	s23 =	simm.s32 $0x1;
	s24 =	simm.s32 @!p1 $0x0;
	p1 =	sgt.f32 s29, $0.0e+00  }
0x10e: {  	s30 =	sadd.s32 s24, s18;
	s24 =	sadd.s32 $0x1, s22;
	s25 =	spop (v2sf)  }
0x10f: {  	[smem:s30] =	sst s24;
	s23 =	simm.s32 @!p1 $0x0;
	p1 =	sgt.f32 s25, $0.0e+00  }
0x110: {  	s18 =	sadd.s32 s23, s30;
	s23 =	simm.s32 $0x1;
	s26 =	spop (v2sf)  }
0x111: {  	s22 =	sadd.s32 $0x1, s24;
	s23 =	simm.s32 @!p1 $0x0;
	p1 =	sgt.f32 s26, $0.0e+00  }
0x112: {  	s29 =	sadd.s32 $0x1, s22;
	[smem:s18] =	sst s22;
	s22 =	simm.s32 $0x1  }
0x113: {  	s22 =	simm.s32 @!p1 $0x0;
	p1 =	slt.u32 s21, s20  }
.Ltmp6:
0x114: {  	s28 =	spop (v2sf);
	(pc) =	sbr.rel @p1 .LBB2_10-.Ltmp6, $4  }
0x115: {  	p2 =	sgt.f32 s28, $0.0e+00  }
0x116: {  	s30 =	sadd.s32 $0x1, s29;
	s18 =	sadd.s32 s23, s18;
	s23 =	simm.s32 $0x1  }
0x117: {  	[smem:s18] =	sst s29;
	s22 =	sadd.s32 s22, s18;
	s23 =	simm.s32 @!p2 $0x0  }
0x118: {  	[smem:s22] =	sst s30;
	s18 =	sadd.s32 s23, s22  }
0x119: {  	p1 =	slt.s32 s18, $0x1  }
.Ltmp7:
0x11a: {  	_ = 	snop;
	(pc) =	sbr.rel @p1 .LBB2_8-.Ltmp7, $1  }
0x11b: {  	_ =	sdelay $0x3  }
0x11c: {  	s20 =	sadd.s32 s23, s22  }
0x11d: {  	s21 =	sld [smem:$0x0];
	p1 =	sne.s32 s20, $0x1  }
.Ltmp8:
0x11e: {  	_ = 	snop;
	(pc) =	sbr.rel @!p1 .LBB2_14-.Ltmp8, $4  }
0x11f: {  	_ = 	snop  }
0x120: {  	s21 =	sshll.u32 s21, $0x6  }
0x121: {  	s21 =	sshra.s32 s21, $0x2  }
0x122: {  	v3 =	vimm.f32 $0.0e+00;
	p0 =	por $0x0, $0x0;
	s20 =	sadd.s32 $0xFFFFFFFF, s20;
	v8 =	vld [tilespmem:s21+$0x0]  }
0x123: {  	s21 =	sld [smem:$0x1];
	p1 =	sne.s32 s20, $0x1  }
.Ltmp9:
0x124: {  	_ = 	snop;
	(pc) =	sbr.rel @!p1 .LBB2_16-.Ltmp9, $4  }
0x125: {  	_ = 	snop  }
0x126: {  	s21 =	sshll.u32 s21, $0x6  }
0x127: {  	s21 =	sshra.s32 s21, $0x2;
	v6 =	vsub.f32 v8, v2  }
0x128: {  	s20 =	sadd.s32 $0xFFFFFFFF, s20;
	p0 =	por $0x1, $0x1;
	v4 =	vimm.f32 $0.0e+00;
	v5 =	vimm.f32 $0.0e+00;
	vm0 =	vgt.f32 v8, v2;
	v7 =	vld [tilespmem:s21+$0x0];
	s21 =	simm.s32 $0x2  }
.LBB2_17:
0x129: {  	s22 =	sld [smem:s21+$0x0];
	p1 =	sne.s32 s20, $0x1;
	s20 =	sadd.s32 $0xFFFFFFFF, s20;
	v6 =	vnsel vm0, $0x0, v6;
	v8 =	vsel vm0, $0x3F800000, v0  }
.Ltmp10:
0x12a: {  	v4 =	vadd.f32 v6, v4;
	v5 =	vadd.f32 v8, v5;
	(pc) =	sbr.rel @p1 .LBB2_17-.Ltmp10, $4  }
0x12b: {  	_ = 	snop  }
0x12c: {  	s22 =	sshll.u32 s22, $0x6  }
0x12d: {  	s22 =	sshra.s32 s22, $0x2;
	v6 =	vsub.f32 v7, v2  }
0x12e: {  	s21 =	sadd.s32 $0x1, s21;
	vm0 =	vgt.f32 v7, v2;
	v7 =	vld [tilespmem:s22+$0x0]  }
0x12f: {  	_ =	sdelay $0x3  }
0x130: {  	v8 =	vmov v7  }
.LBB2_19:
0x131: {  	v6 =	vnsel @p0 vm0, $0x0, v6  }
.Ltmp11:
0x132: {  	v7 =	vsel @p0 vm0, $0x3F800000, v0;
	v4 =	vadd.f32 @p0 v6, v4;
	(pc) =	sbr.rel .LBB2_20-.Ltmp11, $4  }
0x133: {  	v63 =	vsub.f32 v8, v2;
	v5 =	vadd.f32 @p0 v7, v5  }
0x134: {  	vm15 =	vgt.f32 v8, v2;
	v2 =	vpsel p0, v4, v3  }
0x135: {  	v3 =	vpsel p0, v5, v3;
	v4 =	vnsel vm15, $0x0, v63;
	v5 =	vsel vm15, $0x3F800000, v0  }
0x136: {  	p0 =	por $0x1, $0x1;
	v2 =	vadd.f32 v4, v2;
	v3 =	vadd.f32 v5, v3  }
.LBB2_6:
.Ltmp12:
0x137: {  	(pc) =	sbr.rel .LBB2_20-.Ltmp12, $2  }
0x138: {  	_ =	sdelay $0x2  }
0x139: {  	v2 =	vimm.f32 $0.0e+00;
	v3 =	vimm.f32 $0.0e+00  }
.LBB2_8:
0x13a: {  	v2 =	vimm.f32 $0.0e+00;
	v3 =	vimm.f32 $0.0e+00  }
.LBB2_20:
0x13b: {  	_ = 	snop  }
0x13c: {  	(xrf2) =	vadd.scan.msk.f32 $0xffff, v2;
	_ =	sdelay $0x5  }
0x13d: {  	(xrf2) =	vadd.scan.msk.f32 $0xffff, v3;
	_ =	sdelay $0x3  }
0x13e: {  	v2, _, _ =	vpop (xrf2)  }
0x13f: {  	(v2sf) =	vpush v2, $0xF;
	_ =	sdelay $0x4  }
0x140: {  	v2, _, _ =	vpop (xrf2)  }
0x141: {  	v2 =	vbroadcast v2, $0xF;
	_ =	sdelay $0x1  }
0x142: {  	(erf) = vrcp.f32 v2;
	_ =	sdelay $0x6  }
0x143: {  	s20 =	spop (v2sf)  }
0x144: {  	s20 =	sadd.f32 $-1.000000000e+00, s20  }
0x145: {  	v2 =	vpop (erf)  }
0x146: {  	v2 =	vmul.f32 s20, v2;
	_ =	sdelay $0x1  }
0x147: {  	(xrf0) =	vmax.scan.msk.f32 $0xffff, v2;
	_ =	sdelay $0x5  }
0x148: {  	v2, _, _ =	vpop (xrf0)  }
0x149: {  	(v2sf) =	vpush v2, $0xF;
	_ =	sdelay $0xb  }
.Ltmp13:
0x14a: {  	_ = 	snop;
	(pc) =	sbr.rel @!p0 .LBB2_28-.Ltmp13, $3  }
0x14b: {  	_ =	sdelay $0x1  }
0x14c: {  	s30 =	spop (v2sf)  }
0x14d: {  	v2 =	vimm.f32 $0.0e+00;
	s19 =	sadd.f32 s30, s19  }
0x14e: {  	s20 =	sld [smem:$0x0];
	p2 =	sne.s32 s18, $0x1  }
.Ltmp14:
0x14f: {  	_ = 	snop;
	(pc) =	sbr.rel @!p2 .LBB2_22-.Ltmp14, $4  }
0x150: {  	_ = 	snop  }
0x151: {  	s20 =	sshll.u32 s20, $0x6  }
0x152: {  	s21 =	sshra.s32 s20, $0x2  }
0x153: {  	v1 =	vimm.f32 $0.0e+00;
	p1 =	por $0x0, $0x0;
	v2 =	vmov s19;
	s20 =	sadd.s32 $0xFFFFFFFF, s18;
	v7 =	vld [tilespmem:s21+$0x0]  }
0x154: {  	s21 =	sld [smem:$0x1];
	p2 =	sne.s32 s20, $0x1  }
.Ltmp15:
0x155: {  	_ = 	snop;
	(pc) =	sbr.rel @!p2 .LBB2_24-.Ltmp15, $4  }
0x156: {  	_ = 	snop  }
0x157: {  	s21 =	sshll.u32 s21, $0x6  }
0x158: {  	s21 =	sshra.s32 s21, $0x2;
	v5 =	vsub.f32 v7, v2  }
0x159: {  	s20 =	sadd.s32 $0xFFFFFFFF, s20;
	p1 =	por $0x1, $0x1;
	v3 =	vimm.f32 $0.0e+00;
	v4 =	vimm.f32 $0.0e+00;
	vm0 =	vgt.f32 v7, v2;
	v6 =	vld [tilespmem:s21+$0x0];
	s21 =	simm.s32 $0x2  }
.LBB2_25:
0x15a: {  	s22 =	sld [smem:s21+$0x0];
	p2 =	sne.s32 s20, $0x1;
	s20 =	sadd.s32 $0xFFFFFFFF, s20;
	v5 =	vnsel vm0, $0x0, v5;
	v7 =	vsel vm0, $0x3F800000, v0  }
.Ltmp16:
0x15b: {  	v3 =	vadd.f32 v5, v3;
	v4 =	vadd.f32 v7, v4;
	(pc) =	sbr.rel @p2 .LBB2_25-.Ltmp16, $4  }
0x15c: {  	_ = 	snop  }
0x15d: {  	s22 =	sshll.u32 s22, $0x6  }
0x15e: {  	s22 =	sshra.s32 s22, $0x2;
	v5 =	vsub.f32 v6, v2  }
0x15f: {  	s21 =	sadd.s32 $0x1, s21;
	vm0 =	vgt.f32 v6, v2;
	v6 =	vld [tilespmem:s22+$0x0]  }
0x160: {  	_ =	sdelay $0x3  }
0x161: {  	v7 =	vmov v6  }
.LBB2_27:
0x162: {  	v5 =	vnsel @p1 vm0, $0x0, v5;
	v6 =	vsel @p1 vm0, $0x3F800000, v0;
	v62 =	vsub.f32 v7, v2  }
0x163: {  	vm15 =	vgt.f32 v7, v2;
	v3 =	vadd.f32 @p1 v5, v3;
	v4 =	vadd.f32 @p1 v6, v4  }
0x164: {  	v63 =	vsel vm15, $0x3F800000, v0  }
0x165: {  	v2 =	vpsel p1, v3, v1;
	v3 =	vpsel p1, v4, v1;
	v1 =	vnsel vm15, $0x0, v62  }
0x166: {  	v1 =	vadd.f32 v1, v2;
	v2 =	vadd.f32 v63, v3  }
.LBB2_28:
0x167: {  	_ = 	snop  }
0x168: {  	(xrf2) =	vadd.scan.msk.f32 $0xffff, v1;
	_ =	sdelay $0x5  }
0x169: {  	(xrf2) =	vadd.scan.msk.f32 $0xffff, v2;
	_ =	sdelay $0x3  }
0x16a: {  	v1, _, _ =	vpop (xrf2)  }
0x16b: {  	(v2sf) =	vpush v1, $0xF;
	_ =	sdelay $0x4  }
0x16c: {  	v1, _, _ =	vpop (xrf2)  }
0x16d: {  	v1 =	vbroadcast v1, $0xF;
	_ =	sdelay $0x1  }
0x16e: {  	(erf) = vrcp.f32 v1;
	_ =	sdelay $0x6  }
0x16f: {  	s20 =	spop (v2sf)  }
0x170: {  	s20 =	sadd.f32 $-1.000000000e+00, s20  }
0x171: {  	v1 =	vpop (erf)  }
0x172: {  	v1 =	vmul.f32 s20, v1;
	_ =	sdelay $0x1  }
0x173: {  	(xrf0) =	vmax.scan.msk.f32 $0xffff, v1;
	_ =	sdelay $0x5  }
0x174: {  	v1, _, _ =	vpop (xrf0)  }
0x175: {  	(v2sf) =	vpush v1, $0xF;
	_ =	sdelay $0xb  }
.Ltmp17:
0x176: {  	_ = 	snop;
	(pc) =	sbr.rel @!p0 .LBB2_36-.Ltmp17, $3  }
0x177: {  	_ =	sdelay $0x1  }
0x178: {  	s30 =	spop (v2sf)  }
0x179: {  	v3 =	vimm.f32 $0.0e+00;
	v2 =	vimm.f32 $0.0e+00;
	v1 =	vimm.f32 $0.0e+00;
	s19 =	sadd.f32 s30, s19  }
0x17a: {  	s20 =	sld [smem:$0x0];
	p2 =	sne.s32 s18, $0x1  }
.Ltmp18:
0x17b: {  	_ = 	snop;
	(pc) =	sbr.rel @!p2 .LBB2_30-.Ltmp18, $4  }
0x17c: {  	_ = 	snop  }
0x17d: {  	s20 =	sshll.u32 s20, $0x6  }
0x17e: {  	s21 =	sshra.s32 s20, $0x2  }
0x17f: {  	v2 =	vimm.f32 $0.0e+00;
	p1 =	por $0x0, $0x0;
	v3 =	vmov s19;
	s20 =	sadd.s32 $0xFFFFFFFF, s18;
	v8 =	vld [tilespmem:s21+$0x0]  }
0x180: {  	s21 =	sld [smem:$0x1];
	p2 =	sne.s32 s20, $0x1  }
.Ltmp19:
0x181: {  	_ = 	snop;
	(pc) =	sbr.rel @!p2 .LBB2_32-.Ltmp19, $4  }
0x182: {  	_ = 	snop  }
0x183: {  	s21 =	sshll.u32 s21, $0x6  }
0x184: {  	s21 =	sshra.s32 s21, $0x2;
	v6 =	vsub.f32 v8, v3  }
0x185: {  	s20 =	sadd.s32 $0xFFFFFFFF, s20;
	p1 =	por $0x1, $0x1;
	v4 =	vimm.f32 $0.0e+00;
	v5 =	vimm.f32 $0.0e+00;
	vm0 =	vgt.f32 v8, v3;
	v7 =	vld [tilespmem:s21+$0x0];
	s21 =	simm.s32 $0x2  }
.LBB2_33:
0x186: {  	s22 =	sld [smem:s21+$0x0];
	p2 =	sne.s32 s20, $0x1;
	s20 =	sadd.s32 $0xFFFFFFFF, s20;
	v6 =	vnsel vm0, $0x0, v6;
	v8 =	vsel vm0, $0x3F800000, v0  }
.Ltmp20:
0x187: {  	v4 =	vadd.f32 v6, v4;
	v5 =	vadd.f32 v8, v5;
	(pc) =	sbr.rel @p2 .LBB2_33-.Ltmp20, $4  }
0x188: {  	_ = 	snop  }
0x189: {  	s22 =	sshll.u32 s22, $0x6  }
0x18a: {  	s22 =	sshra.s32 s22, $0x2;
	v6 =	vsub.f32 v7, v3  }
0x18b: {  	s21 =	sadd.s32 $0x1, s21;
	vm0 =	vgt.f32 v7, v3;
	v7 =	vld [tilespmem:s22+$0x0]  }
0x18c: {  	_ =	sdelay $0x3  }
0x18d: {  	v8 =	vmov v7  }
.LBB2_35:
0x18e: {  	v6 =	vnsel @p1 vm0, $0x0, v6  }
0x18f: {  	v7 =	vsel @p1 vm0, $0x3F800000, v0;
	v4 =	vadd.f32 @p1 v6, v4  }
0x190: {  	v63 =	vsub.f32 v8, v3;
	v5 =	vadd.f32 @p1 v7, v5  }
0x191: {  	vm15 =	vgt.f32 v8, v3;
	v3 =	vpsel p1, v4, v2  }
0x192: {  	v4 =	vpsel p1, v5, v2;
	v2 =	vnsel vm15, $0x0, v63;
	v5 =	vsel vm15, $0x3F800000, v0  }
0x193: {  	v2 =	vadd.f32 v2, v3;
	v3 =	vadd.f32 v5, v4  }
.LBB2_36:
0x194: {  	_ = 	snop  }
0x195: {  	(xrf2) =	vadd.scan.msk.f32 $0xffff, v2;
	_ =	sdelay $0x5  }
0x196: {  	(xrf2) =	vadd.scan.msk.f32 $0xffff, v3;
	_ =	sdelay $0x3  }
0x197: {  	v2, _, _ =	vpop (xrf2)  }
0x198: {  	(v2sf) =	vpush v2, $0xF;
	_ =	sdelay $0x4  }
0x199: {  	v2, _, _ =	vpop (xrf2)  }
0x19a: {  	v2 =	vbroadcast v2, $0xF;
	_ =	sdelay $0x1  }
0x19b: {  	(erf) = vrcp.f32 v2;
	_ =	sdelay $0x6  }
0x19c: {  	s20 =	spop (v2sf)  }
0x19d: {  	s20 =	sadd.f32 $-1.000000000e+00, s20  }
0x19e: {  	v2 =	vpop (erf)  }
0x19f: {  	v2 =	vmul.f32 s20, v2;
	_ =	sdelay $0x1  }
0x1a0: {  	(xrf0) =	vmax.scan.msk.f32 $0xffff, v2;
	_ =	sdelay $0x5  }
0x1a1: {  	v2, _, _ =	vpop (xrf0)  }
0x1a2: {  	(v2sf) =	vpush v2, $0xF;
	_ =	sdelay $0xb  }
.Ltmp21:
0x1a3: {  	_ = 	snop;
	(pc) =	sbr.rel @!p0 .LBB2_44-.Ltmp21, $3  }
0x1a4: {  	_ =	sdelay $0x1  }
0x1a5: {  	s30 =	spop (v2sf)  }
0x1a6: {  	v2 =	vimm.f32 $0.0e+00;
	s19 =	sadd.f32 s30, s19  }
0x1a7: {  	s20 =	sld [smem:$0x0];
	p2 =	sne.s32 s18, $0x1  }
.Ltmp22:
0x1a8: {  	_ = 	snop;
	(pc) =	sbr.rel @!p2 .LBB2_38-.Ltmp22, $4  }
0x1a9: {  	_ = 	snop  }
0x1aa: {  	s20 =	sshll.u32 s20, $0x6  }
0x1ab: {  	s21 =	sshra.s32 s20, $0x2  }
0x1ac: {  	v1 =	vimm.f32 $0.0e+00;
	p1 =	por $0x0, $0x0;
	v2 =	vmov s19;
	s20 =	sadd.s32 $0xFFFFFFFF, s18;
	v7 =	vld [tilespmem:s21+$0x0]  }
0x1ad: {  	s21 =	sld [smem:$0x1];
	p2 =	sne.s32 s20, $0x1  }
.Ltmp23:
0x1ae: {  	_ = 	snop;
	(pc) =	sbr.rel @!p2 .LBB2_40-.Ltmp23, $4  }
0x1af: {  	_ = 	snop  }
0x1b0: {  	s21 =	sshll.u32 s21, $0x6  }
0x1b1: {  	s21 =	sshra.s32 s21, $0x2;
	v5 =	vsub.f32 v7, v2  }
0x1b2: {  	s20 =	sadd.s32 $0xFFFFFFFF, s20;
	p1 =	por $0x1, $0x1;
	v3 =	vimm.f32 $0.0e+00;
	v4 =	vimm.f32 $0.0e+00;
	vm0 =	vgt.f32 v7, v2;
	v6 =	vld [tilespmem:s21+$0x0];
	s21 =	simm.s32 $0x2  }
.LBB2_41:
0x1b3: {  	s22 =	sld [smem:s21+$0x0];
	p2 =	sne.s32 s20, $0x1;
	s20 =	sadd.s32 $0xFFFFFFFF, s20;
	v5 =	vnsel vm0, $0x0, v5;
	v7 =	vsel vm0, $0x3F800000, v0  }
.Ltmp24:
0x1b4: {  	v3 =	vadd.f32 v5, v3;
	v4 =	vadd.f32 v7, v4;
	(pc) =	sbr.rel @p2 .LBB2_41-.Ltmp24, $4  }
0x1b5: {  	_ = 	snop  }
0x1b6: {  	s22 =	sshll.u32 s22, $0x6  }
0x1b7: {  	s22 =	sshra.s32 s22, $0x2;
	v5 =	vsub.f32 v6, v2  }
0x1b8: {  	s21 =	sadd.s32 $0x1, s21;
	vm0 =	vgt.f32 v6, v2;
	v6 =	vld [tilespmem:s22+$0x0]  }
0x1b9: {  	_ =	sdelay $0x3  }
0x1ba: {  	v7 =	vmov v6  }
.LBB2_43:
0x1bb: {  	v5 =	vnsel @p1 vm0, $0x0, v5;
	v6 =	vsel @p1 vm0, $0x3F800000, v0;
	v62 =	vsub.f32 v7, v2  }
0x1bc: {  	vm15 =	vgt.f32 v7, v2;
	v3 =	vadd.f32 @p1 v5, v3;
	v4 =	vadd.f32 @p1 v6, v4  }
0x1bd: {  	v63 =	vsel vm15, $0x3F800000, v0  }
0x1be: {  	v2 =	vpsel p1, v3, v1;
	v3 =	vpsel p1, v4, v1;
	v1 =	vnsel vm15, $0x0, v62  }
0x1bf: {  	v1 =	vadd.f32 v1, v2;
	v2 =	vadd.f32 v63, v3  }
.LBB2_44:
0x1c0: {  	_ = 	snop  }
0x1c1: {  	(xrf2) =	vadd.scan.msk.f32 $0xffff, v1;
	_ =	sdelay $0x5  }
0x1c2: {  	(xrf2) =	vadd.scan.msk.f32 $0xffff, v2;
	_ =	sdelay $0x3  }
0x1c3: {  	v1, _, _ =	vpop (xrf2)  }
0x1c4: {  	(v2sf) =	vpush v1, $0xF;
	_ =	sdelay $0x4  }
0x1c5: {  	v1, _, _ =	vpop (xrf2)  }
0x1c6: {  	v1 =	vbroadcast v1, $0xF;
	_ =	sdelay $0x1  }
0x1c7: {  	(erf) = vrcp.f32 v1;
	_ =	sdelay $0x6  }
0x1c8: {  	s20 =	spop (v2sf)  }
0x1c9: {  	s20 =	sadd.f32 $-1.000000000e+00, s20  }
0x1ca: {  	v1 =	vpop (erf)  }
0x1cb: {  	v1 =	vmul.f32 s20, v1;
	_ =	sdelay $0x1  }
0x1cc: {  	(xrf0) =	vmax.scan.msk.f32 $0xffff, v1;
	_ =	sdelay $0x5  }
0x1cd: {  	v1, _, _ =	vpop (xrf0)  }
0x1ce: {  	(v2sf) =	vpush v1, $0xF;
	_ =	sdelay $0xb  }
.Ltmp25:
0x1cf: {  	_ = 	snop;
	(pc) =	sbr.rel @!p0 .LBB2_52-.Ltmp25, $3  }
0x1d0: {  	_ =	sdelay $0x1  }
0x1d1: {  	s30 =	spop (v2sf)  }
0x1d2: {  	v2 =	vimm.f32 $0.0e+00;
	v1 =	vimm.f32 $0.0e+00;
	s19 =	sadd.f32 s30, s19  }
0x1d3: {  	s20 =	sld [smem:$0x0];
	p2 =	sne.s32 s18, $0x1  }
.Ltmp26:
0x1d4: {  	_ = 	snop;
	(pc) =	sbr.rel @!p2 .LBB2_46-.Ltmp26, $4  }
0x1d5: {  	_ = 	snop  }
0x1d6: {  	s20 =	sshll.u32 s20, $0x6  }
0x1d7: {  	s21 =	sshra.s32 s20, $0x2  }
0x1d8: {  	v1 =	vimm.f32 $0.0e+00;
	p1 =	por $0x0, $0x0;
	v2 =	vmov s19;
	s20 =	sadd.s32 $0xFFFFFFFF, s18;
	v7 =	vld [tilespmem:s21+$0x0]  }
0x1d9: {  	s21 =	sld [smem:$0x1];
	p2 =	sne.s32 s20, $0x1  }
.Ltmp27:
0x1da: {  	_ = 	snop;
	(pc) =	sbr.rel @!p2 .LBB2_48-.Ltmp27, $4  }
0x1db: {  	_ = 	snop  }
0x1dc: {  	s21 =	sshll.u32 s21, $0x6  }
0x1dd: {  	s21 =	sshra.s32 s21, $0x2;
	v5 =	vsub.f32 v7, v2  }
0x1de: {  	s20 =	sadd.s32 $0xFFFFFFFF, s20;
	p1 =	por $0x1, $0x1;
	v3 =	vimm.f32 $0.0e+00;
	v4 =	vimm.f32 $0.0e+00;
	vm0 =	vgt.f32 v7, v2;
	v6 =	vld [tilespmem:s21+$0x0];
	s21 =	simm.s32 $0x2  }
.LBB2_49:
0x1df: {  	s22 =	sld [smem:s21+$0x0];
	p2 =	sne.s32 s20, $0x1;
	s20 =	sadd.s32 $0xFFFFFFFF, s20;
	v5 =	vnsel vm0, $0x0, v5;
	v7 =	vsel vm0, $0x3F800000, v0  }
.Ltmp28:
0x1e0: {  	v3 =	vadd.f32 v5, v3;
	v4 =	vadd.f32 v7, v4;
	(pc) =	sbr.rel @p2 .LBB2_49-.Ltmp28, $4  }
0x1e1: {  	_ = 	snop  }
0x1e2: {  	s22 =	sshll.u32 s22, $0x6  }
0x1e3: {  	s22 =	sshra.s32 s22, $0x2;
	v5 =	vsub.f32 v6, v2  }
0x1e4: {  	s21 =	sadd.s32 $0x1, s21;
	vm0 =	vgt.f32 v6, v2;
	v6 =	vld [tilespmem:s22+$0x0]  }
0x1e5: {  	_ =	sdelay $0x3  }
0x1e6: {  	v7 =	vmov v6  }
.LBB2_51:
0x1e7: {  	v5 =	vnsel @p1 vm0, $0x0, v5;
	v6 =	vsel @p1 vm0, $0x3F800000, v0;
	v62 =	vsub.f32 v7, v2  }
0x1e8: {  	vm15 =	vgt.f32 v7, v2;
	v3 =	vadd.f32 @p1 v5, v3;
	v4 =	vadd.f32 @p1 v6, v4  }
0x1e9: {  	v63 =	vsel vm15, $0x3F800000, v0  }
0x1ea: {  	v2 =	vpsel p1, v3, v1;
	v3 =	vpsel p1, v4, v1;
	v1 =	vnsel vm15, $0x0, v62  }
0x1eb: {  	v1 =	vadd.f32 v1, v2;
	v2 =	vadd.f32 v63, v3  }
.LBB2_52:
0x1ec: {  	_ = 	snop  }
0x1ed: {  	(xrf2) =	vadd.scan.msk.f32 $0xffff, v1;
	_ =	sdelay $0x5  }
0x1ee: {  	(xrf2) =	vadd.scan.msk.f32 $0xffff, v2;
	_ =	sdelay $0x3  }
0x1ef: {  	v1, _, _ =	vpop (xrf2)  }
0x1f0: {  	(v2sf) =	vpush v1, $0xF;
	_ =	sdelay $0x4  }
0x1f1: {  	v1, _, _ =	vpop (xrf2)  }
0x1f2: {  	v1 =	vbroadcast v1, $0xF;
	_ =	sdelay $0x1  }
0x1f3: {  	(erf) = vrcp.f32 v1;
	_ =	sdelay $0x6  }
0x1f4: {  	s20 =	spop (v2sf)  }
0x1f5: {  	s20 =	sadd.f32 $-1.000000000e+00, s20  }
0x1f6: {  	v1 =	vpop (erf)  }
0x1f7: {  	v1 =	vmul.f32 s20, v1;
	_ =	sdelay $0x1  }
0x1f8: {  	(xrf0) =	vmax.scan.msk.f32 $0xffff, v1;
	_ =	sdelay $0x5  }
0x1f9: {  	v1, _, _ =	vpop (xrf0)  }
0x1fa: {  	(v2sf) =	vpush v1, $0xF;
	_ =	sdelay $0xb  }
.Ltmp29:
0x1fb: {  	_ = 	snop;
	(pc) =	sbr.rel .LBB2_53-.Ltmp29, $3  }
0x1fc: {  	_ =	sdelay $0x1  }
0x1fd: {  	s30 =	spop (v2sf)  }
0x1fe: {  	s20 =	simm.s32 $0x0;
	s19 =	sadd.f32 s30, s19  }
.LBB2_55:
0x1ff: {  	v3 =	vimm.f32 $0.0e+00;
	v4 =	vimm.f32 $0.0e+00  }
.LBB2_63:
0x200: {  	v5 =	vnsel @p1 vm0, $0x0, v5;
	v6 =	vsel @p1 vm0, $0x3F800000, v0;
	v62 =	vsub.f32 v7, v2  }
0x201: {  	vm15 =	vgt.f32 v7, v2;
	v3 =	vadd.f32 @p1 v5, v3;
	v4 =	vadd.f32 @p1 v6, v4  }
0x202: {  	v63 =	vsel vm15, $0x3F800000, v0  }
0x203: {  	v2 =	vpsel p1, v3, v1;
	v3 =	vpsel p1, v4, v1;
	v1 =	vnsel vm15, $0x0, v62  }
0x204: {  	v1 =	vadd.f32 v1, v2;
	v2 =	vadd.f32 v63, v3  }
.LBB2_64:
0x205: {  	_ = 	snop  }
0x206: {  	(xrf2) =	vadd.scan.msk.f32 $0xffff, v1;
	_ =	sdelay $0x5  }
0x207: {  	(xrf2) =	vadd.scan.msk.f32 $0xffff, v2;
	_ =	sdelay $0x3  }
0x208: {  	v1, _, _ =	vpop (xrf2)  }
0x209: {  	(v2sf) =	vpush v1, $0xF;
	_ =	sdelay $0x4  }
0x20a: {  	v1, _, _ =	vpop (xrf2)  }
0x20b: {  	v1 =	vbroadcast v1, $0xF;
	_ =	sdelay $0x1  }
0x20c: {  	(erf) = vrcp.f32 v1;
	_ =	sdelay $0x6  }
0x20d: {  	s21 =	spop (v2sf)  }
0x20e: {  	s21 =	sadd.f32 $-1.000000000e+00, s21  }
0x20f: {  	v1 =	vpop (erf)  }
0x210: {  	v1 =	vmul.f32 s21, v1;
	_ =	sdelay $0x1  }
0x211: {  	(xrf0) =	vmax.scan.msk.f32 $0xffff, v1;
	_ =	sdelay $0x5  }
0x212: {  	v1, _, _ =	vpop (xrf0)  }
0x213: {  	(v2sf) =	vpush v1, $0xF;
	_ =	sdelay $0xe  }
0x214: {  	s30 =	spop (v2sf)  }
0x215: {  	s21 =	sadd.f32 s30, s19  }
0x216: {  	p1 =	sgt.u32 s20, $0x26  }
0x217: {  	p2 =	slt.f32 @!p1 s21, s19;
	p3 =	sgt.f32 @!p1 s21, s19  }
0x218: {  	_ = 	snop  }
0x219: {  	p2 =	por @!p1 p3, p2  }
0x21a: {  	p1 =	por p1, !p2  }
.Ltmp30:
0x21b: {  	_ = 	snop;
	(pc) =	sbr.rel @p1 .LBB2_56-.Ltmp30, $2  }
0x21c: {  	_ =	sdelay $0x2  }
0x21d: {  	s20 =	sadd.s32 $0x1, s20;
	s19 =	smov.u32 s21  }
.LBB2_53:
.Ltmp31:
0x21e: {  	(pc) =	sbr.rel @!p0 .LBB2_64-.Ltmp31, $2  }
0x21f: {  	_ =	sdelay $0x2  }
0x220: {  	v1 =	vimm.f32 $0.0e+00;
	v2 =	vimm.f32 $0.0e+00  }
0x221: {  	s21 =	sld [smem:$0x0];
	_ =	sdelay $0x2  }
0x222: {  	s21 =	sshll.u32 s21, $0x6  }
0x223: {  	p2 =	sne.s32 s18, $0x1;
	s22 =	sshra.s32 s21, $0x2  }
.Ltmp32:
0x224: {  	v7 =	vld [tilespmem:s22+$0x0];
	(pc) =	sbr.rel @!p2 .LBB2_55-.Ltmp32, $2  }
0x225: {  	_ =	sdelay $0x2  }
0x226: {  	v2 =	vmov s19;
	v1 =	vimm.f32 $0.0e+00;
	p1 =	por $0x0, $0x0;
	s21 =	sadd.s32 $0xFFFFFFFF, s18  }
0x227: {  	s22 =	sld [smem:$0x1];
	p2 =	sne.s32 s21, $0x1  }
.Ltmp33:
0x228: {  	_ = 	snop;
	(pc) =	sbr.rel @!p2 .LBB2_60-.Ltmp33, $4  }
0x229: {  	_ = 	snop  }
0x22a: {  	s22 =	sshll.u32 s22, $0x6  }
0x22b: {  	v5 =	vsub.f32 v7, v2;
	s22 =	sshra.s32 s22, $0x2  }
0x22c: {  	s21 =	sadd.s32 $0xFFFFFFFF, s21;
	vm0 =	vgt.f32 v7, v2;
	p1 =	por $0x1, $0x1;
	v3 =	vimm.f32 $0.0e+00;
	v4 =	vimm.f32 $0.0e+00;
	v6 =	vld [tilespmem:s22+$0x0];
	s22 =	simm.s32 $0x2  }
.LBB2_61:
0x22d: {  	s23 =	sld [smem:s22+$0x0];
	p2 =	sne.s32 s21, $0x1;
	s21 =	sadd.s32 $0xFFFFFFFF, s21;
	v5 =	vnsel vm0, $0x0, v5;
	v7 =	vsel vm0, $0x3F800000, v0  }
.Ltmp34:
0x22e: {  	v3 =	vadd.f32 v5, v3;
	v4 =	vadd.f32 v7, v4;
	(pc) =	sbr.rel @p2 .LBB2_61-.Ltmp34, $4  }
0x22f: {  	_ = 	snop  }
0x230: {  	s23 =	sshll.u32 s23, $0x6  }
0x231: {  	s23 =	sshra.s32 s23, $0x2;
	v5 =	vsub.f32 v6, v2  }
0x232: {  	s22 =	sadd.s32 $0x1, s22;
	vm0 =	vgt.f32 v6, v2;
	v6 =	vld [tilespmem:s23+$0x0]  }
.Ltmp35:
0x233: {  	_ = 	snop;
	(pc) =	sbr.rel .LBB2_63-.Ltmp35, $2  }
0x234: {  	_ =	sdelay $0x2  }
0x235: {  	v7 =	vmov v6  }
.LBB2_60:
.Ltmp36:
0x236: {  	_ = 	snop;
	(pc) =	sbr.rel .LBB2_63-.Ltmp36, $2  }
0x237: {  	_ =	sdelay $0x2  }
0x238: {  	v3 =	vimm.f32 $0.0e+00;
	v4 =	vimm.f32 $0.0e+00;
	v7 =	vmov v6  }
.LBB2_56:
.Ltmp37:
0x239: {  	(pc) =	sbr.rel @!p0 .LBB2_70-.Ltmp37, $1  }
0x23a: {  	_ =	sdelay $0x3  }
0x23b: {  	s19 =	sld [smem:$0x0]  }
0x23c: {  	p1 =	sne.s32 s18, $0x1  }
.Ltmp38:
0x23d: {  	_ = 	snop;
	(pc) =	sbr.rel @!p1 .LBB2_58-.Ltmp38, $3  }
0x23e: {  	s19 =	sshll.u32 s19, $0x4  }
0x23f: {  	v2 =	vld [tilespmem:s19+$0x0];
	_ =	sdelay $0x1  }
0x240: {  	v1 =	vmov s21;
	s20 =	sadd.s32 $0xFFFFFFFF, s18;
	p0 =	por $0x0, $0x0  }
0x241: {  	s18 =	sld [smem:$0x1]  }
0x242: {  	p1 =	sne.s32 s20, $0x1  }
.Ltmp39:
0x243: {  	_ = 	snop;
	(pc) =	sbr.rel @!p1 .LBB2_66-.Ltmp39, $3  }
0x244: {  	s18 =	sshll.u32 s18, $0x4  }
0x245: {  	v3 =	vsub.f32 v2, v1;
	v2 =	vld [tilespmem:s18+$0x0];
	_ =	sdelay $0x1  }
0x246: {  	s20 =	sadd.s32 $0xFFFFFFFF, s20;
	s21 =	simm.s32 $0x2;
	p0 =	por $0x1, $0x1;
	v3 =	vmax.f32 v3, $0.0e+00  }
.LBB2_67:
0x247: {  	s22 =	sld [smem:s21+$0x0];
	p1 =	sne.s32 s20, $0x1;
	s20 =	sadd.s32 $0xFFFFFFFF, s20;
	[tilespmem:s19+$0x2000] =	vst v3  }
.Ltmp40:
0x248: {  	s19 =	smov.u32 s18;
	(pc) =	sbr.rel @p1 .LBB2_67-.Ltmp40, $4  }
0x249: {  	_ = 	snop  }
0x24a: {  	s18 =	sshll.u32 s22, $0x4;
	v3 =	vsub.f32 v2, v1  }
0x24b: {  	v2 =	vld [tilespmem:s18+$0x0]  }
0x24c: {  	s21 =	sadd.s32 $0x1, s21;
	v3 =	vmax.f32 v3, $0.0e+00  }
.Ltmp41:
0x24d: {  	(pc) =	sbr.rel .LBB2_69-.Ltmp41, $2  }
0x24e: {  	_ =	sdelay $0x2  }
0x24f: {  	s20 =	smov.u32 s19;
	s19 =	smov.u32 s18  }
.LBB2_22:
.Ltmp42:
0x250: {  	(pc) =	sbr.rel .LBB2_27-.Ltmp42, $2  }
0x251: {  	_ =	sdelay $0x2  }
0x252: {  	v3 =	vimm.f32 $0.0e+00;
	v4 =	vimm.f32 $0.0e+00  }
.LBB2_30:
.Ltmp43:
0x253: {  	(pc) =	sbr.rel .LBB2_35-.Ltmp43, $2  }
0x254: {  	_ =	sdelay $0x2  }
0x255: {  	v4 =	vimm.f32 $0.0e+00;
	v5 =	vimm.f32 $0.0e+00  }
.LBB2_38:
.Ltmp44:
0x256: {  	(pc) =	sbr.rel .LBB2_43-.Ltmp44, $2  }
0x257: {  	_ =	sdelay $0x2  }
0x258: {  	v3 =	vimm.f32 $0.0e+00;
	v4 =	vimm.f32 $0.0e+00  }
.LBB2_46:
.Ltmp45:
0x259: {  	(pc) =	sbr.rel .LBB2_51-.Ltmp45, $2  }
0x25a: {  	_ =	sdelay $0x2  }
0x25b: {  	v3 =	vimm.f32 $0.0e+00;
	v4 =	vimm.f32 $0.0e+00  }
.LBB2_24:
.Ltmp46:
0x25c: {  	_ = 	snop;
	(pc) =	sbr.rel .LBB2_27-.Ltmp46, $2  }
0x25d: {  	_ =	sdelay $0x2  }
0x25e: {  	v3 =	vimm.f32 $0.0e+00;
	v4 =	vimm.f32 $0.0e+00;
	v7 =	vmov v6  }
.LBB2_32:
.Ltmp47:
0x25f: {  	_ = 	snop;
	(pc) =	sbr.rel .LBB2_35-.Ltmp47, $2  }
0x260: {  	_ =	sdelay $0x2  }
0x261: {  	v4 =	vimm.f32 $0.0e+00;
	v5 =	vimm.f32 $0.0e+00;
	v8 =	vmov v7  }
.LBB2_40:
.Ltmp48:
0x262: {  	_ = 	snop;
	(pc) =	sbr.rel .LBB2_43-.Ltmp48, $2  }
0x263: {  	_ =	sdelay $0x2  }
0x264: {  	v3 =	vimm.f32 $0.0e+00;
	v4 =	vimm.f32 $0.0e+00;
	v7 =	vmov v6  }
.LBB2_48:
.Ltmp49:
0x265: {  	_ = 	snop;
	(pc) =	sbr.rel .LBB2_51-.Ltmp49, $2  }
0x266: {  	_ =	sdelay $0x2  }
0x267: {  	v3 =	vimm.f32 $0.0e+00;
	v4 =	vimm.f32 $0.0e+00;
	v7 =	vmov v6  }
.LBB2_66:
.Ltmp50:
0x268: {  	(pc) =	sbr.rel .LBB2_69-.Ltmp50, $2  }
0x269: {  	_ =	sdelay $0x2  }
0x26a: {  	s20 =	smov.u32 s19;
	s19 =	smov.u32 s18  }
.LBB2_14:
.Ltmp51:
0x26b: {  	(pc) =	sbr.rel .LBB2_19-.Ltmp51, $2  }
0x26c: {  	_ =	sdelay $0x2  }
0x26d: {  	v4 =	vimm.f32 $0.0e+00;
	v5 =	vimm.f32 $0.0e+00  }
.LBB2_16:
.Ltmp52:
0x26e: {  	_ = 	snop;
	(pc) =	sbr.rel .LBB2_19-.Ltmp52, $2  }
0x26f: {  	_ =	sdelay $0x2  }
0x270: {  	v4 =	vimm.f32 $0.0e+00;
	v5 =	vimm.f32 $0.0e+00;
	v8 =	vmov v7  }
.LBB2_71:
0x271: {  	_ =	sfence.sel $0x180000  }
0x272: {  	[bflag:$0x0] =	sbarrier.arrive $0xFFFF  }
0x273: {  	_ =	strace $0x90000047  }
0x274: {  	s0 =	stileid.u32;
	[bflag:$0x2] =	sbarrier.arrive $0xFFFF  }
0x275: {  	p0 =	sne.s32 s0, $0x0;
	s0 =	rddreg [dreg:$0x2]  }
0x276: {  	s0 =	sadd.s32 @!p0 $0x100000, s0  }
0x277: {  	[sflag:s0] =	ssyncadd.tile.s32 @!p0 $0x1;
	_ =	shalt  }
.Lfunc_end2:
_tile_overlayer_lowered:
.L_overlay_start_2:
0x278: {  	(tag) =	ssettag $0x2  }
0x279: {  	s0 =	rddreg [dreg:$0x0];
	s2 =	stileid.u32  }
0x27a: {  	s1 =	rddreg [dreg:$0x1];
	p0 =	sne.s32 s2, $0x0  }
0x27b: {  	s3 =	rddreg [dreg:$0x2];
	[bflag:$0x3] =	sbarrier.arrive $0xFFFF;
	s2 =	simm.s32 @!p0 $0x1C02  }
0x27c: {  	[timem:s3], [sflag:s2] =	dma.local @!p0 [hbm:s0], s1  }
0x27d: {  	s0 =	simm.s32 @!p0 $0x2  }
0x27e: {  	_ =	swait.ge @!p0 [sflag:s0], s1  }
0x27f: {  	s1 =	ssub.s32 @!p0 $0x0, s1;
	[sflag:s0] =	ssyncset.done @!p0 $0x0  }
0x280: {  	[sflag:s0] =	ssyncadd.s32 @!p0 s1  }
0x281: {  	[bflag:$0x3] =	sbarrier.arrive $0xFFFF  }
0x282: {  	_ =	shalt  }

</sc_bundles>
